<compile_context>
chip_gen: v7x
topology: tpu7x:2x2x1
jax: 0.10.2.dev20260603
libtpu: 0.0.44.dev20260713+nightly
codegen_flags: <defaults>
</compile_context>

<pallas_src>
import jax
import jax.numpy as jnp
from jax import lax
from jax.experimental import pallas as pl
from jax.experimental.pallas import tpu as pltpu
from jax.experimental.pallas import tpu_sc as plsc

N = 20000
MAX_DET = 300
CONF_THRES = 0.25
IOU_THRES = 0.5

L = 16
NSUB = 16
SLICE = 1264
CH = SLICE // L
NPAD = NSUB * SLICE
KMAX = 6
OROW = 304
OUTW = 8 * OROW
BIG = 3e7
NEG = -1e30


def _sc_nms(x1h, y1h, x2h, y2h, obh, brh, outh,
            sx1, sy1, sx2, sy2, sob, sbr,
            bx1, by1, bx2, by2, bsc, bidx,
            recv, allv, outv, stage):
    c = lax.axis_index("c")
    s = lax.axis_index("s")
    is_writer = jnp.logical_and(c == 0, s == 0)
    base = s * SLICE
    lane = lax.iota(jnp.int32, L)
    lanef = lane.astype(jnp.float32)
    zeros16 = jnp.zeros((L,), jnp.float32)
    neg_inf = jnp.float32(-jnp.inf)

    pltpu.sync_copy(x1h.at[pl.ds(base, SLICE)], sx1)
    pltpu.sync_copy(y1h.at[pl.ds(base, SLICE)], sy1)
    pltpu.sync_copy(x2h.at[pl.ds(base, SLICE)], sx2)
    pltpu.sync_copy(y2h.at[pl.ds(base, SLICE)], sy2)
    pltpu.sync_copy(obh.at[pl.ds(base, SLICE)], sob)
    pltpu.sync_copy(brh.at[pl.ds(base, SLICE)], sbr)

    def _pre(k, carry):
        bsc[pl.ds(k * L, L)] = jnp.full((L,), neg_inf)
        return carry

    lax.fori_loop(0, CH, _pre, 0)

    def _zo(k, carry):
        outv[pl.ds(k * L, L)] = zeros16
        return carry

    lax.fori_loop(0, OUTW // L, _zo, 0)

    basef = base.astype(jnp.float32)

    def _cmp(j, off):
        o = sob[pl.ds(j * L, L)]
        b = sbr[pl.ds(j * L, L)]
        sco = jnp.clip(o, 0.0, 1.0) * jnp.clip(b, 0.0, 1.0)
        alive = sco >= CONF_THRES
        x1v = sx1[pl.ds(j * L, L)]
        y1v = sy1[pl.ds(j * L, L)]
        x2v = sx2[pl.ds(j * L, L)]
        y2v = sy2[pl.ds(j * L, L)]
        idxf = basef + (j * L).astype(jnp.float32) + lanef
        cs = jnp.cumsum(alive.astype(jnp.int32))
        tgt = off + cs - 1
        plsc.store_scatter(bx1, [tgt], x1v, mask=alive)
        plsc.store_scatter(by1, [tgt], y1v, mask=alive)
        plsc.store_scatter(bx2, [tgt], x2v, mask=alive)
        plsc.store_scatter(by2, [tgt], y2v, mask=alive)
        plsc.store_scatter(bsc, [tgt], sco, mask=alive)
        plsc.store_scatter(bidx, [tgt], idxf, mask=alive)
        return off + jnp.max(cs)

    na = lax.fori_loop(0, CH, _cmp, jnp.int32(0))
    nch = (na + (L - 1)) // L

    deg = (jnp.float32(2e9), jnp.float32(2e9),
           jnp.float32(-2e9), jnp.float32(-2e9))

    def _round(carry):
        w, done, rnd, wins = carry

        was = tuple((ww[2] - ww[0]) * (ww[3] - ww[1]) for ww in wins)

        init = (jnp.full((L,), neg_inf), zeros16,
                jnp.full((L,), neg_inf), zeros16)

        def _pass(j, st):
            bs1, bp1, bs2, bp2 = st
            x1v = bx1[pl.ds(j * L, L)]
            y1v = by1[pl.ds(j * L, L)]
            x2v = bx2[pl.ds(j * L, L)]
            y2v = by2[pl.ds(j * L, L)]
            scv = bsc[pl.ds(j * L, L)]
            arv = (x2v - x1v) * (y2v - y1v)
            sup = None
            for t in range(KMAX):
                wx1, wy1, wx2, wy2 = wins[t]
                xx1 = jnp.maximum(wx1, x1v)
                yy1 = jnp.maximum(wy1, y1v)
                xx2 = jnp.minimum(wx2, x2v)
                yy2 = jnp.minimum(wy2, y2v)
                inter = (jnp.maximum(xx2 - xx1, 0.0)
                         * jnp.maximum(yy2 - yy1, 0.0))
                iou = inter / jnp.maximum(was[t] + arv - inter, 1e-9)
                st_ = iou >= IOU_THRES
                sup = st_ if sup is None else jnp.logical_or(sup, st_)
            sc2 = jnp.where(sup, neg_inf, scv)
            bsc[pl.ds(j * L, L)] = sc2
            posv = (j * L).astype(jnp.float32) + lanef
            upd1 = sc2 > bs1
            upd2 = jnp.logical_and(jnp.logical_not(upd1), sc2 > bs2)
            bs2 = jnp.where(upd1, bs1, jnp.where(upd2, sc2, bs2))
            bp2 = jnp.where(upd1, bp1, jnp.where(upd2, posv, bp2))
            bs1 = jnp.where(upd1, sc2, bs1)
            bp1 = jnp.where(upd1, posv, bp1)
            return (bs1, bp1, bs2, bp2)

        bs1, bp1, bs2, bp2 = plsc.parallel_loop(
            0, nch, unroll=4, carry=init)(_pass)

        m1 = jnp.max(bs1)
        p1 = jnp.min(jnp.where(bs1 == m1, bp1, BIG))
        sel1 = jnp.logical_and(bs1 == m1, bp1 == p1)
        c2v = jnp.where(sel1, bs2, bs1)
        c2p = jnp.where(sel1, bp2, bp1)
        m2 = jnp.max(c2v)
        p2 = jnp.min(jnp.where(c2v == m2, c2p, BIG))

        r1 = jnp.full((L,), 0, jnp.int32) + p1.astype(jnp.int32)
        r2 = jnp.full((L,), 0, jnp.int32) + p2.astype(jnp.int32)
        recA = jnp.where(lane == 0, m1,
               jnp.where(lane == 1, plsc.load_gather(bidx, [r1]),
               jnp.where(lane == 2, plsc.load_gather(bx1, [r1]),
               jnp.where(lane == 3, plsc.load_gather(by1, [r1]),
               jnp.where(lane == 4, plsc.load_gather(bx2, [r1]),
               jnp.where(lane == 5, plsc.load_gather(by2, [r1]), 0.0))))))
        recB = jnp.where(lane == 0, m2,
               jnp.where(lane == 1, plsc.load_gather(bidx, [r2]),
               jnp.where(lane == 2, plsc.load_gather(bx1, [r2]),
               jnp.where(lane == 3, plsc.load_gather(by1, [r2]),
               jnp.where(lane == 4, plsc.load_gather(bx2, [r2]),
               jnp.where(lane == 5, plsc.load_gather(by2, [r2]), 0.0))))))
        recv[pl.ds(0, L)] = recA
        recv[pl.ds(L, L)] = recB
        ph = lax.rem(rnd, 2) + 6
        pltpu.sync_copy(recv, stage.at[ph, s])
        plsc.subcore_barrier()
        pltpu.sync_copy(stage.at[ph], allv)

        def g(f):
            return plsc.load_gather(allv, [lane, jnp.full((L,), f, jnp.int32)])

        sA = g(0)
        idA = g(1)
        xA1 = g(2)
        yA1 = g(3)
        xA2 = g(4)
        yA2 = g(5)
        sB = g(16)
        idB = g(17)
        xB1 = g(18)
        yB1 = g(19)
        xB2 = g(20)
        yB2 = g(21)
        arA = (xA2 - xA1) * (yA2 - yA1)
        arB = (xB2 - xB1) * (yB2 - yB1)

        bound = neg_inf
        m0 = jnp.maximum(jnp.max(sA), jnp.max(sB))
        wc = w
        new_wins = []
        for t in range(KMAX):
            pickA = sA >= sB
            sM = jnp.where(pickA, sA, sB)
            idM = jnp.where(pickA, idA, idB)
            xM1 = jnp.where(pickA, xA1, xB1)
            yM1 = jnp.where(pickA, yA1, yB1)
            xM2 = jnp.where(pickA, xA2, xB2)
            yM2 = jnp.where(pickA, yA2, yB2)
            m = jnp.max(sM)
            valid = jnp.logical_and(m > neg_inf, m > bound)
            wi = jnp.min(jnp.where(sM == m, idM, BIG))
            selM = jnp.logical_and(sM == m, idM == wi)
            wx1 = jnp.max(jnp.where(selM, xM1, NEG))
            wy1 = jnp.max(jnp.where(selM, yM1, NEG))
            wx2 = jnp.max(jnp.where(selM, xM2, NEG))
            wy2 = jnp.max(jnp.where(selM, yM2, NEG))
            wa = (wx2 - wx1) * (wy2 - wy1)

            def kio(x1v, y1v, x2v, y2v, arv):
                xx1 = jnp.maximum(wx1, x1v)
                yy1 = jnp.maximum(wy1, y1v)
                xx2 = jnp.minimum(wx2, x2v)
                yy2 = jnp.minimum(wy2, y2v)
                inter = (jnp.maximum(xx2 - xx1, 0.0)
                         * jnp.maximum(yy2 - yy1, 0.0))
                return inter / jnp.maximum(wa + arv - inter, 1e-9)

            supA = jnp.logical_and(kio(xA1, yA1, xA2, yA2, arA) >= IOU_THRES,
                                   valid)
            supB = jnp.logical_and(kio(xB1, yB1, xB2, yB2, arB) >= IOU_THRES,
                                   valid)
            dB = jnp.logical_and(supB, sB > neg_inf)
            bound = jnp.maximum(bound, jnp.max(jnp.where(dB, sB, neg_inf)))
            sA = jnp.where(supA, neg_inf, sA)
            sB = jnp.where(supB, neg_inf, sB)

            wm = jnp.logical_and(
                jnp.logical_and(jnp.logical_and(is_writer, valid), lane == 0),
                wc < MAX_DET)
            mval = jnp.where(valid, m, jnp.float32(0.0))
            ox1 = jnp.where(valid, wx1, jnp.float32(0.0))
            oy1 = jnp.where(valid, wy1, jnp.float32(0.0))
            ox2 = jnp.where(valid, wx2, jnp.float32(0.0))
            oy2 = jnp.where(valid, wy2, jnp.float32(0.0))
            for fld, v in enumerate((ox1, oy1, ox2, oy2, mval)):
                plsc.store_scatter(
                    outv, [jnp.full((L,), fld * OROW, jnp.int32) + wc],
                    v + zeros16, mask=wm)
            wc = wc + valid.astype(jnp.int32)
            new_wins.append((
                jnp.where(valid, wx1, deg[0]),
                jnp.where(valid, wy1, deg[1]),
                jnp.where(valid, wx2, deg[2]),
                jnp.where(valid, wy2, deg[3]),
            ))

        done2 = jnp.logical_not(m0 > neg_inf)
        return (wc, done2, rnd + 1, tuple(new_wins))

    def _cond(carry):
        w, done, rnd, wins = carry
        return jnp.logical_and(w < MAX_DET, jnp.logical_not(done))

    carry0 = (jnp.int32(0), jnp.bool_(False), jnp.int32(0),
              tuple(deg for _ in range(KMAX)))
    lax.while_loop(_cond, _round, carry0)

    @pl.when(is_writer)
    def _flush():
        pltpu.sync_copy(outv, outh)


@jax.jit
def _run(x1, y1, x2, y2, ob, br):
    mesh = plsc.VectorSubcoreMesh(core_axis_name="c", subcore_axis_name="s")
    f = pl.kernel(
        _sc_nms,
        mesh=mesh,
        out_type=jax.ShapeDtypeStruct((OUTW,), jnp.float32),
        compiler_params=pltpu.CompilerParams(needs_layout_passes=False),
        scratch_types=[
            pltpu.VMEM((SLICE,), jnp.float32),
            pltpu.VMEM((SLICE,), jnp.float32),
            pltpu.VMEM((SLICE,), jnp.float32),
            pltpu.VMEM((SLICE,), jnp.float32),
            pltpu.VMEM((SLICE,), jnp.float32),
            pltpu.VMEM((SLICE,), jnp.float32),
            pltpu.VMEM((SLICE,), jnp.float32),
            pltpu.VMEM((SLICE,), jnp.float32),
            pltpu.VMEM((SLICE,), jnp.float32),
            pltpu.VMEM((SLICE,), jnp.float32),
            pltpu.VMEM((SLICE,), jnp.float32),
            pltpu.VMEM((SLICE,), jnp.float32),
            pltpu.VMEM((2 * L,), jnp.float32),
            pltpu.VMEM((NSUB, 2 * L), jnp.float32),
            pltpu.VMEM((OUTW,), jnp.float32),
            pltpu.VMEM_SHARED((8, NSUB, 2 * L), jnp.float32),
        ],
    )
    return f(x1, y1, x2, y2, ob, br)


def kernel(boxes, objectness, breed_conf):
    pad = NPAD - N
    x1 = jnp.pad(boxes[:, 0], (0, pad))
    y1 = jnp.pad(boxes[:, 1], (0, pad))
    x2 = jnp.pad(boxes[:, 2], (0, pad))
    y2 = jnp.pad(boxes[:, 3], (0, pad))
    ob = jnp.pad(objectness, (0, pad))
    br = jnp.pad(breed_conf, (0, pad))
    out = _run(x1, y1, x2, y2, ob, br)
    return out.reshape(8, OROW)[:5, :MAX_DET].T

# --- scband reference (transcript-rebuilt; emitter-appended) ---
"""Pipeline reference for scband-roi-v2-hybrid-experiment-model-39539468927568 (READ-ONLY COPY).

The authoritative reference and input builder live on the scoring server;
editing this copy changes nothing except your own understanding.
"""

import jax, jax.numpy as jnp
import numpy as np

N = 20000
MAX_DET = 300
CONF_THRES = 0.25
IOU_THRES = 0.5


def setup_inputs(seed: int = 0) -> dict:
    key = jax.random.key(seed)
    k1, k2, k3 = jax.random.split(key, 3)
    r = jax.random.uniform(k1, (N, 4), dtype=jnp.float32)
    x1 = r[:, 0] * 512.0
    y1 = r[:, 1] * 512.0
    x2 = x1 + r[:, 2] * 128.0 + 1.0
    y2 = y1 + r[:, 3] * 128.0 + 1.0
    boxes = jnp.stack([x1, y1, x2, y2], axis=1)
    objectness = jax.random.uniform(k2, (N,), dtype=jnp.float32)
    breed_conf = jax.random.uniform(k3, (N,), dtype=jnp.float32)
    return {"boxes": boxes, "objectness": objectness, "breed_conf": breed_conf}


def _nms_indices(boxes, scores):
    # Greedy class-agnostic NMS (faithful to nms_keep_indices used in _post_relabel_nms).
    areas = (boxes[:, 2] - boxes[:, 0]) * (boxes[:, 3] - boxes[:, 1])

    def body(i, state):
        s, keep, valid = state
        idx = jnp.argmax(s)
        ok = s[idx] > -jnp.inf
        box = boxes[idx]
        xx1 = jnp.maximum(box[0], boxes[:, 0])
        yy1 = jnp.maximum(box[1], boxes[:, 1])
        xx2 = jnp.minimum(box[2], boxes[:, 2])
        yy2 = jnp.minimum(box[3], boxes[:, 3])
        inter = jnp.maximum(xx2 - xx1, 0.0) * jnp.maximum(yy2 - yy1, 0.0)
        union = areas[idx] + areas - inter
        iou = inter / jnp.maximum(union, 1e-9)
        suppress = ok & (iou >= IOU_THRES)
        s = jnp.where(suppress, -jnp.inf, s)
        s = jnp.where(ok, s.at[idx].set(-jnp.inf), s)
        keep = keep.at[i].set(jnp.where(ok, idx, 0).astype(jnp.int32))
        valid = valid.at[i].set(ok)
        return (s, keep, valid)

    init = (scores, jnp.zeros((MAX_DET,), dtype=jnp.int32), jnp.zeros((MAX_DET,), dtype=bool))
    _, keep, valid = jax.lax.fori_loop(0, MAX_DET, body, init)
    return keep, valid


def reference(boxes, objectness, breed_conf):
    # score composition: _compose_final_confidence with score_policy='obj_x_breed'
    obj = jnp.clip(objectness, 0.0, 1.0)
    br = jnp.clip(breed_conf, 0.0, 1.0)
    scores = obj * br
    # confidence threshold filter (conf_thres) from _post_relabel_nms
    masked = jnp.where(scores >= CONF_THRES, scores, -jnp.inf)
    keep, valid = _nms_indices(jax.lax.stop_gradient(boxes), jax.lax.stop_gradient(masked))
    # greedy NMS emits indices in descending-score order, matching the sorted()[:max_det] step
    kept_boxes = jnp.take(boxes, keep, axis=0)
    kept_scores = jnp.take(scores, keep, axis=0)
    m = valid.astype(boxes.dtype)
    return jnp.concatenate([kept_boxes * m[:, None], (kept_scores * m)[:, None]], axis=1)

if __name__ == "__main__":
    import jax
    _d = setup_inputs()
    print(jax.jit(kernel)(*tuple(_d.values())))

</pallas_src>

<mosaic_0001>
#map = affine_map<(d0, d1) -> (0)>
module attributes {stable_mosaic.version = 14 : i64} {
  func.func @_sc_nms(%arg0: i32, %arg1: i32, %arg2: memref<20224xf32, #tpu.memory_space<hbm>>, %arg3: memref<20224xf32, #tpu.memory_space<hbm>>, %arg4: memref<20224xf32, #tpu.memory_space<hbm>>, %arg5: memref<20224xf32, #tpu.memory_space<hbm>>, %arg6: memref<20224xf32, #tpu.memory_space<hbm>>, %arg7: memref<20224xf32, #tpu.memory_space<hbm>>, %arg8: memref<2432xf32, #tpu.memory_space<hbm>>, %arg9: memref<1264xf32, #tpu.memory_space<vmem>>, %arg10: memref<1264xf32, #tpu.memory_space<vmem>>, %arg11: memref<1264xf32, #tpu.memory_space<vmem>>, %arg12: memref<1264xf32, #tpu.memory_space<vmem>>, %arg13: memref<1264xf32, #tpu.memory_space<vmem>>, %arg14: memref<1264xf32, #tpu.memory_space<vmem>>, %arg15: memref<1264xf32, #tpu.memory_space<vmem>>, %arg16: memref<1264xf32, #tpu.memory_space<vmem>>, %arg17: memref<1264xf32, #tpu.memory_space<vmem>>, %arg18: memref<1264xf32, #tpu.memory_space<vmem>>, %arg19: memref<1264xf32, #tpu.memory_space<vmem>>, %arg20: memref<1264xf32, #tpu.memory_space<vmem>>, %arg21: memref<32xf32, #tpu.memory_space<vmem>>, %arg22: memref<16x32xf32, #tpu.memory_space<vmem>>, %arg23: memref<2432xf32, #tpu.memory_space<vmem>>, %arg24: memref<8x16x32xf32, #tpu.memory_space<vmem_shared>>) attributes {dimension_semantics = [#tpu.dimension_semantics<core_parallel>, #tpu.dimension_semantics<subcore_parallel>], iteration_bounds = array<i64: 2, 16>, scalar_prefetch = 0 : i64, scratch_operands = 16 : i64, tpu.core_type = #tpu.core_type<sc_vector_subcore>, window_params = [{transform_indices = #map}, {transform_indices = #map}, {transform_indices = #map}, {transform_indices = #map}, {transform_indices = #map}, {transform_indices = #map}, {transform_indices = #map}]} {
    %eq3A = arith.constant 0 : i32
    %eq3A_0 = arith.cmpi eq, %arg0, %eq3A : i32
    %eq3A_1 = arith.constant 0 : i32
    %eq3A_2 = arith.cmpi eq, %arg1, %eq3A_1 : i32
    %and3A = arith.andi %eq3A_0, %eq3A_2 : i1
    %mul3A = arith.constant 1264 : i32
    %mul3A_3 = arith.muli %arg1, %mul3A : i32
    %iota3A = tpu.iota {dimensions = array<i32: 0>} : vector<16xi32>
    %convert_element_type3A = arith.sitofp %iota3A : vector<16xi32> to vector<16xf32>
    %broadcast_in_dim3A = arith.constant 0.000000e+00 : f32
    %broadcast_in_dim3A_4 = vector.broadcast %broadcast_in_dim3A : f32 to vector<16xf32>
    "tpu.region"() ({
      %run_scoped3A = tpu.sem_alloc : memref<!tpu.dma_semaphore, #tpu.memory_space<semaphore_mem>>
      %dma_start3A = tpu.memref_slice %arg2[%mul3A_3] : memref<20224xf32, #tpu.memory_space<hbm>> -> memref<1264xf32, #tpu.memory_space<hbm>>
      %dma_start3A_77 = tpu.memref_slice %arg2[%mul3A_3] : memref<20224xf32, #tpu.memory_space<hbm>> -> memref<1264xf32, #tpu.memory_space<hbm>>
      tpu.enqueue_dma source(%dma_start3A_77 : memref<1264xf32, #tpu.memory_space<hbm>>) target(%arg9 : memref<1264xf32, #tpu.memory_space<vmem>>) target_semaphore(%run_scoped3A : memref<!tpu.dma_semaphore, #tpu.memory_space<semaphore_mem>>)
      %dma_wait3A = tpu.memref_slice %arg2[%mul3A_3] : memref<20224xf32, #tpu.memory_space<hbm>> -> memref<1264xf32, #tpu.memory_space<hbm>>
      %dma_wait3A_78 = tpu.memref_slice %arg2[%mul3A_3] : memref<20224xf32, #tpu.memory_space<hbm>> -> memref<1264xf32, #tpu.memory_space<hbm>>
      tpu.wait_dma2 semaphore(%run_scoped3A : memref<!tpu.dma_semaphore, #tpu.memory_space<semaphore_mem>>) src(%dma_wait3A_78 : memref<1264xf32, #tpu.memory_space<hbm>>) dst(%arg9 : memref<1264xf32, #tpu.memory_space<vmem>>)
      tpu.yield
    }) : () -> ()
    "tpu.region"() ({
      %run_scoped3A = tpu.sem_alloc : memref<!tpu.dma_semaphore, #tpu.memory_space<semaphore_mem>>
      %dma_start3A = tpu.memref_slice %arg3[%mul3A_3] : memref<20224xf32, #tpu.memory_space<hbm>> -> memref<1264xf32, #tpu.memory_space<hbm>>
      %dma_start3A_77 = tpu.memref_slice %arg3[%mul3A_3] : memref<20224xf32, #tpu.memory_space<hbm>> -> memref<1264xf32, #tpu.memory_space<hbm>>
      tpu.enqueue_dma source(%dma_start3A_77 : memref<1264xf32, #tpu.memory_space<hbm>>) target(%arg10 : memref<1264xf32, #tpu.memory_space<vmem>>) target_semaphore(%run_scoped3A : memref<!tpu.dma_semaphore, #tpu.memory_space<semaphore_mem>>)
      %dma_wait3A = tpu.memref_slice %arg3[%mul3A_3] : memref<20224xf32, #tpu.memory_space<hbm>> -> memref<1264xf32, #tpu.memory_space<hbm>>
      %dma_wait3A_78 = tpu.memref_slice %arg3[%mul3A_3] : memref<20224xf32, #tpu.memory_space<hbm>> -> memref<1264xf32, #tpu.memory_space<hbm>>
      tpu.wait_dma2 semaphore(%run_scoped3A : memref<!tpu.dma_semaphore, #tpu.memory_space<semaphore_mem>>) src(%dma_wait3A_78 : memref<1264xf32, #tpu.memory_space<hbm>>) dst(%arg10 : memref<1264xf32, #tpu.memory_space<vmem>>)
      tpu.yield
    }) : () -> ()
    "tpu.region"() ({
      %run_scoped3A = tpu.sem_alloc : memref<!tpu.dma_semaphore, #tpu.memory_space<semaphore_mem>>
      %dma_start3A = tpu.memref_slice %arg4[%mul3A_3] : memref<20224xf32, #tpu.memory_space<hbm>> -> memref<1264xf32, #tpu.memory_space<hbm>>
      %dma_start3A_77 = tpu.memref_slice %arg4[%mul3A_3] : memref<20224xf32, #tpu.memory_space<hbm>> -> memref<1264xf32, #tpu.memory_space<hbm>>
      tpu.enqueue_dma source(%dma_start3A_77 : memref<1264xf32, #tpu.memory_space<hbm>>) target(%arg11 : memref<1264xf32, #tpu.memory_space<vmem>>) target_semaphore(%run_scoped3A : memref<!tpu.dma_semaphore, #tpu.memory_space<semaphore_mem>>)
      %dma_wait3A = tpu.memref_slice %arg4[%mul3A_3] : memref<20224xf32, #tpu.memory_space<hbm>> -> memref<1264xf32, #tpu.memory_space<hbm>>
      %dma_wait3A_78 = tpu.memref_slice %arg4[%mul3A_3] : memref<20224xf32, #tpu.memory_space<hbm>> -> memref<1264xf32, #tpu.memory_space<hbm>>
      tpu.wait_dma2 semaphore(%run_scoped3A : memref<!tpu.dma_semaphore, #tpu.memory_space<semaphore_mem>>) src(%dma_wait3A_78 : memref<1264xf32, #tpu.memory_space<hbm>>) dst(%arg11 : memref<1264xf32, #tpu.memory_space<vmem>>)
      tpu.yield
    }) : () -> ()
    "tpu.region"() ({
      %run_scoped3A = tpu.sem_alloc : memref<!tpu.dma_semaphore, #tpu.memory_space<semaphore_mem>>
      %dma_start3A = tpu.memref_slice %arg5[%mul3A_3] : memref<20224xf32, #tpu.memory_space<hbm>> -> memref<1264xf32, #tpu.memory_space<hbm>>
      %dma_start3A_77 = tpu.memref_slice %arg5[%mul3A_3] : memref<20224xf32, #tpu.memory_space<hbm>> -> memref<1264xf32, #tpu.memory_space<hbm>>
      tpu.enqueue_dma source(%dma_start3A_77 : memref<1264xf32, #tpu.memory_space<hbm>>) target(%arg12 : memref<1264xf32, #tpu.memory_space<vmem>>) target_semaphore(%run_scoped3A : memref<!tpu.dma_semaphore, #tpu.memory_space<semaphore_mem>>)
      %dma_wait3A = tpu.memref_slice %arg5[%mul3A_3] : memref<20224xf32, #tpu.memory_space<hbm>> -> memref<1264xf32, #tpu.memory_space<hbm>>
      %dma_wait3A_78 = tpu.memref_slice %arg5[%mul3A_3] : memref<20224xf32, #tpu.memory_space<hbm>> -> memref<1264xf32, #tpu.memory_space<hbm>>
      tpu.wait_dma2 semaphore(%run_scoped3A : memref<!tpu.dma_semaphore, #tpu.memory_space<semaphore_mem>>) src(%dma_wait3A_78 : memref<1264xf32, #tpu.memory_space<hbm>>) dst(%arg12 : memref<1264xf32, #tpu.memory_space<vmem>>)
      tpu.yield
    }) : () -> ()
    "tpu.region"() ({
      %run_scoped3A = tpu.sem_alloc : memref<!tpu.dma_semaphore, #tpu.memory_space<semaphore_mem>>
      %dma_start3A = tpu.memref_slice %arg6[%mul3A_3] : memref<20224xf32, #tpu.memory_space<hbm>> -> memref<1264xf32, #tpu.memory_space<hbm>>
      %dma_start3A_77 = tpu.memref_slice %arg6[%mul3A_3] : memref<20224xf32, #tpu.memory_space<hbm>> -> memref<1264xf32, #tpu.memory_space<hbm>>
      tpu.enqueue_dma source(%dma_start3A_77 : memref<1264xf32, #tpu.memory_space<hbm>>) target(%arg13 : memref<1264xf32, #tpu.memory_space<vmem>>) target_semaphore(%run_scoped3A : memref<!tpu.dma_semaphore, #tpu.memory_space<semaphore_mem>>)
      %dma_wait3A = tpu.memref_slice %arg6[%mul3A_3] : memref<20224xf32, #tpu.memory_space<hbm>> -> memref<1264xf32, #tpu.memory_space<hbm>>
      %dma_wait3A_78 = tpu.memref_slice %arg6[%mul3A_3] : memref<20224xf32, #tpu.memory_space<hbm>> -> memref<1264xf32, #tpu.memory_space<hbm>>
      tpu.wait_dma2 semaphore(%run_scoped3A : memref<!tpu.dma_semaphore, #tpu.memory_space<semaphore_mem>>) src(%dma_wait3A_78 : memref<1264xf32, #tpu.memory_space<hbm>>) dst(%arg13 : memref<1264xf32, #tpu.memory_space<vmem>>)
      tpu.yield
    }) : () -> ()
    "tpu.region"() ({
      %run_scoped3A = tpu.sem_alloc : memref<!tpu.dma_semaphore, #tpu.memory_space<semaphore_mem>>
      %dma_start3A = tpu.memref_slice %arg7[%mul3A_3] : memref<20224xf32, #tpu.memory_space<hbm>> -> memref<1264xf32, #tpu.memory_space<hbm>>
      %dma_start3A_77 = tpu.memref_slice %arg7[%mul3A_3] : memref<20224xf32, #tpu.memory_space<hbm>> -> memref<1264xf32, #tpu.memory_space<hbm>>
      tpu.enqueue_dma source(%dma_start3A_77 : memref<1264xf32, #tpu.memory_space<hbm>>) target(%arg14 : memref<1264xf32, #tpu.memory_space<vmem>>) target_semaphore(%run_scoped3A : memref<!tpu.dma_semaphore, #tpu.memory_space<semaphore_mem>>)
      %dma_wait3A = tpu.memref_slice %arg7[%mul3A_3] : memref<20224xf32, #tpu.memory_space<hbm>> -> memref<1264xf32, #tpu.memory_space<hbm>>
      %dma_wait3A_78 = tpu.memref_slice %arg7[%mul3A_3] : memref<20224xf32, #tpu.memory_space<hbm>> -> memref<1264xf32, #tpu.memory_space<hbm>>
      tpu.wait_dma2 semaphore(%run_scoped3A : memref<!tpu.dma_semaphore, #tpu.memory_space<semaphore_mem>>) src(%dma_wait3A_78 : memref<1264xf32, #tpu.memory_space<hbm>>) dst(%arg14 : memref<1264xf32, #tpu.memory_space<vmem>>)
      tpu.yield
    }) : () -> ()
    %scan3A = arith.constant 0 : i32
    %scan3A_5 = arith.constant 0xFF800000 : f32
    %scan3A_6 = arith.constant 0 : i32
    %scan3A_7 = arith.constant 79 : i32
    %scan3A_8 = arith.addi %scan3A_6, %scan3A_7 : i32
    %scan3A_9 = arith.constant 1 : i32
    scf.for %scan3A_77 = %scan3A_6 to %scan3A_8 step %scan3A_9  : i32 {
      %broadcast_in_dim3A_78 = vector.broadcast %scan3A_5 : f32 to vector<16xf32>
      %mul3A_79 = arith.constant 16 : i32
      %mul3A_80 = arith.muli %scan3A_77, %mul3A_79 : i32
      %swap3A = arith.index_cast %mul3A_80 : i32 to index
      %swap3A_81 = tpu.vector_load %arg19[%swap3A] {strides = array<i32>} : memref<1264xf32, #tpu.memory_space<vmem>>, vector<16xf32>,
      tpu.vector_store %arg19[%swap3A], %broadcast_in_dim3A_78 {strides = array<i32>} : memref<1264xf32, #tpu.memory_space<vmem>>, vector<16xf32>,
    }
    %scan3A_10 = arith.constant 79 : i32
    %scan3A_11 = arith.constant 0 : i32
    %scan3A_12 = arith.constant 0 : i32
    %scan3A_13 = arith.constant 152 : i32
    %scan3A_14 = arith.addi %scan3A_12, %scan3A_13 : i32
    %scan3A_15 = arith.constant 1 : i32
    scf.for %scan3A_77 = %scan3A_12 to %scan3A_14 step %scan3A_15  : i32 {
      %mul3A_78 = arith.constant 16 : i32
      %mul3A_79 = arith.muli %scan3A_77, %mul3A_78 : i32
      %swap3A = arith.index_cast %mul3A_79 : i32 to index
      %swap3A_80 = tpu.vector_load %arg23[%swap3A] {strides = array<i32>} : memref<2432xf32, #tpu.memory_space<vmem>>, vector<16xf32>,
      tpu.vector_store %arg23[%swap3A], %broadcast_in_dim3A_4 {strides = array<i32>} : memref<2432xf32, #tpu.memory_space<vmem>>, vector<16xf32>,
    }
    %scan3A_16 = arith.constant 152 : i32
    %convert_element_type3A_17 = arith.sitofp %mul3A_3 : i32 to f32
    %scan3A_18 = arith.constant 0 : i32
    %scan3A_19 = arith.constant 0 : i32
    %scan3A_20 = arith.constant 79 : i32
    %scan3A_21 = arith.addi %scan3A_19, %scan3A_20 : i32
    %scan3A_22 = arith.constant 1 : i32
    %scan3A_23 = scf.for %scan3A_77 = %scan3A_19 to %scan3A_21 step %scan3A_22 iter_args(%scan3A_78 = %scan3A_18) -> (i32)  : i32 {
      %mul3A_79 = arith.constant 16 : i32
      %mul3A_80 = arith.muli %scan3A_77, %mul3A_79 : i32
      %get3A = arith.index_cast %mul3A_80 : i32 to index
      %get3A_81 = tpu.vector_load %arg13[%get3A] {strides = array<i32>} : memref<1264xf32, #tpu.memory_space<vmem>>, vector<16xf32>,
      %mul3A_82 = arith.constant 16 : i32
      %mul3A_83 = arith.muli %scan3A_77, %mul3A_82 : i32
      %get3A_84 = arith.index_cast %mul3A_83 : i32 to index
      %get3A_85 = tpu.vector_load %arg14[%get3A_84] {strides = array<i32>} : memref<1264xf32, #tpu.memory_space<vmem>>, vector<16xf32>,
      %jit3A_86 = arith.constant 0.000000e+00 : f32
      %jit3A_87 = arith.constant 1.000000e+00 : f32
      %max3A = vector.broadcast %jit3A_86 : f32 to vector<16xf32>
      %max3A_88 = arith.maximumf %max3A, %get3A_81 : vector<16xf32>
      %min3A = vector.broadcast %jit3A_87 : f32 to vector<16xf32>
      %min3A_89 = arith.minimumf %min3A, %max3A_88 : vector<16xf32>
      %jit3A_90 = arith.constant 0.000000e+00 : f32
      %jit3A_91 = arith.constant 1.000000e+00 : f32
      %max3A_92 = vector.broadcast %jit3A_90 : f32 to vector<16xf32>
      %max3A_93 = arith.maximumf %max3A_92, %get3A_85 : vector<16xf32>
      %min3A_94 = vector.broadcast %jit3A_91 : f32 to vector<16xf32>
      %min3A_95 = arith.minimumf %min3A_94, %max3A_93 : vector<16xf32>
      %mul3A_96 = arith.mulf %min3A_89, %min3A_95 : vector<16xf32>
      %ge3A = arith.constant 2.500000e-01 : f32
      %ge3A_97 = vector.broadcast %ge3A : f32 to vector<16xf32>
      %ge3A_98 = arith.cmpf oge, %mul3A_96, %ge3A_97 : vector<16xf32>
      %mul3A_99 = arith.constant 16 : i32
      %mul3A_100 = arith.muli %scan3A_77, %mul3A_99 : i32
      %get3A_101 = arith.index_cast %mul3A_100 : i32 to index
      %get3A_102 = tpu.vector_load %arg9[%get3A_101] {strides = array<i32>} : memref<1264xf32, #tpu.memory_space<vmem>>, vector<16xf32>,
      %mul3A_103 = arith.constant 16 : i32
      %mul3A_104 = arith.muli %scan3A_77, %mul3A_103 : i32
      %get3A_105 = arith.index_cast %mul3A_104 : i32 to index
      %get3A_106 = tpu.vector_load %arg10[%get3A_105] {strides = array<i32>} : memref<1264xf32, #tpu.memory_space<vmem>>, vector<16xf32>,
      %mul3A_107 = arith.constant 16 : i32
      %mul3A_108 = arith.muli %scan3A_77, %mul3A_107 : i32
      %get3A_109 = arith.index_cast %mul3A_108 : i32 to index
      %get3A_110 = tpu.vector_load %arg11[%get3A_109] {strides = array<i32>} : memref<1264xf32, #tpu.memory_space<vmem>>, vector<16xf32>,
      %mul3A_111 = arith.constant 16 : i32
      %mul3A_112 = arith.muli %scan3A_77, %mul3A_111 : i32
      %get3A_113 = arith.index_cast %mul3A_112 : i32 to index
      %get3A_114 = tpu.vector_load %arg12[%get3A_113] {strides = array<i32>} : memref<1264xf32, #tpu.memory_space<vmem>>, vector<16xf32>,
      %mul3A_115 = arith.constant 16 : i32
      %mul3A_116 = arith.muli %scan3A_77, %mul3A_115 : i32
      %convert_element_type3A_117 = arith.sitofp %mul3A_116 : i32 to f32
      %add3A_118 = arith.addf %convert_element_type3A_17, %convert_element_type3A_117 : f32
      %add3A_119 = vector.broadcast %add3A_118 : f32 to vector<16xf32>
      %add3A_120 = arith.addf %add3A_119, %convert_element_type3A : vector<16xf32>
      %convert_element_type3A_121 = arith.extui %ge3A_98 : vector<16xi1> to vector<16xi32>
      %cumsum3A = arith.constant true
      %cumsum3A_122 = vector.broadcast %cumsum3A : i1 to vector<16xi1>
      %cumsum3A_123 = tpu.scan <sum>, %convert_element_type3A_121 masked %cumsum3A_122 : vector<16xi32>, vector<16xi1> -> vector<16xi32>
      %add3A_124 = vector.broadcast %scan3A_78 : i32 to vector<16xi32>
      %add3A_125 = arith.addi %add3A_124, %cumsum3A_123 : vector<16xi32>
      %sub3A_126 = arith.constant 1 : i32
      %sub3A_127 = vector.broadcast %sub3A_126 : i32 to vector<16xi32>
      %sub3A_128 = arith.subi %add3A_125, %sub3A_127 : vector<16xi32>
      tpu.vector_store_idx %arg15[%sub3A_128], %get3A_102 masked %ge3A_98 : memref<1264xf32, #tpu.memory_space<vmem>>[vector<16xi32>], vector<16xf32>, vector<16xi1>
      tpu.vector_store_idx %arg16[%sub3A_128], %get3A_106 masked %ge3A_98 : memref<1264xf32, #tpu.memory_space<vmem>>[vector<16xi32>], vector<16xf32>, vector<16xi1>
      tpu.vector_store_idx %arg17[%sub3A_128], %get3A_110 masked %ge3A_98 : memref<1264xf32, #tpu.memory_space<vmem>>[vector<16xi32>], vector<16xf32>, vector<16xi1>
      tpu.vector_store_idx %arg18[%sub3A_128], %get3A_114 masked %ge3A_98 : memref<1264xf32, #tpu.memory_space<vmem>>[vector<16xi32>], vector<16xf32>, vector<16xi1>
      tpu.vector_store_idx %arg19[%sub3A_128], %mul3A_96 masked %ge3A_98 : memref<1264xf32, #tpu.memory_space<vmem>>[vector<16xi32>], vector<16xf32>, vector<16xi1>
      tpu.vector_store_idx %arg20[%sub3A_128], %add3A_120 masked %ge3A_98 : memref<1264xf32, #tpu.memory_space<vmem>>[vector<16xi32>], vector<16xf32>, vector<16xi1>
      %reduce_max3A = arith.constant true
      %reduce_max3A_129 = vector.broadcast %reduce_max3A : i1 to vector<16xi1>
      %reduce_max3A_130 = arith.constant -2147483648 : i32
      %reduce_max3A_131 = vector.broadcast %reduce_max3A_130 : i32 to vector<16xi32>
      %reduce_max3A_132 = arith.xori %cumsum3A_123, %reduce_max3A_131 : vector<16xi32>
      %reduce_max3A_133 = tpu.scan <max>, %reduce_max3A_132 masked %reduce_max3A_129 : vector<16xi32>, vector<16xi1> -> vector<16xi32>
      %reduce_max3A_134 = arith.xori %reduce_max3A_133, %reduce_max3A_131 : vector<16xi32>
      %reduce_max3A_135 = vector.extract %reduce_max3A_134[15] : i32 from vector<16xi32>
      %add3A_136 = arith.addi %scan3A_78, %reduce_max3A_135 : i32
      scf.yield %add3A_136 : i32
    }
    %scan3A_24 = arith.constant 79 : i32
    %add3A = arith.constant 15 : i32
    %add3A_25 = arith.addi %scan3A_23, %add3A : i32
    %jit3A = arith.constant 16 : i32
    %div3A = arith.divsi %add3A_25, %jit3A : i32
    %sign3A = arith.constant 0 : i32
    %sign3A_26 = arith.cmpi sgt, %add3A_25, %sign3A : i32
    %sign3A_27 = arith.extui %sign3A_26 : i1 to i32
    %sign3A_28 = arith.constant 0 : i32
    %sign3A_29 = arith.cmpi slt, %add3A_25, %sign3A_28 : i32
    %sign3A_30 = arith.extui %sign3A_29 : i1 to i32
    %sign3A_31 = arith.subi %sign3A_27, %sign3A_30 : i32
    %sign3A_32 = arith.constant 0 : i32
    %sign3A_33 = arith.cmpi sgt, %jit3A, %sign3A_32 : i32
    %sign3A_34 = arith.extui %sign3A_33 : i1 to i32
    %sign3A_35 = arith.constant 0 : i32
    %sign3A_36 = arith.cmpi slt, %jit3A, %sign3A_35 : i32
    %sign3A_37 = arith.extui %sign3A_36 : i1 to i32
    %sign3A_38 = arith.subi %sign3A_34, %sign3A_37 : i32
    %ne3A = arith.cmpi ne, %sign3A_31, %sign3A_38 : i32
    %rem3A = arith.remsi %add3A_25, %jit3A : i32
    %ne3A_39 = arith.constant 0 : i32
    %ne3A_40 = arith.cmpi ne, %rem3A, %ne3A_39 : i32
    %and3A_41 = arith.andi %ne3A, %ne3A_40 : i1
    %sub3A = arith.constant 1 : i32
    %sub3A_42 = arith.subi %div3A, %sub3A : i32
    %select_n3A = arith.select %and3A_41, %sub3A_42, %div3A : i32
    %while3A = arith.constant 0xFF800000 : f32
    %while3A_43 = arith.constant 2.000000e+09 : f32
    %while3A_44 = arith.constant 2.000000e+09 : f32
    %while3A_45 = arith.constant -2.000000e+09 : f32
    %while3A_46 = arith.constant -2.000000e+09 : f32
    %while3A_47 = arith.constant 0 : i32
    %while3A_48 = arith.constant false
    %while3A_49 = arith.constant 0 : i32
    %while3A_50 = arith.constant 2.000000e+09 : f32
    %while3A_51 = arith.constant 2.000000e+09 : f32
    %while3A_52 = arith.constant -2.000000e+09 : f32
    %while3A_53 = arith.constant -2.000000e+09 : f32
    %while3A_54 = arith.constant 2.000000e+09 : f32
    %while3A_55 = arith.constant 2.000000e+09 : f32
    %while3A_56 = arith.constant -2.000000e+09 : f32
    %while3A_57 = arith.constant -2.000000e+09 : f32
    %while3A_58 = arith.constant 2.000000e+09 : f32
    %while3A_59 = arith.constant 2.000000e+09 : f32
    %while3A_60 = arith.constant -2.000000e+09 : f32
    %while3A_61 = arith.constant -2.000000e+09 : f32
    %while3A_62 = arith.constant 2.000000e+09 : f32
    %while3A_63 = arith.constant 2.000000e+09 : f32
    %while3A_64 = arith.constant -2.000000e+09 : f32
    %while3A_65 = arith.constant -2.000000e+09 : f32
    %while3A_66 = arith.constant 2.000000e+09 : f32
    %while3A_67 = arith.constant 2.000000e+09 : f32
    %while3A_68 = arith.constant -2.000000e+09 : f32
    %while3A_69 = arith.constant -2.000000e+09 : f32
    %while3A_70 = arith.constant 2.000000e+09 : f32
    %while3A_71 = arith.constant 2.000000e+09 : f32
    %while3A_72 = arith.constant -2.000000e+09 : f32
    %while3A_73 = arith.constant -2.000000e+09 : f32
    %while3A_74:27 = scf.while (%while3A_77 = %while3A_47, %while3A_78 = %while3A_48, %while3A_79 = %while3A_49, %while3A_80 = %while3A_50, %while3A_81 = %while3A_51, %while3A_82 = %while3A_52, %while3A_83 = %while3A_53, %while3A_84 = %while3A_54, %while3A_85 = %while3A_55, %while3A_86 = %while3A_56, %while3A_87 = %while3A_57, %while3A_88 = %while3A_58, %while3A_89 = %while3A_59, %while3A_90 = %while3A_60, %while3A_91 = %while3A_61, %while3A_92 = %while3A_62, %while3A_93 = %while3A_63, %while3A_94 = %while3A_64, %while3A_95 = %while3A_65, %while3A_96 = %while3A_66, %while3A_97 = %while3A_67, %while3A_98 = %while3A_68, %while3A_99 = %while3A_69, %while3A_100 = %while3A_70, %while3A_101 = %while3A_71, %while3A_102 = %while3A_72, %while3A_103 = %while3A_73) : (i32, i1, i32, f32, f32, f32, f32, f32, f32, f32, f32, f32, f32, f32, f32, f32, f32, f32, f32, f32, f32, f32, f32, f32, f32, f32, f32) -> (i32, i1, i32, f32, f32, f32, f32, f32, f32, f32, f32, f32, f32, f32, f32, f32, f32, f32, f32, f32, f32, f32, f32, f32, f32, f32, f32) {
      %lt3A = arith.constant 300 : i32
      %lt3A_104 = arith.cmpi slt, %while3A_77, %lt3A : i32
      %not3A = arith.constant true
      %not3A_105 = arith.xori %while3A_78, %not3A : i1
      %and3A_106 = arith.andi %lt3A_104, %not3A_105 : i1
      scf.condition(%and3A_106) %while3A_77, %while3A_78, %while3A_79, %while3A_80, %while3A_81, %while3A_82, %while3A_83, %while3A_84, %while3A_85, %while3A_86, %while3A_87, %while3A_88, %while3A_89, %while3A_90, %while3A_91, %while3A_92, %while3A_93, %while3A_94, %while3A_95, %while3A_96, %while3A_97, %while3A_98, %while3A_99, %while3A_100, %while3A_101, %while3A_102, %while3A_103 : i32, i1, i32, f32, f32, f32, f32, f32, f32, f32, f32, f32, f32, f32, f32, f32, f32, f32, f32, f32, f32, f32, f32, f32, f32, f32, f32
    } do {
    ^bb0(%while3A_77: i32, %while3A_78: i1, %while3A_79: i32, %while3A_80: f32, %while3A_81: f32, %while3A_82: f32, %while3A_83: f32, %while3A_84: f32, %while3A_85: f32, %while3A_86: f32, %while3A_87: f32, %while3A_88: f32, %while3A_89: f32, %while3A_90: f32, %while3A_91: f32, %while3A_92: f32, %while3A_93: f32, %while3A_94: f32, %while3A_95: f32, %while3A_96: f32, %while3A_97: f32, %while3A_98: f32, %while3A_99: f32, %while3A_100: f32, %while3A_101: f32, %while3A_102: f32, %while3A_103: f32):
      %sub3A_104 = arith.subf %while3A_82, %while3A_80 : f32
      %sub3A_105 = arith.subf %while3A_83, %while3A_81 : f32
      %mul3A_106 = arith.mulf %sub3A_104, %sub3A_105 : f32
      %sub3A_107 = arith.subf %while3A_86, %while3A_84 : f32
      %sub3A_108 = arith.subf %while3A_87, %while3A_85 : f32
      %mul3A_109 = arith.mulf %sub3A_107, %sub3A_108 : f32
      %sub3A_110 = arith.subf %while3A_90, %while3A_88 : f32
      %sub3A_111 = arith.subf %while3A_91, %while3A_89 : f32
      %mul3A_112 = arith.mulf %sub3A_110, %sub3A_111 : f32
      %sub3A_113 = arith.subf %while3A_94, %while3A_92 : f32
      %sub3A_114 = arith.subf %while3A_95, %while3A_93 : f32
      %mul3A_115 = arith.mulf %sub3A_113, %sub3A_114 : f32
      %sub3A_116 = arith.subf %while3A_98, %while3A_96 : f32
      %sub3A_117 = arith.subf %while3A_99, %while3A_97 : f32
      %mul3A_118 = arith.mulf %sub3A_116, %sub3A_117 : f32
      %sub3A_119 = arith.subf %while3A_102, %while3A_100 : f32
      %sub3A_120 = arith.subf %while3A_103, %while3A_101 : f32
      %mul3A_121 = arith.mulf %sub3A_119, %sub3A_120 : f32
      %broadcast_in_dim3A_122 = vector.broadcast %while3A : f32 to vector<16xf32>
      %broadcast_in_dim3A_123 = vector.broadcast %while3A : f32 to vector<16xf32>
      %parallel_loop3A = arith.constant 0 : i32
      %parallel_loop3A_124 = arith.constant 1 : i32
      %parallel_loop3A_125:4 = scf.for %parallel_loop3A_1409 = %parallel_loop3A to %select_n3A step %parallel_loop3A_124 iter_args(%parallel_loop3A_1410 = %broadcast_in_dim3A_122, %parallel_loop3A_1411 = %broadcast_in_dim3A_4, %parallel_loop3A_1412 = %broadcast_in_dim3A_123, %parallel_loop3A_1413 = %broadcast_in_dim3A_4) -> (vector<16xf32>, vector<16xf32>, vector<16xf32>, vector<16xf32>)  : i32 {
        %parallel_loop3A_1414 = arith.constant 16 : i32
        %parallel_loop3A_1415 = arith.muli %parallel_loop3A_1409, %parallel_loop3A_1414 : i32
        %parallel_loop3A_1416 = arith.index_cast %parallel_loop3A_1415 : i32 to index
        %parallel_loop3A_1417 = tpu.vector_load %arg15[%parallel_loop3A_1416] {strides = array<i32>} : memref<1264xf32, #tpu.memory_space<vmem>>, vector<16xf32>,
        %parallel_loop3A_1418 = arith.constant 16 : i32
        %parallel_loop3A_1419 = arith.muli %parallel_loop3A_1409, %parallel_loop3A_1418 : i32
        %parallel_loop3A_1420 = arith.index_cast %parallel_loop3A_1419 : i32 to index
        %parallel_loop3A_1421 = tpu.vector_load %arg16[%parallel_loop3A_1420] {strides = array<i32>} : memref<1264xf32, #tpu.memory_space<vmem>>, vector<16xf32>,
        %parallel_loop3A_1422 = arith.constant 16 : i32
        %parallel_loop3A_1423 = arith.muli %parallel_loop3A_1409, %parallel_loop3A_1422 : i32
        %parallel_loop3A_1424 = arith.index_cast %parallel_loop3A_1423 : i32 to index
        %parallel_loop3A_1425 = tpu.vector_load %arg17[%parallel_loop3A_1424] {strides = array<i32>} : memref<1264xf32, #tpu.memory_space<vmem>>, vector<16xf32>,
        %parallel_loop3A_1426 = arith.constant 16 : i32
        %parallel_loop3A_1427 = arith.muli %parallel_loop3A_1409, %parallel_loop3A_1426 : i32
        %parallel_loop3A_1428 = arith.index_cast %parallel_loop3A_1427 : i32 to index
        %parallel_loop3A_1429 = tpu.vector_load %arg18[%parallel_loop3A_1428] {strides = array<i32>} : memref<1264xf32, #tpu.memory_space<vmem>>, vector<16xf32>,
        %parallel_loop3A_1430 = arith.constant 16 : i32
        %parallel_loop3A_1431 = arith.muli %parallel_loop3A_1409, %parallel_loop3A_1430 : i32
        %parallel_loop3A_1432 = arith.index_cast %parallel_loop3A_1431 : i32 to index
        %parallel_loop3A_1433 = tpu.vector_load %arg19[%parallel_loop3A_1432] {strides = array<i32>} : memref<1264xf32, #tpu.memory_space<vmem>>, vector<16xf32>,
        %parallel_loop3A_1434 = arith.subf %parallel_loop3A_1425, %parallel_loop3A_1417 : vector<16xf32>
        %parallel_loop3A_1435 = arith.subf %parallel_loop3A_1429, %parallel_loop3A_1421 : vector<16xf32>
        %parallel_loop3A_1436 = arith.mulf %parallel_loop3A_1434, %parallel_loop3A_1435 : vector<16xf32>
        %parallel_loop3A_1437 = vector.broadcast %while3A_80 : f32 to vector<16xf32>
        %parallel_loop3A_1438 = arith.maximumf %parallel_loop3A_1437, %parallel_loop3A_1417 : vector<16xf32>
        %parallel_loop3A_1439 = vector.broadcast %while3A_81 : f32 to vector<16xf32>
        %parallel_loop3A_1440 = arith.maximumf %parallel_loop3A_1439, %parallel_loop3A_1421 : vector<16xf32>
        %parallel_loop3A_1441 = vector.broadcast %while3A_82 : f32 to vector<16xf32>
        %parallel_loop3A_1442 = arith.minimumf %parallel_loop3A_1441, %parallel_loop3A_1425 : vector<16xf32>
        %parallel_loop3A_1443 = vector.broadcast %while3A_83 : f32 to vector<16xf32>
        %parallel_loop3A_1444 = arith.minimumf %parallel_loop3A_1443, %parallel_loop3A_1429 : vector<16xf32>
        %parallel_loop3A_1445 = arith.subf %parallel_loop3A_1442, %parallel_loop3A_1438 : vector<16xf32>
        %parallel_loop3A_1446 = arith.constant 0.000000e+00 : f32
        %parallel_loop3A_1447 = vector.broadcast %parallel_loop3A_1446 : f32 to vector<16xf32>
        %parallel_loop3A_1448 = arith.maximumf %parallel_loop3A_1445, %parallel_loop3A_1447 : vector<16xf32>
        %parallel_loop3A_1449 = arith.subf %parallel_loop3A_1444, %parallel_loop3A_1440 : vector<16xf32>
        %parallel_loop3A_1450 = arith.constant 0.000000e+00 : f32
        %parallel_loop3A_1451 = vector.broadcast %parallel_loop3A_1450 : f32 to vector<16xf32>
        %parallel_loop3A_1452 = arith.maximumf %parallel_loop3A_1449, %parallel_loop3A_1451 : vector<16xf32>
        %parallel_loop3A_1453 = arith.mulf %parallel_loop3A_1448, %parallel_loop3A_1452 : vector<16xf32>
        %parallel_loop3A_1454 = vector.broadcast %mul3A_106 : f32 to vector<16xf32>
        %parallel_loop3A_1455 = arith.addf %parallel_loop3A_1454, %parallel_loop3A_1436 : vector<16xf32>
        %parallel_loop3A_1456 = arith.subf %parallel_loop3A_1455, %parallel_loop3A_1453 : vector<16xf32>
        %parallel_loop3A_1457 = arith.constant 9.99999971E-10 : f32
        %parallel_loop3A_1458 = vector.broadcast %parallel_loop3A_1457 : f32 to vector<16xf32>
        %parallel_loop3A_1459 = arith.maximumf %parallel_loop3A_1456, %parallel_loop3A_1458 : vector<16xf32>
        %parallel_loop3A_1460 = arith.divf %parallel_loop3A_1453, %parallel_loop3A_1459 : vector<16xf32>
        %parallel_loop3A_1461 = arith.constant 5.000000e-01 : f32
        %parallel_loop3A_1462 = vector.broadcast %parallel_loop3A_1461 : f32 to vector<16xf32>
        %parallel_loop3A_1463 = arith.cmpf oge, %parallel_loop3A_1460, %parallel_loop3A_1462 : vector<16xf32>
        %parallel_loop3A_1464 = vector.broadcast %while3A_84 : f32 to vector<16xf32>
        %parallel_loop3A_1465 = arith.maximumf %parallel_loop3A_1464, %parallel_loop3A_1417 : vector<16xf32>
        %parallel_loop3A_1466 = vector.broadcast %while3A_85 : f32 to vector<16xf32>
        %parallel_loop3A_1467 = arith.maximumf %parallel_loop3A_1466, %parallel_loop3A_1421 : vector<16xf32>
        %parallel_loop3A_1468 = vector.broadcast %while3A_86 : f32 to vector<16xf32>
        %parallel_loop3A_1469 = arith.minimumf %parallel_loop3A_1468, %parallel_loop3A_1425 : vector<16xf32>
        %parallel_loop3A_1470 = vector.broadcast %while3A_87 : f32 to vector<16xf32>
        %parallel_loop3A_1471 = arith.minimumf %parallel_loop3A_1470, %parallel_loop3A_1429 : vector<16xf32>
        %parallel_loop3A_1472 = arith.subf %parallel_loop3A_1469, %parallel_loop3A_1465 : vector<16xf32>
        %parallel_loop3A_1473 = arith.constant 0.000000e+00 : f32
        %parallel_loop3A_1474 = vector.broadcast %parallel_loop3A_1473 : f32 to vector<16xf32>
        %parallel_loop3A_1475 = arith.maximumf %parallel_loop3A_1472, %parallel_loop3A_1474 : vector<16xf32>
        %parallel_loop3A_1476 = arith.subf %parallel_loop3A_1471, %parallel_loop3A_1467 : vector<16xf32>
        %parallel_loop3A_1477 = arith.constant 0.000000e+00 : f32
        %parallel_loop3A_1478 = vector.broadcast %parallel_loop3A_1477 : f32 to vector<16xf32>
        %parallel_loop3A_1479 = arith.maximumf %parallel_loop3A_1476, %parallel_loop3A_1478 : vector<16xf32>
        %parallel_loop3A_1480 = arith.mulf %parallel_loop3A_1475, %parallel_loop3A_1479 : vector<16xf32>
        %parallel_loop3A_1481 = vector.broadcast %mul3A_109 : f32 to vector<16xf32>
        %parallel_loop3A_1482 = arith.addf %parallel_loop3A_1481, %parallel_loop3A_1436 : vector<16xf32>
        %parallel_loop3A_1483 = arith.subf %parallel_loop3A_1482, %parallel_loop3A_1480 : vector<16xf32>
        %parallel_loop3A_1484 = arith.constant 9.99999971E-10 : f32
        %parallel_loop3A_1485 = vector.broadcast %parallel_loop3A_1484 : f32 to vector<16xf32>
        %parallel_loop3A_1486 = arith.maximumf %parallel_loop3A_1483, %parallel_loop3A_1485 : vector<16xf32>
        %parallel_loop3A_1487 = arith.divf %parallel_loop3A_1480, %parallel_loop3A_1486 : vector<16xf32>
        %parallel_loop3A_1488 = arith.constant 5.000000e-01 : f32
        %parallel_loop3A_1489 = vector.broadcast %parallel_loop3A_1488 : f32 to vector<16xf32>
        %parallel_loop3A_1490 = arith.cmpf oge, %parallel_loop3A_1487, %parallel_loop3A_1489 : vector<16xf32>
        %parallel_loop3A_1491 = arith.ori %parallel_loop3A_1463, %parallel_loop3A_1490 : vector<16xi1>
        %parallel_loop3A_1492 = vector.broadcast %while3A_88 : f32 to vector<16xf32>
        %parallel_loop3A_1493 = arith.maximumf %parallel_loop3A_1492, %parallel_loop3A_1417 : vector<16xf32>
        %parallel_loop3A_1494 = vector.broadcast %while3A_89 : f32 to vector<16xf32>
        %parallel_loop3A_1495 = arith.maximumf %parallel_loop3A_1494, %parallel_loop3A_1421 : vector<16xf32>
        %parallel_loop3A_1496 = vector.broadcast %while3A_90 : f32 to vector<16xf32>
        %parallel_loop3A_1497 = arith.minimumf %parallel_loop3A_1496, %parallel_loop3A_1425 : vector<16xf32>
        %parallel_loop3A_1498 = vector.broadcast %while3A_91 : f32 to vector<16xf32>
        %parallel_loop3A_1499 = arith.minimumf %parallel_loop3A_1498, %parallel_loop3A_1429 : vector<16xf32>
        %parallel_loop3A_1500 = arith.subf %parallel_loop3A_1497, %parallel_loop3A_1493 : vector<16xf32>
        %parallel_loop3A_1501 = arith.constant 0.000000e+00 : f32
        %parallel_loop3A_1502 = vector.broadcast %parallel_loop3A_1501 : f32 to vector<16xf32>
        %parallel_loop3A_1503 = arith.maximumf %parallel_loop3A_1500, %parallel_loop3A_1502 : vector<16xf32>
        %parallel_loop3A_1504 = arith.subf %parallel_loop3A_1499, %parallel_loop3A_1495 : vector<16xf32>
        %parallel_loop3A_1505 = arith.constant 0.000000e+00 : f32
        %parallel_loop3A_1506 = vector.broadcast %parallel_loop3A_1505 : f32 to vector<16xf32>
        %parallel_loop3A_1507 = arith.maximumf %parallel_loop3A_1504, %parallel_loop3A_1506 : vector<16xf32>
        %parallel_loop3A_1508 = arith.mulf %parallel_loop3A_1503, %parallel_loop3A_1507 : vector<16xf32>
        %parallel_loop3A_1509 = vector.broadcast %mul3A_112 : f32 to vector<16xf32>
        %parallel_loop3A_1510 = arith.addf %parallel_loop3A_1509, %parallel_loop3A_1436 : vector<16xf32>
        %parallel_loop3A_1511 = arith.subf %parallel_loop3A_1510, %parallel_loop3A_1508 : vector<16xf32>
        %parallel_loop3A_1512 = arith.constant 9.99999971E-10 : f32
        %parallel_loop3A_1513 = vector.broadcast %parallel_loop3A_1512 : f32 to vector<16xf32>
        %parallel_loop3A_1514 = arith.maximumf %parallel_loop3A_1511, %parallel_loop3A_1513 : vector<16xf32>
        %parallel_loop3A_1515 = arith.divf %parallel_loop3A_1508, %parallel_loop3A_1514 : vector<16xf32>
        %parallel_loop3A_1516 = arith.constant 5.000000e-01 : f32
        %parallel_loop3A_1517 = vector.broadcast %parallel_loop3A_1516 : f32 to vector<16xf32>
        %parallel_loop3A_1518 = arith.cmpf oge, %parallel_loop3A_1515, %parallel_loop3A_1517 : vector<16xf32>
        %parallel_loop3A_1519 = arith.ori %parallel_loop3A_1491, %parallel_loop3A_1518 : vector<16xi1>
        %parallel_loop3A_1520 = vector.broadcast %while3A_92 : f32 to vector<16xf32>
        %parallel_loop3A_1521 = arith.maximumf %parallel_loop3A_1520, %parallel_loop3A_1417 : vector<16xf32>
        %parallel_loop3A_1522 = vector.broadcast %while3A_93 : f32 to vector<16xf32>
        %parallel_loop3A_1523 = arith.maximumf %parallel_loop3A_1522, %parallel_loop3A_1421 : vector<16xf32>
        %parallel_loop3A_1524 = vector.broadcast %while3A_94 : f32 to vector<16xf32>
        %parallel_loop3A_1525 = arith.minimumf %parallel_loop3A_1524, %parallel_loop3A_1425 : vector<16xf32>
        %parallel_loop3A_1526 = vector.broadcast %while3A_95 : f32 to vector<16xf32>
        %parallel_loop3A_1527 = arith.minimumf %parallel_loop3A_1526, %parallel_loop3A_1429 : vector<16xf32>
        %parallel_loop3A_1528 = arith.subf %parallel_loop3A_1525, %parallel_loop3A_1521 : vector<16xf32>
        %parallel_loop3A_1529 = arith.constant 0.000000e+00 : f32
        %parallel_loop3A_1530 = vector.broadcast %parallel_loop3A_1529 : f32 to vector<16xf32>
        %parallel_loop3A_1531 = arith.maximumf %parallel_loop3A_1528, %parallel_loop3A_1530 : vector<16xf32>
        %parallel_loop3A_1532 = arith.subf %parallel_loop3A_1527, %parallel_loop3A_1523 : vector<16xf32>
        %parallel_loop3A_1533 = arith.constant 0.000000e+00 : f32
        %parallel_loop3A_1534 = vector.broadcast %parallel_loop3A_1533 : f32 to vector<16xf32>
        %parallel_loop3A_1535 = arith.maximumf %parallel_loop3A_1532, %parallel_loop3A_1534 : vector<16xf32>
        %parallel_loop3A_1536 = arith.mulf %parallel_loop3A_1531, %parallel_loop3A_1535 : vector<16xf32>
        %parallel_loop3A_1537 = vector.broadcast %mul3A_115 : f32 to vector<16xf32>
        %parallel_loop3A_1538 = arith.addf %parallel_loop3A_1537, %parallel_loop3A_1436 : vector<16xf32>
        %parallel_loop3A_1539 = arith.subf %parallel_loop3A_1538, %parallel_loop3A_1536 : vector<16xf32>
        %parallel_loop3A_1540 = arith.constant 9.99999971E-10 : f32
        %parallel_loop3A_1541 = vector.broadcast %parallel_loop3A_1540 : f32 to vector<16xf32>
        %parallel_loop3A_1542 = arith.maximumf %parallel_loop3A_1539, %parallel_loop3A_1541 : vector<16xf32>
        %parallel_loop3A_1543 = arith.divf %parallel_loop3A_1536, %parallel_loop3A_1542 : vector<16xf32>
        %parallel_loop3A_1544 = arith.constant 5.000000e-01 : f32
        %parallel_loop3A_1545 = vector.broadcast %parallel_loop3A_1544 : f32 to vector<16xf32>
        %parallel_loop3A_1546 = arith.cmpf oge, %parallel_loop3A_1543, %parallel_loop3A_1545 : vector<16xf32>
        %parallel_loop3A_1547 = arith.ori %parallel_loop3A_1519, %parallel_loop3A_1546 : vector<16xi1>
        %parallel_loop3A_1548 = vector.broadcast %while3A_96 : f32 to vector<16xf32>
        %parallel_loop3A_1549 = arith.maximumf %parallel_loop3A_1548, %parallel_loop3A_1417 : vector<16xf32>
        %parallel_loop3A_1550 = vector.broadcast %while3A_97 : f32 to vector<16xf32>
        %parallel_loop3A_1551 = arith.maximumf %parallel_loop3A_1550, %parallel_loop3A_1421 : vector<16xf32>
        %parallel_loop3A_1552 = vector.broadcast %while3A_98 : f32 to vector<16xf32>
        %parallel_loop3A_1553 = arith.minimumf %parallel_loop3A_1552, %parallel_loop3A_1425 : vector<16xf32>
        %parallel_loop3A_1554 = vector.broadcast %while3A_99 : f32 to vector<16xf32>
        %parallel_loop3A_1555 = arith.minimumf %parallel_loop3A_1554, %parallel_loop3A_1429 : vector<16xf32>
        %parallel_loop3A_1556 = arith.subf %parallel_loop3A_1553, %parallel_loop3A_1549 : vector<16xf32>
        %parallel_loop3A_1557 = arith.constant 0.000000e+00 : f32
        %parallel_loop3A_1558 = vector.broadcast %parallel_loop3A_1557 : f32 to vector<16xf32>
        %parallel_loop3A_1559 = arith.maximumf %parallel_loop3A_1556, %parallel_loop3A_1558 : vector<16xf32>
        %parallel_loop3A_1560 = arith.subf %parallel_loop3A_1555, %parallel_loop3A_1551 : vector<16xf32>
        %parallel_loop3A_1561 = arith.constant 0.000000e+00 : f32
        %parallel_loop3A_1562 = vector.broadcast %parallel_loop3A_1561 : f32 to vector<16xf32>
        %parallel_loop3A_1563 = arith.maximumf %parallel_loop3A_1560, %parallel_loop3A_1562 : vector<16xf32>
        %parallel_loop3A_1564 = arith.mulf %parallel_loop3A_1559, %parallel_loop3A_1563 : vector<16xf32>
        %parallel_loop3A_1565 = vector.broadcast %mul3A_118 : f32 to vector<16xf32>
        %parallel_loop3A_1566 = arith.addf %parallel_loop3A_1565, %parallel_loop3A_1436 : vector<16xf32>
        %parallel_loop3A_1567 = arith.subf %parallel_loop3A_1566, %parallel_loop3A_1564 : vector<16xf32>
        %parallel_loop3A_1568 = arith.constant 9.99999971E-10 : f32
        %parallel_loop3A_1569 = vector.broadcast %parallel_loop3A_1568 : f32 to vector<16xf32>
        %parallel_loop3A_1570 = arith.maximumf %parallel_loop3A_1567, %parallel_loop3A_1569 : vector<16xf32>
        %parallel_loop3A_1571 = arith.divf %parallel_loop3A_1564, %parallel_loop3A_1570 : vector<16xf32>
        %parallel_loop3A_1572 = arith.constant 5.000000e-01 : f32
        %parallel_loop3A_1573 = vector.broadcast %parallel_loop3A_1572 : f32 to vector<16xf32>
        %parallel_loop3A_1574 = arith.cmpf oge, %parallel_loop3A_1571, %parallel_loop3A_1573 : vector<16xf32>
        %parallel_loop3A_1575 = arith.ori %parallel_loop3A_1547, %parallel_loop3A_1574 : vector<16xi1>
        %parallel_loop3A_1576 = vector.broadcast %while3A_100 : f32 to vector<16xf32>
        %parallel_loop3A_1577 = arith.maximumf %parallel_loop3A_1576, %parallel_loop3A_1417 : vector<16xf32>
        %parallel_loop3A_1578 = vector.broadcast %while3A_101 : f32 to vector<16xf32>
        %parallel_loop3A_1579 = arith.maximumf %parallel_loop3A_1578, %parallel_loop3A_1421 : vector<16xf32>
        %parallel_loop3A_1580 = vector.broadcast %while3A_102 : f32 to vector<16xf32>
        %parallel_loop3A_1581 = arith.minimumf %parallel_loop3A_1580, %parallel_loop3A_1425 : vector<16xf32>
        %parallel_loop3A_1582 = vector.broadcast %while3A_103 : f32 to vector<16xf32>
        %parallel_loop3A_1583 = arith.minimumf %parallel_loop3A_1582, %parallel_loop3A_1429 : vector<16xf32>
        %parallel_loop3A_1584 = arith.subf %parallel_loop3A_1581, %parallel_loop3A_1577 : vector<16xf32>
        %parallel_loop3A_1585 = arith.constant 0.000000e+00 : f32
        %parallel_loop3A_1586 = vector.broadcast %parallel_loop3A_1585 : f32 to vector<16xf32>
        %parallel_loop3A_1587 = arith.maximumf %parallel_loop3A_1584, %parallel_loop3A_1586 : vector<16xf32>
        %parallel_loop3A_1588 = arith.subf %parallel_loop3A_1583, %parallel_loop3A_1579 : vector<16xf32>
        %parallel_loop3A_1589 = arith.constant 0.000000e+00 : f32
        %parallel_loop3A_1590 = vector.broadcast %parallel_loop3A_1589 : f32 to vector<16xf32>
        %parallel_loop3A_1591 = arith.maximumf %parallel_loop3A_1588, %parallel_loop3A_1590 : vector<16xf32>
        %parallel_loop3A_1592 = arith.mulf %parallel_loop3A_1587, %parallel_loop3A_1591 : vector<16xf32>
        %parallel_loop3A_1593 = vector.broadcast %mul3A_121 : f32 to vector<16xf32>
        %parallel_loop3A_1594 = arith.addf %parallel_loop3A_1593, %parallel_loop3A_1436 : vector<16xf32>
        %parallel_loop3A_1595 = arith.subf %parallel_loop3A_1594, %parallel_loop3A_1592 : vector<16xf32>
        %parallel_loop3A_1596 = arith.constant 9.99999971E-10 : f32
        %parallel_loop3A_1597 = vector.broadcast %parallel_loop3A_1596 : f32 to vector<16xf32>
        %parallel_loop3A_1598 = arith.maximumf %parallel_loop3A_1595, %parallel_loop3A_1597 : vector<16xf32>
        %parallel_loop3A_1599 = arith.divf %parallel_loop3A_1592, %parallel_loop3A_1598 : vector<16xf32>
        %parallel_loop3A_1600 = arith.constant 5.000000e-01 : f32
        %parallel_loop3A_1601 = vector.broadcast %parallel_loop3A_1600 : f32 to vector<16xf32>
        %parallel_loop3A_1602 = arith.cmpf oge, %parallel_loop3A_1599, %parallel_loop3A_1601 : vector<16xf32>
        %parallel_loop3A_1603 = arith.ori %parallel_loop3A_1575, %parallel_loop3A_1602 : vector<16xi1>
        %parallel_loop3A_1604 = vector.broadcast %while3A : f32 to vector<16xf32>
        %parallel_loop3A_1605 = arith.select %parallel_loop3A_1603, %parallel_loop3A_1604, %parallel_loop3A_1433 : vector<16xi1>, vector<16xf32>
        %parallel_loop3A_1606 = arith.constant 16 : i32
        %parallel_loop3A_1607 = arith.muli %parallel_loop3A_1409, %parallel_loop3A_1606 : i32
        %parallel_loop3A_1608 = arith.index_cast %parallel_loop3A_1607 : i32 to index
        %parallel_loop3A_1609 = tpu.vector_load %arg19[%parallel_loop3A_1608] {strides = array<i32>} : memref<1264xf32, #tpu.memory_space<vmem>>, vector<16xf32>,
        tpu.vector_store %arg19[%parallel_loop3A_1608], %parallel_loop3A_1605 {strides = array<i32>} : memref<1264xf32, #tpu.memory_space<vmem>>, vector<16xf32>,
        %parallel_loop3A_1610 = arith.constant 16 : i32
        %parallel_loop3A_1611 = arith.muli %parallel_loop3A_1409, %parallel_loop3A_1610 : i32
        %parallel_loop3A_1612 = arith.sitofp %parallel_loop3A_1611 : i32 to f32
        %parallel_loop3A_1613 = vector.broadcast %parallel_loop3A_1612 : f32 to vector<16xf32>
        %parallel_loop3A_1614 = arith.addf %parallel_loop3A_1613, %convert_element_type3A : vector<16xf32>
        %parallel_loop3A_1615 = arith.cmpf ogt, %parallel_loop3A_1605, %parallel_loop3A_1410 : vector<16xf32>
        %parallel_loop3A_1616 = arith.constant dense<true> : vector<16xi1>
        %parallel_loop3A_1617 = arith.xori %parallel_loop3A_1615, %parallel_loop3A_1616 : vector<16xi1>
        %parallel_loop3A_1618 = arith.cmpf ogt, %parallel_loop3A_1605, %parallel_loop3A_1412 : vector<16xf32>
        %parallel_loop3A_1619 = arith.andi %parallel_loop3A_1617, %parallel_loop3A_1618 : vector<16xi1>
        %parallel_loop3A_1620 = arith.select %parallel_loop3A_1619, %parallel_loop3A_1605, %parallel_loop3A_1412 : vector<16xi1>, vector<16xf32>
        %parallel_loop3A_1621 = arith.select %parallel_loop3A_1615, %parallel_loop3A_1410, %parallel_loop3A_1620 : vector<16xi1>, vector<16xf32>
        %parallel_loop3A_1622 = arith.select %parallel_loop3A_1619, %parallel_loop3A_1614, %parallel_loop3A_1413 : vector<16xi1>, vector<16xf32>
        %parallel_loop3A_1623 = arith.select %parallel_loop3A_1615, %parallel_loop3A_1411, %parallel_loop3A_1622 : vector<16xi1>, vector<16xf32>
        %parallel_loop3A_1624 = arith.select %parallel_loop3A_1615, %parallel_loop3A_1605, %parallel_loop3A_1410 : vector<16xi1>, vector<16xf32>
        %parallel_loop3A_1625 = arith.select %parallel_loop3A_1615, %parallel_loop3A_1614, %parallel_loop3A_1411 : vector<16xi1>, vector<16xf32>
        scf.yield %parallel_loop3A_1624, %parallel_loop3A_1625, %parallel_loop3A_1621, %parallel_loop3A_1623 : vector<16xf32>, vector<16xf32>, vector<16xf32>, vector<16xf32>
      } {sc.loop_unroll_factor = 4 : i64, sc.parallel_access}
      %reduce_max3A = arith.constant true
      %reduce_max3A_126 = vector.broadcast %reduce_max3A : i1 to vector<16xi1>
      %reduce_max3A_127 = tpu.scan <max>, %parallel_loop3A_125#0 masked %reduce_max3A_126 : vector<16xf32>, vector<16xi1> -> vector<16xf32>
      %reduce_max3A_128 = vector.extract %reduce_max3A_127[15] : f32 from vector<16xf32>
      %eq3A_129 = vector.broadcast %reduce_max3A_128 : f32 to vector<16xf32>
      %eq3A_130 = arith.cmpf oeq, %parallel_loop3A_125#0, %eq3A_129 : vector<16xf32>
      %jit3A_131 = arith.constant 3.000000e+07 : f32
      %broadcast_in_dim3A_132 = vector.broadcast %jit3A_131 : f32 to vector<16xf32>
      %select_n3A_133 = arith.select %eq3A_130, %parallel_loop3A_125#1, %broadcast_in_dim3A_132 : vector<16xi1>, vector<16xf32>
      %reduce_min3A = arith.constant true
      %reduce_min3A_134 = vector.broadcast %reduce_min3A : i1 to vector<16xi1>
      %reduce_min3A_135 = tpu.scan <min>, %select_n3A_133 masked %reduce_min3A_134 : vector<16xf32>, vector<16xi1> -> vector<16xf32>
      %reduce_min3A_136 = vector.extract %reduce_min3A_135[15] : f32 from vector<16xf32>
      %eq3A_137 = vector.broadcast %reduce_max3A_128 : f32 to vector<16xf32>
      %eq3A_138 = arith.cmpf oeq, %parallel_loop3A_125#0, %eq3A_137 : vector<16xf32>
      %eq3A_139 = vector.broadcast %reduce_min3A_136 : f32 to vector<16xf32>
      %eq3A_140 = arith.cmpf oeq, %parallel_loop3A_125#1, %eq3A_139 : vector<16xf32>
      %and3A_141 = arith.andi %eq3A_138, %eq3A_140 : vector<16xi1>
      %select_n3A_142 = arith.select %and3A_141, %parallel_loop3A_125#2, %parallel_loop3A_125#0 : vector<16xi1>, vector<16xf32>
      %select_n3A_143 = arith.select %and3A_141, %parallel_loop3A_125#3, %parallel_loop3A_125#1 : vector<16xi1>, vector<16xf32>
      %reduce_max3A_144 = arith.constant true
      %reduce_max3A_145 = vector.broadcast %reduce_max3A_144 : i1 to vector<16xi1>
      %reduce_max3A_146 = tpu.scan <max>, %select_n3A_142 masked %reduce_max3A_145 : vector<16xf32>, vector<16xi1> -> vector<16xf32>
      %reduce_max3A_147 = vector.extract %reduce_max3A_146[15] : f32 from vector<16xf32>
      %eq3A_148 = vector.broadcast %reduce_max3A_147 : f32 to vector<16xf32>
      %eq3A_149 = arith.cmpf oeq, %select_n3A_142, %eq3A_148 : vector<16xf32>
      %jit3A_150 = arith.constant 3.000000e+07 : f32
      %broadcast_in_dim3A_151 = vector.broadcast %jit3A_150 : f32 to vector<16xf32>
      %select_n3A_152 = arith.select %eq3A_149, %select_n3A_143, %broadcast_in_dim3A_151 : vector<16xi1>, vector<16xf32>
      %reduce_min3A_153 = arith.constant true
      %reduce_min3A_154 = vector.broadcast %reduce_min3A_153 : i1 to vector<16xi1>
      %reduce_min3A_155 = tpu.scan <min>, %select_n3A_152 masked %reduce_min3A_154 : vector<16xf32>, vector<16xi1> -> vector<16xf32>
      %reduce_min3A_156 = vector.extract %reduce_min3A_155[15] : f32 from vector<16xf32>
      %broadcast_in_dim3A_157 = arith.constant 0 : i32
      %broadcast_in_dim3A_158 = vector.broadcast %broadcast_in_dim3A_157 : i32 to vector<16xi32>
      %convert_element_type3A_159 = arith.fptosi %reduce_min3A_136 : f32 to i32
      %add3A_160 = vector.broadcast %convert_element_type3A_159 : i32 to vector<16xi32>
      %add3A_161 = arith.addi %broadcast_in_dim3A_158, %add3A_160 : vector<16xi32>
      %broadcast_in_dim3A_162 = arith.constant 0 : i32
      %broadcast_in_dim3A_163 = vector.broadcast %broadcast_in_dim3A_162 : i32 to vector<16xi32>
      %convert_element_type3A_164 = arith.fptosi %reduce_min3A_156 : f32 to i32
      %add3A_165 = vector.broadcast %convert_element_type3A_164 : i32 to vector<16xi32>
      %add3A_166 = arith.addi %broadcast_in_dim3A_163, %add3A_165 : vector<16xi32>
      %eq3A_167 = arith.constant 0 : i32
      %eq3A_168 = vector.broadcast %eq3A_167 : i32 to vector<16xi32>
      %eq3A_169 = arith.cmpi eq, %iota3A, %eq3A_168 : vector<16xi32>
      %eq3A_170 = arith.constant 1 : i32
      %eq3A_171 = vector.broadcast %eq3A_170 : i32 to vector<16xi32>
      %eq3A_172 = arith.cmpi eq, %iota3A, %eq3A_171 : vector<16xi32>
      %gather3A = tpu.vector_load_idx %arg20[%add3A_161] : memref<1264xf32, #tpu.memory_space<vmem>>[vector<16xi32>], vector<16xf32>,
      %eq3A_173 = arith.constant 2 : i32
      %eq3A_174 = vector.broadcast %eq3A_173 : i32 to vector<16xi32>
      %eq3A_175 = arith.cmpi eq, %iota3A, %eq3A_174 : vector<16xi32>
      %gather3A_176 = tpu.vector_load_idx %arg15[%add3A_161] : memref<1264xf32, #tpu.memory_space<vmem>>[vector<16xi32>], vector<16xf32>,
      %eq3A_177 = arith.constant 3 : i32
      %eq3A_178 = vector.broadcast %eq3A_177 : i32 to vector<16xi32>
      %eq3A_179 = arith.cmpi eq, %iota3A, %eq3A_178 : vector<16xi32>
      %gather3A_180 = tpu.vector_load_idx %arg16[%add3A_161] : memref<1264xf32, #tpu.memory_space<vmem>>[vector<16xi32>], vector<16xf32>,
      %eq3A_181 = arith.constant 4 : i32
      %eq3A_182 = vector.broadcast %eq3A_181 : i32 to vector<16xi32>
      %eq3A_183 = arith.cmpi eq, %iota3A, %eq3A_182 : vector<16xi32>
      %gather3A_184 = tpu.vector_load_idx %arg17[%add3A_161] : memref<1264xf32, #tpu.memory_space<vmem>>[vector<16xi32>], vector<16xf32>,
      %eq3A_185 = arith.constant 5 : i32
      %eq3A_186 = vector.broadcast %eq3A_185 : i32 to vector<16xi32>
      %eq3A_187 = arith.cmpi eq, %iota3A, %eq3A_186 : vector<16xi32>
      %gather3A_188 = tpu.vector_load_idx %arg18[%add3A_161] : memref<1264xf32, #tpu.memory_space<vmem>>[vector<16xi32>], vector<16xf32>,
      %jit3A_189 = arith.constant 0.000000e+00 : f32
      %broadcast_in_dim3A_190 = vector.broadcast %jit3A_189 : f32 to vector<16xf32>
      %select_n3A_191 = arith.select %eq3A_187, %gather3A_188, %broadcast_in_dim3A_190 : vector<16xi1>, vector<16xf32>
      %select_n3A_192 = arith.select %eq3A_183, %gather3A_184, %select_n3A_191 : vector<16xi1>, vector<16xf32>
      %select_n3A_193 = arith.select %eq3A_179, %gather3A_180, %select_n3A_192 : vector<16xi1>, vector<16xf32>
      %select_n3A_194 = arith.select %eq3A_175, %gather3A_176, %select_n3A_193 : vector<16xi1>, vector<16xf32>
      %select_n3A_195 = arith.select %eq3A_172, %gather3A, %select_n3A_194 : vector<16xi1>, vector<16xf32>
      %broadcast_in_dim3A_196 = vector.broadcast %reduce_max3A_128 : f32 to vector<16xf32>
      %select_n3A_197 = arith.select %eq3A_169, %broadcast_in_dim3A_196, %select_n3A_195 : vector<16xi1>, vector<16xf32>
      %eq3A_198 = arith.constant 0 : i32
      %eq3A_199 = vector.broadcast %eq3A_198 : i32 to vector<16xi32>
      %eq3A_200 = arith.cmpi eq, %iota3A, %eq3A_199 : vector<16xi32>
      %eq3A_201 = arith.constant 1 : i32
      %eq3A_202 = vector.broadcast %eq3A_201 : i32 to vector<16xi32>
      %eq3A_203 = arith.cmpi eq, %iota3A, %eq3A_202 : vector<16xi32>
      %gather3A_204 = tpu.vector_load_idx %arg20[%add3A_166] : memref<1264xf32, #tpu.memory_space<vmem>>[vector<16xi32>], vector<16xf32>,
      %eq3A_205 = arith.constant 2 : i32
      %eq3A_206 = vector.broadcast %eq3A_205 : i32 to vector<16xi32>
      %eq3A_207 = arith.cmpi eq, %iota3A, %eq3A_206 : vector<16xi32>
      %gather3A_208 = tpu.vector_load_idx %arg15[%add3A_166] : memref<1264xf32, #tpu.memory_space<vmem>>[vector<16xi32>], vector<16xf32>,
      %eq3A_209 = arith.constant 3 : i32
      %eq3A_210 = vector.broadcast %eq3A_209 : i32 to vector<16xi32>
      %eq3A_211 = arith.cmpi eq, %iota3A, %eq3A_210 : vector<16xi32>
      %gather3A_212 = tpu.vector_load_idx %arg16[%add3A_166] : memref<1264xf32, #tpu.memory_space<vmem>>[vector<16xi32>], vector<16xf32>,
      %eq3A_213 = arith.constant 4 : i32
      %eq3A_214 = vector.broadcast %eq3A_213 : i32 to vector<16xi32>
      %eq3A_215 = arith.cmpi eq, %iota3A, %eq3A_214 : vector<16xi32>
      %gather3A_216 = tpu.vector_load_idx %arg17[%add3A_166] : memref<1264xf32, #tpu.memory_space<vmem>>[vector<16xi32>], vector<16xf32>,
      %eq3A_217 = arith.constant 5 : i32
      %eq3A_218 = vector.broadcast %eq3A_217 : i32 to vector<16xi32>
      %eq3A_219 = arith.cmpi eq, %iota3A, %eq3A_218 : vector<16xi32>
      %gather3A_220 = tpu.vector_load_idx %arg18[%add3A_166] : memref<1264xf32, #tpu.memory_space<vmem>>[vector<16xi32>], vector<16xf32>,
      %jit3A_221 = arith.constant 0.000000e+00 : f32
      %broadcast_in_dim3A_222 = vector.broadcast %jit3A_221 : f32 to vector<16xf32>
      %select_n3A_223 = arith.select %eq3A_219, %gather3A_220, %broadcast_in_dim3A_222 : vector<16xi1>, vector<16xf32>
      %select_n3A_224 = arith.select %eq3A_215, %gather3A_216, %select_n3A_223 : vector<16xi1>, vector<16xf32>
      %select_n3A_225 = arith.select %eq3A_211, %gather3A_212, %select_n3A_224 : vector<16xi1>, vector<16xf32>
      %select_n3A_226 = arith.select %eq3A_207, %gather3A_208, %select_n3A_225 : vector<16xi1>, vector<16xf32>
      %select_n3A_227 = arith.select %eq3A_203, %gather3A_204, %select_n3A_226 : vector<16xi1>, vector<16xf32>
      %broadcast_in_dim3A_228 = vector.broadcast %reduce_max3A_147 : f32 to vector<16xf32>
      %select_n3A_229 = arith.select %eq3A_200, %broadcast_in_dim3A_228, %select_n3A_227 : vector<16xi1>, vector<16xf32>
      %swap3A = arith.constant 0 : index
      %swap3A_230 = tpu.vector_load %arg21[%swap3A] {strides = array<i32>} : memref<32xf32, #tpu.memory_space<vmem>>, vector<16xf32>,
      tpu.vector_store %arg21[%swap3A], %select_n3A_197 {strides = array<i32>} : memref<32xf32, #tpu.memory_space<vmem>>, vector<16xf32>,
      %swap3A_231 = arith.constant 16 : index
      %swap3A_232 = tpu.vector_load %arg21[%swap3A_231] {strides = array<i32>} : memref<32xf32, #tpu.memory_space<vmem>>, vector<16xf32>,
      tpu.vector_store %arg21[%swap3A_231], %select_n3A_229 {strides = array<i32>} : memref<32xf32, #tpu.memory_space<vmem>>, vector<16xf32>,
      %rem3A_233 = arith.constant 2 : i32
      %rem3A_234 = arith.remsi %while3A_79, %rem3A_233 : i32
      %add3A_235 = arith.constant 6 : i32
      %add3A_236 = arith.addi %rem3A_234, %add3A_235 : i32
      "tpu.region"() ({
        %run_scoped3A = tpu.sem_alloc : memref<!tpu.dma_semaphore, #tpu.memory_space<semaphore_mem>>
        %dma_start3A = arith.constant 0 : i32
        %dma_start3A_1409 = tpu.memref_slice %arg24[%add3A_236, %arg1, %dma_start3A] : memref<8x16x32xf32, #tpu.memory_space<vmem_shared>> -> memref<1x1x32xf32, #tpu.memory_space<vmem_shared>>
        %dma_start3A_1410 = tpu.memref_squeeze %dma_start3A_1409 : memref<1x1x32xf32, #tpu.memory_space<vmem_shared>> -> memref<32xf32, #tpu.memory_space<vmem_shared>>
        %dma_start3A_1411 = arith.constant 0 : i32
        %dma_start3A_1412 = tpu.memref_slice %arg24[%add3A_236, %arg1, %dma_start3A_1411] : memref<8x16x32xf32, #tpu.memory_space<vmem_shared>> -> memref<1x1x32xf32, #tpu.memory_space<vmem_shared>>
        %dma_start3A_1413 = tpu.memref_squeeze %dma_start3A_1412 : memref<1x1x32xf32, #tpu.memory_space<vmem_shared>> -> memref<32xf32, #tpu.memory_space<vmem_shared>>
        tpu.enqueue_dma source(%arg21 : memref<32xf32, #tpu.memory_space<vmem>>) target(%dma_start3A_1413 : memref<32xf32, #tpu.memory_space<vmem_shared>>) target_semaphore(%run_scoped3A : memref<!tpu.dma_semaphore, #tpu.memory_space<semaphore_mem>>)
        %dma_wait3A = arith.constant 0 : i32
        %dma_wait3A_1414 = tpu.memref_slice %arg24[%add3A_236, %arg1, %dma_wait3A] : memref<8x16x32xf32, #tpu.memory_space<vmem_shared>> -> memref<1x1x32xf32, #tpu.memory_space<vmem_shared>>
        %dma_wait3A_1415 = tpu.memref_squeeze %dma_wait3A_1414 : memref<1x1x32xf32, #tpu.memory_space<vmem_shared>> -> memref<32xf32, #tpu.memory_space<vmem_shared>>
        %dma_wait3A_1416 = arith.constant 0 : i32
        %dma_wait3A_1417 = tpu.memref_slice %arg24[%add3A_236, %arg1, %dma_wait3A_1416] : memref<8x16x32xf32, #tpu.memory_space<vmem_shared>> -> memref<1x1x32xf32, #tpu.memory_space<vmem_shared>>
        %dma_wait3A_1418 = tpu.memref_squeeze %dma_wait3A_1417 : memref<1x1x32xf32, #tpu.memory_space<vmem_shared>> -> memref<32xf32, #tpu.memory_space<vmem_shared>>
        tpu.wait_dma2 semaphore(%run_scoped3A : memref<!tpu.dma_semaphore, #tpu.memory_space<semaphore_mem>>) src(%arg21 : memref<32xf32, #tpu.memory_space<vmem>>) dst(%dma_wait3A_1418 : memref<32xf32, #tpu.memory_space<vmem_shared>>)
        tpu.yield
      }) : () -> ()
      %barrier3A = arith.constant 0 : index
      tpu.barrier barrier_id(%barrier3A)
      "tpu.region"() ({
        %run_scoped3A = tpu.sem_alloc : memref<!tpu.dma_semaphore, #tpu.memory_space<semaphore_mem>>
        %dma_start3A = arith.constant 0 : i32
        %dma_start3A_1409 = arith.constant 0 : i32
        %dma_start3A_1410 = tpu.memref_slice %arg24[%add3A_236, %dma_start3A, %dma_start3A_1409] : memref<8x16x32xf32, #tpu.memory_space<vmem_shared>> -> memref<1x16x32xf32, #tpu.memory_space<vmem_shared>>
        %dma_start3A_1411 = tpu.memref_squeeze %dma_start3A_1410 : memref<1x16x32xf32, #tpu.memory_space<vmem_shared>> -> memref<16x32xf32, #tpu.memory_space<vmem_shared>>
        %dma_start3A_1412 = arith.constant 0 : i32
        %dma_start3A_1413 = arith.constant 0 : i32
        %dma_start3A_1414 = tpu.memref_slice %arg24[%add3A_236, %dma_start3A_1412, %dma_start3A_1413] : memref<8x16x32xf32, #tpu.memory_space<vmem_shared>> -> memref<1x16x32xf32, #tpu.memory_space<vmem_shared>>
        %dma_start3A_1415 = tpu.memref_squeeze %dma_start3A_1414 : memref<1x16x32xf32, #tpu.memory_space<vmem_shared>> -> memref<16x32xf32, #tpu.memory_space<vmem_shared>>
        tpu.enqueue_dma source(%dma_start3A_1415 : memref<16x32xf32, #tpu.memory_space<vmem_shared>>) target(%arg22 : memref<16x32xf32, #tpu.memory_space<vmem>>) target_semaphore(%run_scoped3A : memref<!tpu.dma_semaphore, #tpu.memory_space<semaphore_mem>>)
        %dma_wait3A = arith.constant 0 : i32
        %dma_wait3A_1416 = arith.constant 0 : i32
        %dma_wait3A_1417 = tpu.memref_slice %arg24[%add3A_236, %dma_wait3A, %dma_wait3A_1416] : memref<8x16x32xf32, #tpu.memory_space<vmem_shared>> -> memref<1x16x32xf32, #tpu.memory_space<vmem_shared>>
        %dma_wait3A_1418 = tpu.memref_squeeze %dma_wait3A_1417 : memref<1x16x32xf32, #tpu.memory_space<vmem_shared>> -> memref<16x32xf32, #tpu.memory_space<vmem_shared>>
        %dma_wait3A_1419 = arith.constant 0 : i32
        %dma_wait3A_1420 = arith.constant 0 : i32
        %dma_wait3A_1421 = tpu.memref_slice %arg24[%add3A_236, %dma_wait3A_1419, %dma_wait3A_1420] : memref<8x16x32xf32, #tpu.memory_space<vmem_shared>> -> memref<1x16x32xf32, #tpu.memory_space<vmem_shared>>
        %dma_wait3A_1422 = tpu.memref_squeeze %dma_wait3A_1421 : memref<1x16x32xf32, #tpu.memory_space<vmem_shared>> -> memref<16x32xf32, #tpu.memory_space<vmem_shared>>
        tpu.wait_dma2 semaphore(%run_scoped3A : memref<!tpu.dma_semaphore, #tpu.memory_space<semaphore_mem>>) src(%dma_wait3A_1422 : memref<16x32xf32, #tpu.memory_space<vmem_shared>>) dst(%arg22 : memref<16x32xf32, #tpu.memory_space<vmem>>)
        tpu.yield
      }) : () -> ()
      %broadcast_in_dim3A_237 = arith.constant 0 : i32
      %broadcast_in_dim3A_238 = vector.broadcast %broadcast_in_dim3A_237 : i32 to vector<16xi32>
      %gather3A_239 = tpu.vector_load_idx %arg22[%iota3A, %broadcast_in_dim3A_238] : memref<16x32xf32, #tpu.memory_space<vmem>>[vector<16xi32>, vector<16xi32>], vector<16xf32>,
      %broadcast_in_dim3A_240 = arith.constant 1 : i32
      %broadcast_in_dim3A_241 = vector.broadcast %broadcast_in_dim3A_240 : i32 to vector<16xi32>
      %gather3A_242 = tpu.vector_load_idx %arg22[%iota3A, %broadcast_in_dim3A_241] : memref<16x32xf32, #tpu.memory_space<vmem>>[vector<16xi32>, vector<16xi32>], vector<16xf32>,
      %broadcast_in_dim3A_243 = arith.constant 2 : i32
      %broadcast_in_dim3A_244 = vector.broadcast %broadcast_in_dim3A_243 : i32 to vector<16xi32>
      %gather3A_245 = tpu.vector_load_idx %arg22[%iota3A, %broadcast_in_dim3A_244] : memref<16x32xf32, #tpu.memory_space<vmem>>[vector<16xi32>, vector<16xi32>], vector<16xf32>,
      %broadcast_in_dim3A_246 = arith.constant 3 : i32
      %broadcast_in_dim3A_247 = vector.broadcast %broadcast_in_dim3A_246 : i32 to vector<16xi32>
      %gather3A_248 = tpu.vector_load_idx %arg22[%iota3A, %broadcast_in_dim3A_247] : memref<16x32xf32, #tpu.memory_space<vmem>>[vector<16xi32>, vector<16xi32>], vector<16xf32>,
      %broadcast_in_dim3A_249 = arith.constant 4 : i32
      %broadcast_in_dim3A_250 = vector.broadcast %broadcast_in_dim3A_249 : i32 to vector<16xi32>
      %gather3A_251 = tpu.vector_load_idx %arg22[%iota3A, %broadcast_in_dim3A_250] : memref<16x32xf32, #tpu.memory_space<vmem>>[vector<16xi32>, vector<16xi32>], vector<16xf32>,
      %broadcast_in_dim3A_252 = arith.constant 5 : i32
      %broadcast_in_dim3A_253 = vector.broadcast %broadcast_in_dim3A_252 : i32 to vector<16xi32>
      %gather3A_254 = tpu.vector_load_idx %arg22[%iota3A, %broadcast_in_dim3A_253] : memref<16x32xf32, #tpu.memory_space<vmem>>[vector<16xi32>, vector<16xi32>], vector<16xf32>,
      %broadcast_in_dim3A_255 = arith.constant 16 : i32
      %broadcast_in_dim3A_256 = vector.broadcast %broadcast_in_dim3A_255 : i32 to vector<16xi32>
      %gather3A_257 = tpu.vector_load_idx %arg22[%iota3A, %broadcast_in_dim3A_256] : memref<16x32xf32, #tpu.memory_space<vmem>>[vector<16xi32>, vector<16xi32>], vector<16xf32>,
      %broadcast_in_dim3A_258 = arith.constant 17 : i32
      %broadcast_in_dim3A_259 = vector.broadcast %broadcast_in_dim3A_258 : i32 to vector<16xi32>
      %gather3A_260 = tpu.vector_load_idx %arg22[%iota3A, %broadcast_in_dim3A_259] : memref<16x32xf32, #tpu.memory_space<vmem>>[vector<16xi32>, vector<16xi32>], vector<16xf32>,
      %broadcast_in_dim3A_261 = arith.constant 18 : i32
      %broadcast_in_dim3A_262 = vector.broadcast %broadcast_in_dim3A_261 : i32 to vector<16xi32>
      %gather3A_263 = tpu.vector_load_idx %arg22[%iota3A, %broadcast_in_dim3A_262] : memref<16x32xf32, #tpu.memory_space<vmem>>[vector<16xi32>, vector<16xi32>], vector<16xf32>,
      %broadcast_in_dim3A_264 = arith.constant 19 : i32
      %broadcast_in_dim3A_265 = vector.broadcast %broadcast_in_dim3A_264 : i32 to vector<16xi32>
      %gather3A_266 = tpu.vector_load_idx %arg22[%iota3A, %broadcast_in_dim3A_265] : memref<16x32xf32, #tpu.memory_space<vmem>>[vector<16xi32>, vector<16xi32>], vector<16xf32>,
      %broadcast_in_dim3A_267 = arith.constant 20 : i32
      %broadcast_in_dim3A_268 = vector.broadcast %broadcast_in_dim3A_267 : i32 to vector<16xi32>
      %gather3A_269 = tpu.vector_load_idx %arg22[%iota3A, %broadcast_in_dim3A_268] : memref<16x32xf32, #tpu.memory_space<vmem>>[vector<16xi32>, vector<16xi32>], vector<16xf32>,
      %broadcast_in_dim3A_270 = arith.constant 21 : i32
      %broadcast_in_dim3A_271 = vector.broadcast %broadcast_in_dim3A_270 : i32 to vector<16xi32>
      %gather3A_272 = tpu.vector_load_idx %arg22[%iota3A, %broadcast_in_dim3A_271] : memref<16x32xf32, #tpu.memory_space<vmem>>[vector<16xi32>, vector<16xi32>], vector<16xf32>,
      %sub3A_273 = arith.subf %gather3A_251, %gather3A_245 : vector<16xf32>
      %sub3A_274 = arith.subf %gather3A_254, %gather3A_248 : vector<16xf32>
      %mul3A_275 = arith.mulf %sub3A_273, %sub3A_274 : vector<16xf32>
      %sub3A_276 = arith.subf %gather3A_269, %gather3A_263 : vector<16xf32>
      %sub3A_277 = arith.subf %gather3A_272, %gather3A_266 : vector<16xf32>
      %mul3A_278 = arith.mulf %sub3A_276, %sub3A_277 : vector<16xf32>
      %reduce_max3A_279 = arith.constant true
      %reduce_max3A_280 = vector.broadcast %reduce_max3A_279 : i1 to vector<16xi1>
      %reduce_max3A_281 = tpu.scan <max>, %gather3A_239 masked %reduce_max3A_280 : vector<16xf32>, vector<16xi1> -> vector<16xf32>
      %reduce_max3A_282 = vector.extract %reduce_max3A_281[15] : f32 from vector<16xf32>
      %reduce_max3A_283 = arith.constant true
      %reduce_max3A_284 = vector.broadcast %reduce_max3A_283 : i1 to vector<16xi1>
      %reduce_max3A_285 = tpu.scan <max>, %gather3A_257 masked %reduce_max3A_284 : vector<16xf32>, vector<16xi1> -> vector<16xf32>
      %reduce_max3A_286 = vector.extract %reduce_max3A_285[15] : f32 from vector<16xf32>
      %max3A = arith.maximumf %reduce_max3A_282, %reduce_max3A_286 : f32
      %ge3A = arith.cmpf oge, %gather3A_239, %gather3A_257 : vector<16xf32>
      %select_n3A_287 = arith.select %ge3A, %gather3A_239, %gather3A_257 : vector<16xi1>, vector<16xf32>
      %select_n3A_288 = arith.select %ge3A, %gather3A_242, %gather3A_260 : vector<16xi1>, vector<16xf32>
      %select_n3A_289 = arith.select %ge3A, %gather3A_245, %gather3A_263 : vector<16xi1>, vector<16xf32>
      %select_n3A_290 = arith.select %ge3A, %gather3A_248, %gather3A_266 : vector<16xi1>, vector<16xf32>
      %select_n3A_291 = arith.select %ge3A, %gather3A_251, %gather3A_269 : vector<16xi1>, vector<16xf32>
      %select_n3A_292 = arith.select %ge3A, %gather3A_254, %gather3A_272 : vector<16xi1>, vector<16xf32>
      %reduce_max3A_293 = arith.constant true
      %reduce_max3A_294 = vector.broadcast %reduce_max3A_293 : i1 to vector<16xi1>
      %reduce_max3A_295 = tpu.scan <max>, %select_n3A_287 masked %reduce_max3A_294 : vector<16xf32>, vector<16xi1> -> vector<16xf32>
      %reduce_max3A_296 = vector.extract %reduce_max3A_295[15] : f32 from vector<16xf32>
      %gt3A = arith.cmpf ogt, %reduce_max3A_296, %while3A : f32
      %gt3A_297 = arith.cmpf ogt, %reduce_max3A_296, %while3A : f32
      %and3A_298 = arith.andi %gt3A, %gt3A_297 : i1
      %eq3A_299 = vector.broadcast %reduce_max3A_296 : f32 to vector<16xf32>
      %eq3A_300 = arith.cmpf oeq, %select_n3A_287, %eq3A_299 : vector<16xf32>
      %jit3A_301 = arith.constant 3.000000e+07 : f32
      %broadcast_in_dim3A_302 = vector.broadcast %jit3A_301 : f32 to vector<16xf32>
      %select_n3A_303 = arith.select %eq3A_300, %select_n3A_288, %broadcast_in_dim3A_302 : vector<16xi1>, vector<16xf32>
      %reduce_min3A_304 = arith.constant true
      %reduce_min3A_305 = vector.broadcast %reduce_min3A_304 : i1 to vector<16xi1>
      %reduce_min3A_306 = tpu.scan <min>, %select_n3A_303 masked %reduce_min3A_305 : vector<16xf32>, vector<16xi1> -> vector<16xf32>
      %reduce_min3A_307 = vector.extract %reduce_min3A_306[15] : f32 from vector<16xf32>
      %eq3A_308 = vector.broadcast %reduce_max3A_296 : f32 to vector<16xf32>
      %eq3A_309 = arith.cmpf oeq, %select_n3A_287, %eq3A_308 : vector<16xf32>
      %eq3A_310 = vector.broadcast %reduce_min3A_307 : f32 to vector<16xf32>
      %eq3A_311 = arith.cmpf oeq, %select_n3A_288, %eq3A_310 : vector<16xf32>
      %and3A_312 = arith.andi %eq3A_309, %eq3A_311 : vector<16xi1>
      %jit3A_313 = arith.constant -1.000000e+30 : f32
      %broadcast_in_dim3A_314 = vector.broadcast %jit3A_313 : f32 to vector<16xf32>
      %select_n3A_315 = arith.select %and3A_312, %select_n3A_289, %broadcast_in_dim3A_314 : vector<16xi1>, vector<16xf32>
      %reduce_max3A_316 = arith.constant true
      %reduce_max3A_317 = vector.broadcast %reduce_max3A_316 : i1 to vector<16xi1>
      %reduce_max3A_318 = tpu.scan <max>, %select_n3A_315 masked %reduce_max3A_317 : vector<16xf32>, vector<16xi1> -> vector<16xf32>
      %reduce_max3A_319 = vector.extract %reduce_max3A_318[15] : f32 from vector<16xf32>
      %jit3A_320 = arith.constant -1.000000e+30 : f32
      %broadcast_in_dim3A_321 = vector.broadcast %jit3A_320 : f32 to vector<16xf32>
      %select_n3A_322 = arith.select %and3A_312, %select_n3A_290, %broadcast_in_dim3A_321 : vector<16xi1>, vector<16xf32>
      %reduce_max3A_323 = arith.constant true
      %reduce_max3A_324 = vector.broadcast %reduce_max3A_323 : i1 to vector<16xi1>
      %reduce_max3A_325 = tpu.scan <max>, %select_n3A_322 masked %reduce_max3A_324 : vector<16xf32>, vector<16xi1> -> vector<16xf32>
      %reduce_max3A_326 = vector.extract %reduce_max3A_325[15] : f32 from vector<16xf32>
      %jit3A_327 = arith.constant -1.000000e+30 : f32
      %broadcast_in_dim3A_328 = vector.broadcast %jit3A_327 : f32 to vector<16xf32>
      %select_n3A_329 = arith.select %and3A_312, %select_n3A_291, %broadcast_in_dim3A_328 : vector<16xi1>, vector<16xf32>
      %reduce_max3A_330 = arith.constant true
      %reduce_max3A_331 = vector.broadcast %reduce_max3A_330 : i1 to vector<16xi1>
      %reduce_max3A_332 = tpu.scan <max>, %select_n3A_329 masked %reduce_max3A_331 : vector<16xf32>, vector<16xi1> -> vector<16xf32>
      %reduce_max3A_333 = vector.extract %reduce_max3A_332[15] : f32 from vector<16xf32>
      %jit3A_334 = arith.constant -1.000000e+30 : f32
      %broadcast_in_dim3A_335 = vector.broadcast %jit3A_334 : f32 to vector<16xf32>
      %select_n3A_336 = arith.select %and3A_312, %select_n3A_292, %broadcast_in_dim3A_335 : vector<16xi1>, vector<16xf32>
      %reduce_max3A_337 = arith.constant true
      %reduce_max3A_338 = vector.broadcast %reduce_max3A_337 : i1 to vector<16xi1>
      %reduce_max3A_339 = tpu.scan <max>, %select_n3A_336 masked %reduce_max3A_338 : vector<16xf32>, vector<16xi1> -> vector<16xf32>
      %reduce_max3A_340 = vector.extract %reduce_max3A_339[15] : f32 from vector<16xf32>
      %sub3A_341 = arith.subf %reduce_max3A_333, %reduce_max3A_319 : f32
      %sub3A_342 = arith.subf %reduce_max3A_340, %reduce_max3A_326 : f32
      %mul3A_343 = arith.mulf %sub3A_341, %sub3A_342 : f32
      %max3A_344 = vector.broadcast %reduce_max3A_319 : f32 to vector<16xf32>
      %max3A_345 = arith.maximumf %max3A_344, %gather3A_245 : vector<16xf32>
      %max3A_346 = vector.broadcast %reduce_max3A_326 : f32 to vector<16xf32>
      %max3A_347 = arith.maximumf %max3A_346, %gather3A_248 : vector<16xf32>
      %min3A = vector.broadcast %reduce_max3A_333 : f32 to vector<16xf32>
      %min3A_348 = arith.minimumf %min3A, %gather3A_251 : vector<16xf32>
      %min3A_349 = vector.broadcast %reduce_max3A_340 : f32 to vector<16xf32>
      %min3A_350 = arith.minimumf %min3A_349, %gather3A_254 : vector<16xf32>
      %sub3A_351 = arith.subf %min3A_348, %max3A_345 : vector<16xf32>
      %max3A_352 = arith.constant 0.000000e+00 : f32
      %max3A_353 = vector.broadcast %max3A_352 : f32 to vector<16xf32>
      %max3A_354 = arith.maximumf %sub3A_351, %max3A_353 : vector<16xf32>
      %sub3A_355 = arith.subf %min3A_350, %max3A_347 : vector<16xf32>
      %max3A_356 = arith.constant 0.000000e+00 : f32
      %max3A_357 = vector.broadcast %max3A_356 : f32 to vector<16xf32>
      %max3A_358 = arith.maximumf %sub3A_355, %max3A_357 : vector<16xf32>
      %mul3A_359 = arith.mulf %max3A_354, %max3A_358 : vector<16xf32>
      %add3A_360 = vector.broadcast %mul3A_343 : f32 to vector<16xf32>
      %add3A_361 = arith.addf %add3A_360, %mul3A_275 : vector<16xf32>
      %sub3A_362 = arith.subf %add3A_361, %mul3A_359 : vector<16xf32>
      %max3A_363 = arith.constant 9.99999971E-10 : f32
      %max3A_364 = vector.broadcast %max3A_363 : f32 to vector<16xf32>
      %max3A_365 = arith.maximumf %sub3A_362, %max3A_364 : vector<16xf32>
      %div3A_366 = arith.divf %mul3A_359, %max3A_365 : vector<16xf32>
      %ge3A_367 = arith.constant 5.000000e-01 : f32
      %ge3A_368 = vector.broadcast %ge3A_367 : f32 to vector<16xf32>
      %ge3A_369 = arith.cmpf oge, %div3A_366, %ge3A_368 : vector<16xf32>
      %and3A_370 = vector.broadcast %and3A_298 : i1 to vector<16xi1>
      %and3A_371 = arith.andi %ge3A_369, %and3A_370 : vector<16xi1>
      %max3A_372 = vector.broadcast %reduce_max3A_319 : f32 to vector<16xf32>
      %max3A_373 = arith.maximumf %max3A_372, %gather3A_263 : vector<16xf32>
      %max3A_374 = vector.broadcast %reduce_max3A_326 : f32 to vector<16xf32>
      %max3A_375 = arith.maximumf %max3A_374, %gather3A_266 : vector<16xf32>
      %min3A_376 = vector.broadcast %reduce_max3A_333 : f32 to vector<16xf32>
      %min3A_377 = arith.minimumf %min3A_376, %gather3A_269 : vector<16xf32>
      %min3A_378 = vector.broadcast %reduce_max3A_340 : f32 to vector<16xf32>
      %min3A_379 = arith.minimumf %min3A_378, %gather3A_272 : vector<16xf32>
      %sub3A_380 = arith.subf %min3A_377, %max3A_373 : vector<16xf32>
      %max3A_381 = arith.constant 0.000000e+00 : f32
      %max3A_382 = vector.broadcast %max3A_381 : f32 to vector<16xf32>
      %max3A_383 = arith.maximumf %sub3A_380, %max3A_382 : vector<16xf32>
      %sub3A_384 = arith.subf %min3A_379, %max3A_375 : vector<16xf32>
      %max3A_385 = arith.constant 0.000000e+00 : f32
      %max3A_386 = vector.broadcast %max3A_385 : f32 to vector<16xf32>
      %max3A_387 = arith.maximumf %sub3A_384, %max3A_386 : vector<16xf32>
      %mul3A_388 = arith.mulf %max3A_383, %max3A_387 : vector<16xf32>
      %add3A_389 = vector.broadcast %mul3A_343 : f32 to vector<16xf32>
      %add3A_390 = arith.addf %add3A_389, %mul3A_278 : vector<16xf32>
      %sub3A_391 = arith.subf %add3A_390, %mul3A_388 : vector<16xf32>
      %max3A_392 = arith.constant 9.99999971E-10 : f32
      %max3A_393 = vector.broadcast %max3A_392 : f32 to vector<16xf32>
      %max3A_394 = arith.maximumf %sub3A_391, %max3A_393 : vector<16xf32>
      %div3A_395 = arith.divf %mul3A_388, %max3A_394 : vector<16xf32>
      %ge3A_396 = arith.constant 5.000000e-01 : f32
      %ge3A_397 = vector.broadcast %ge3A_396 : f32 to vector<16xf32>
      %ge3A_398 = arith.cmpf oge, %div3A_395, %ge3A_397 : vector<16xf32>
      %and3A_399 = vector.broadcast %and3A_298 : i1 to vector<16xi1>
      %and3A_400 = arith.andi %ge3A_398, %and3A_399 : vector<16xi1>
      %gt3A_401 = vector.broadcast %while3A : f32 to vector<16xf32>
      %gt3A_402 = arith.cmpf ogt, %gather3A_257, %gt3A_401 : vector<16xf32>
      %and3A_403 = arith.andi %and3A_400, %gt3A_402 : vector<16xi1>
      %broadcast_in_dim3A_404 = vector.broadcast %while3A : f32 to vector<16xf32>
      %select_n3A_405 = arith.select %and3A_403, %gather3A_257, %broadcast_in_dim3A_404 : vector<16xi1>, vector<16xf32>
      %reduce_max3A_406 = arith.constant true
      %reduce_max3A_407 = vector.broadcast %reduce_max3A_406 : i1 to vector<16xi1>
      %reduce_max3A_408 = tpu.scan <max>, %select_n3A_405 masked %reduce_max3A_407 : vector<16xf32>, vector<16xi1> -> vector<16xf32>
      %reduce_max3A_409 = vector.extract %reduce_max3A_408[15] : f32 from vector<16xf32>
      %max3A_410 = arith.maximumf %while3A, %reduce_max3A_409 : f32
      %broadcast_in_dim3A_411 = vector.broadcast %while3A : f32 to vector<16xf32>
      %select_n3A_412 = arith.select %and3A_371, %broadcast_in_dim3A_411, %gather3A_239 : vector<16xi1>, vector<16xf32>
      %broadcast_in_dim3A_413 = vector.broadcast %while3A : f32 to vector<16xf32>
      %select_n3A_414 = arith.select %and3A_400, %broadcast_in_dim3A_413, %gather3A_257 : vector<16xi1>, vector<16xf32>
      %and3A_415 = arith.andi %and3A, %and3A_298 : i1
      %eq3A_416 = arith.constant 0 : i32
      %eq3A_417 = vector.broadcast %eq3A_416 : i32 to vector<16xi32>
      %eq3A_418 = arith.cmpi eq, %iota3A, %eq3A_417 : vector<16xi32>
      %and3A_419 = vector.broadcast %and3A_415 : i1 to vector<16xi1>
      %and3A_420 = arith.andi %and3A_419, %eq3A_418 : vector<16xi1>
      %lt3A = arith.constant 300 : i32
      %lt3A_421 = arith.cmpi slt, %while3A_77, %lt3A : i32
      %and3A_422 = vector.broadcast %lt3A_421 : i1 to vector<16xi1>
      %and3A_423 = arith.andi %and3A_420, %and3A_422 : vector<16xi1>
      %jit3A_424 = arith.constant 0.000000e+00 : f32
      %select_n3A_425 = arith.select %and3A_298, %reduce_max3A_296, %jit3A_424 : f32
      %jit3A_426 = arith.constant 0.000000e+00 : f32
      %select_n3A_427 = arith.select %and3A_298, %reduce_max3A_319, %jit3A_426 : f32
      %jit3A_428 = arith.constant 0.000000e+00 : f32
      %select_n3A_429 = arith.select %and3A_298, %reduce_max3A_326, %jit3A_428 : f32
      %jit3A_430 = arith.constant 0.000000e+00 : f32
      %select_n3A_431 = arith.select %and3A_298, %reduce_max3A_333, %jit3A_430 : f32
      %jit3A_432 = arith.constant 0.000000e+00 : f32
      %select_n3A_433 = arith.select %and3A_298, %reduce_max3A_340, %jit3A_432 : f32
      %broadcast_in_dim3A_434 = arith.constant 0 : i32
      %broadcast_in_dim3A_435 = vector.broadcast %broadcast_in_dim3A_434 : i32 to vector<16xi32>
      %add3A_436 = vector.broadcast %while3A_77 : i32 to vector<16xi32>
      %add3A_437 = arith.addi %broadcast_in_dim3A_435, %add3A_436 : vector<16xi32>
      %add3A_438 = vector.broadcast %select_n3A_427 : f32 to vector<16xf32>
      %add3A_439 = arith.addf %add3A_438, %broadcast_in_dim3A_4 : vector<16xf32>
      tpu.vector_store_idx %arg23[%add3A_437], %add3A_439 masked %and3A_423 : memref<2432xf32, #tpu.memory_space<vmem>>[vector<16xi32>], vector<16xf32>, vector<16xi1>
      %broadcast_in_dim3A_440 = arith.constant 304 : i32
      %broadcast_in_dim3A_441 = vector.broadcast %broadcast_in_dim3A_440 : i32 to vector<16xi32>
      %add3A_442 = vector.broadcast %while3A_77 : i32 to vector<16xi32>
      %add3A_443 = arith.addi %broadcast_in_dim3A_441, %add3A_442 : vector<16xi32>
      %add3A_444 = vector.broadcast %select_n3A_429 : f32 to vector<16xf32>
      %add3A_445 = arith.addf %add3A_444, %broadcast_in_dim3A_4 : vector<16xf32>
      tpu.vector_store_idx %arg23[%add3A_443], %add3A_445 masked %and3A_423 : memref<2432xf32, #tpu.memory_space<vmem>>[vector<16xi32>], vector<16xf32>, vector<16xi1>
      %broadcast_in_dim3A_446 = arith.constant 608 : i32
      %broadcast_in_dim3A_447 = vector.broadcast %broadcast_in_dim3A_446 : i32 to vector<16xi32>
      %add3A_448 = vector.broadcast %while3A_77 : i32 to vector<16xi32>
      %add3A_449 = arith.addi %broadcast_in_dim3A_447, %add3A_448 : vector<16xi32>
      %add3A_450 = vector.broadcast %select_n3A_431 : f32 to vector<16xf32>
      %add3A_451 = arith.addf %add3A_450, %broadcast_in_dim3A_4 : vector<16xf32>
      tpu.vector_store_idx %arg23[%add3A_449], %add3A_451 masked %and3A_423 : memref<2432xf32, #tpu.memory_space<vmem>>[vector<16xi32>], vector<16xf32>, vector<16xi1>
      %broadcast_in_dim3A_452 = arith.constant 912 : i32
      %broadcast_in_dim3A_453 = vector.broadcast %broadcast_in_dim3A_452 : i32 to vector<16xi32>
      %add3A_454 = vector.broadcast %while3A_77 : i32 to vector<16xi32>
      %add3A_455 = arith.addi %broadcast_in_dim3A_453, %add3A_454 : vector<16xi32>
      %add3A_456 = vector.broadcast %select_n3A_433 : f32 to vector<16xf32>
      %add3A_457 = arith.addf %add3A_456, %broadcast_in_dim3A_4 : vector<16xf32>
      tpu.vector_store_idx %arg23[%add3A_455], %add3A_457 masked %and3A_423 : memref<2432xf32, #tpu.memory_space<vmem>>[vector<16xi32>], vector<16xf32>, vector<16xi1>
      %broadcast_in_dim3A_458 = arith.constant 1216 : i32
      %broadcast_in_dim3A_459 = vector.broadcast %broadcast_in_dim3A_458 : i32 to vector<16xi32>
      %add3A_460 = vector.broadcast %while3A_77 : i32 to vector<16xi32>
      %add3A_461 = arith.addi %broadcast_in_dim3A_459, %add3A_460 : vector<16xi32>
      %add3A_462 = vector.broadcast %select_n3A_425 : f32 to vector<16xf32>
      %add3A_463 = arith.addf %add3A_462, %broadcast_in_dim3A_4 : vector<16xf32>
      tpu.vector_store_idx %arg23[%add3A_461], %add3A_463 masked %and3A_423 : memref<2432xf32, #tpu.memory_space<vmem>>[vector<16xi32>], vector<16xf32>, vector<16xi1>
      %convert_element_type3A_464 = arith.extui %and3A_298 : i1 to i32
      %add3A_465 = arith.addi %while3A_77, %convert_element_type3A_464 : i32
      %select_n3A_466 = arith.select %and3A_298, %reduce_max3A_319, %while3A_43 : f32
      %select_n3A_467 = arith.select %and3A_298, %reduce_max3A_326, %while3A_44 : f32
      %select_n3A_468 = arith.select %and3A_298, %reduce_max3A_333, %while3A_45 : f32
      %select_n3A_469 = arith.select %and3A_298, %reduce_max3A_340, %while3A_46 : f32
      %ge3A_470 = arith.cmpf oge, %select_n3A_412, %select_n3A_414 : vector<16xf32>
      %select_n3A_471 = arith.select %ge3A_470, %select_n3A_412, %select_n3A_414 : vector<16xi1>, vector<16xf32>
      %select_n3A_472 = arith.select %ge3A_470, %gather3A_242, %gather3A_260 : vector<16xi1>, vector<16xf32>
      %select_n3A_473 = arith.select %ge3A_470, %gather3A_245, %gather3A_263 : vector<16xi1>, vector<16xf32>
      %select_n3A_474 = arith.select %ge3A_470, %gather3A_248, %gather3A_266 : vector<16xi1>, vector<16xf32>
      %select_n3A_475 = arith.select %ge3A_470, %gather3A_251, %gather3A_269 : vector<16xi1>, vector<16xf32>
      %select_n3A_476 = arith.select %ge3A_470, %gather3A_254, %gather3A_272 : vector<16xi1>, vector<16xf32>
      %reduce_max3A_477 = arith.constant true
      %reduce_max3A_478 = vector.broadcast %reduce_max3A_477 : i1 to vector<16xi1>
      %reduce_max3A_479 = tpu.scan <max>, %select_n3A_471 masked %reduce_max3A_478 : vector<16xf32>, vector<16xi1> -> vector<16xf32>
      %reduce_max3A_480 = vector.extract %reduce_max3A_479[15] : f32 from vector<16xf32>
      %gt3A_481 = arith.cmpf ogt, %reduce_max3A_480, %while3A : f32
      %gt3A_482 = arith.cmpf ogt, %reduce_max3A_480, %max3A_410 : f32
      %and3A_483 = arith.andi %gt3A_481, %gt3A_482 : i1
      %eq3A_484 = vector.broadcast %reduce_max3A_480 : f32 to vector<16xf32>
      %eq3A_485 = arith.cmpf oeq, %select_n3A_471, %eq3A_484 : vector<16xf32>
      %jit3A_486 = arith.constant 3.000000e+07 : f32
      %broadcast_in_dim3A_487 = vector.broadcast %jit3A_486 : f32 to vector<16xf32>
      %select_n3A_488 = arith.select %eq3A_485, %select_n3A_472, %broadcast_in_dim3A_487 : vector<16xi1>, vector<16xf32>
      %reduce_min3A_489 = arith.constant true
      %reduce_min3A_490 = vector.broadcast %reduce_min3A_489 : i1 to vector<16xi1>
      %reduce_min3A_491 = tpu.scan <min>, %select_n3A_488 masked %reduce_min3A_490 : vector<16xf32>, vector<16xi1> -> vector<16xf32>
      %reduce_min3A_492 = vector.extract %reduce_min3A_491[15] : f32 from vector<16xf32>
      %eq3A_493 = vector.broadcast %reduce_max3A_480 : f32 to vector<16xf32>
      %eq3A_494 = arith.cmpf oeq, %select_n3A_471, %eq3A_493 : vector<16xf32>
      %eq3A_495 = vector.broadcast %reduce_min3A_492 : f32 to vector<16xf32>
      %eq3A_496 = arith.cmpf oeq, %select_n3A_472, %eq3A_495 : vector<16xf32>
      %and3A_497 = arith.andi %eq3A_494, %eq3A_496 : vector<16xi1>
      %jit3A_498 = arith.constant -1.000000e+30 : f32
      %broadcast_in_dim3A_499 = vector.broadcast %jit3A_498 : f32 to vector<16xf32>
      %select_n3A_500 = arith.select %and3A_497, %select_n3A_473, %broadcast_in_dim3A_499 : vector<16xi1>, vector<16xf32>
      %reduce_max3A_501 = arith.constant true
      %reduce_max3A_502 = vector.broadcast %reduce_max3A_501 : i1 to vector<16xi1>
      %reduce_max3A_503 = tpu.scan <max>, %select_n3A_500 masked %reduce_max3A_502 : vector<16xf32>, vector<16xi1> -> vector<16xf32>
      %reduce_max3A_504 = vector.extract %reduce_max3A_503[15] : f32 from vector<16xf32>
      %jit3A_505 = arith.constant -1.000000e+30 : f32
      %broadcast_in_dim3A_506 = vector.broadcast %jit3A_505 : f32 to vector<16xf32>
      %select_n3A_507 = arith.select %and3A_497, %select_n3A_474, %broadcast_in_dim3A_506 : vector<16xi1>, vector<16xf32>
      %reduce_max3A_508 = arith.constant true
      %reduce_max3A_509 = vector.broadcast %reduce_max3A_508 : i1 to vector<16xi1>
      %reduce_max3A_510 = tpu.scan <max>, %select_n3A_507 masked %reduce_max3A_509 : vector<16xf32>, vector<16xi1> -> vector<16xf32>
      %reduce_max3A_511 = vector.extract %reduce_max3A_510[15] : f32 from vector<16xf32>
      %jit3A_512 = arith.constant -1.000000e+30 : f32
      %broadcast_in_dim3A_513 = vector.broadcast %jit3A_512 : f32 to vector<16xf32>
      %select_n3A_514 = arith.select %and3A_497, %select_n3A_475, %broadcast_in_dim3A_513 : vector<16xi1>, vector<16xf32>
      %reduce_max3A_515 = arith.constant true
      %reduce_max3A_516 = vector.broadcast %reduce_max3A_515 : i1 to vector<16xi1>
      %reduce_max3A_517 = tpu.scan <max>, %select_n3A_514 masked %reduce_max3A_516 : vector<16xf32>, vector<16xi1> -> vector<16xf32>
      %reduce_max3A_518 = vector.extract %reduce_max3A_517[15] : f32 from vector<16xf32>
      %jit3A_519 = arith.constant -1.000000e+30 : f32
      %broadcast_in_dim3A_520 = vector.broadcast %jit3A_519 : f32 to vector<16xf32>
      %select_n3A_521 = arith.select %and3A_497, %select_n3A_476, %broadcast_in_dim3A_520 : vector<16xi1>, vector<16xf32>
      %reduce_max3A_522 = arith.constant true
      %reduce_max3A_523 = vector.broadcast %reduce_max3A_522 : i1 to vector<16xi1>
      %reduce_max3A_524 = tpu.scan <max>, %select_n3A_521 masked %reduce_max3A_523 : vector<16xf32>, vector<16xi1> -> vector<16xf32>
      %reduce_max3A_525 = vector.extract %reduce_max3A_524[15] : f32 from vector<16xf32>
      %sub3A_526 = arith.subf %reduce_max3A_518, %reduce_max3A_504 : f32
      %sub3A_527 = arith.subf %reduce_max3A_525, %reduce_max3A_511 : f32
      %mul3A_528 = arith.mulf %sub3A_526, %sub3A_527 : f32
      %max3A_529 = vector.broadcast %reduce_max3A_504 : f32 to vector<16xf32>
      %max3A_530 = arith.maximumf %max3A_529, %gather3A_245 : vector<16xf32>
      %max3A_531 = vector.broadcast %reduce_max3A_511 : f32 to vector<16xf32>
      %max3A_532 = arith.maximumf %max3A_531, %gather3A_248 : vector<16xf32>
      %min3A_533 = vector.broadcast %reduce_max3A_518 : f32 to vector<16xf32>
      %min3A_534 = arith.minimumf %min3A_533, %gather3A_251 : vector<16xf32>
      %min3A_535 = vector.broadcast %reduce_max3A_525 : f32 to vector<16xf32>
      %min3A_536 = arith.minimumf %min3A_535, %gather3A_254 : vector<16xf32>
      %sub3A_537 = arith.subf %min3A_534, %max3A_530 : vector<16xf32>
      %max3A_538 = arith.constant 0.000000e+00 : f32
      %max3A_539 = vector.broadcast %max3A_538 : f32 to vector<16xf32>
      %max3A_540 = arith.maximumf %sub3A_537, %max3A_539 : vector<16xf32>
      %sub3A_541 = arith.subf %min3A_536, %max3A_532 : vector<16xf32>
      %max3A_542 = arith.constant 0.000000e+00 : f32
      %max3A_543 = vector.broadcast %max3A_542 : f32 to vector<16xf32>
      %max3A_544 = arith.maximumf %sub3A_541, %max3A_543 : vector<16xf32>
      %mul3A_545 = arith.mulf %max3A_540, %max3A_544 : vector<16xf32>
      %add3A_546 = vector.broadcast %mul3A_528 : f32 to vector<16xf32>
      %add3A_547 = arith.addf %add3A_546, %mul3A_275 : vector<16xf32>
      %sub3A_548 = arith.subf %add3A_547, %mul3A_545 : vector<16xf32>
      %max3A_549 = arith.constant 9.99999971E-10 : f32
      %max3A_550 = vector.broadcast %max3A_549 : f32 to vector<16xf32>
      %max3A_551 = arith.maximumf %sub3A_548, %max3A_550 : vector<16xf32>
      %div3A_552 = arith.divf %mul3A_545, %max3A_551 : vector<16xf32>
      %ge3A_553 = arith.constant 5.000000e-01 : f32
      %ge3A_554 = vector.broadcast %ge3A_553 : f32 to vector<16xf32>
      %ge3A_555 = arith.cmpf oge, %div3A_552, %ge3A_554 : vector<16xf32>
      %and3A_556 = vector.broadcast %and3A_483 : i1 to vector<16xi1>
      %and3A_557 = arith.andi %ge3A_555, %and3A_556 : vector<16xi1>
      %max3A_558 = vector.broadcast %reduce_max3A_504 : f32 to vector<16xf32>
      %max3A_559 = arith.maximumf %max3A_558, %gather3A_263 : vector<16xf32>
      %max3A_560 = vector.broadcast %reduce_max3A_511 : f32 to vector<16xf32>
      %max3A_561 = arith.maximumf %max3A_560, %gather3A_266 : vector<16xf32>
      %min3A_562 = vector.broadcast %reduce_max3A_518 : f32 to vector<16xf32>
      %min3A_563 = arith.minimumf %min3A_562, %gather3A_269 : vector<16xf32>
      %min3A_564 = vector.broadcast %reduce_max3A_525 : f32 to vector<16xf32>
      %min3A_565 = arith.minimumf %min3A_564, %gather3A_272 : vector<16xf32>
      %sub3A_566 = arith.subf %min3A_563, %max3A_559 : vector<16xf32>
      %max3A_567 = arith.constant 0.000000e+00 : f32
      %max3A_568 = vector.broadcast %max3A_567 : f32 to vector<16xf32>
      %max3A_569 = arith.maximumf %sub3A_566, %max3A_568 : vector<16xf32>
      %sub3A_570 = arith.subf %min3A_565, %max3A_561 : vector<16xf32>
      %max3A_571 = arith.constant 0.000000e+00 : f32
      %max3A_572 = vector.broadcast %max3A_571 : f32 to vector<16xf32>
      %max3A_573 = arith.maximumf %sub3A_570, %max3A_572 : vector<16xf32>
      %mul3A_574 = arith.mulf %max3A_569, %max3A_573 : vector<16xf32>
      %add3A_575 = vector.broadcast %mul3A_528 : f32 to vector<16xf32>
      %add3A_576 = arith.addf %add3A_575, %mul3A_278 : vector<16xf32>
      %sub3A_577 = arith.subf %add3A_576, %mul3A_574 : vector<16xf32>
      %max3A_578 = arith.constant 9.99999971E-10 : f32
      %max3A_579 = vector.broadcast %max3A_578 : f32 to vector<16xf32>
      %max3A_580 = arith.maximumf %sub3A_577, %max3A_579 : vector<16xf32>
      %div3A_581 = arith.divf %mul3A_574, %max3A_580 : vector<16xf32>
      %ge3A_582 = arith.constant 5.000000e-01 : f32
      %ge3A_583 = vector.broadcast %ge3A_582 : f32 to vector<16xf32>
      %ge3A_584 = arith.cmpf oge, %div3A_581, %ge3A_583 : vector<16xf32>
      %and3A_585 = vector.broadcast %and3A_483 : i1 to vector<16xi1>
      %and3A_586 = arith.andi %ge3A_584, %and3A_585 : vector<16xi1>
      %gt3A_587 = vector.broadcast %while3A : f32 to vector<16xf32>
      %gt3A_588 = arith.cmpf ogt, %select_n3A_414, %gt3A_587 : vector<16xf32>
      %and3A_589 = arith.andi %and3A_586, %gt3A_588 : vector<16xi1>
      %broadcast_in_dim3A_590 = vector.broadcast %while3A : f32 to vector<16xf32>
      %select_n3A_591 = arith.select %and3A_589, %select_n3A_414, %broadcast_in_dim3A_590 : vector<16xi1>, vector<16xf32>
      %reduce_max3A_592 = arith.constant true
      %reduce_max3A_593 = vector.broadcast %reduce_max3A_592 : i1 to vector<16xi1>
      %reduce_max3A_594 = tpu.scan <max>, %select_n3A_591 masked %reduce_max3A_593 : vector<16xf32>, vector<16xi1> -> vector<16xf32>
      %reduce_max3A_595 = vector.extract %reduce_max3A_594[15] : f32 from vector<16xf32>
      %max3A_596 = arith.maximumf %max3A_410, %reduce_max3A_595 : f32
      %broadcast_in_dim3A_597 = vector.broadcast %while3A : f32 to vector<16xf32>
      %select_n3A_598 = arith.select %and3A_557, %broadcast_in_dim3A_597, %select_n3A_412 : vector<16xi1>, vector<16xf32>
      %broadcast_in_dim3A_599 = vector.broadcast %while3A : f32 to vector<16xf32>
      %select_n3A_600 = arith.select %and3A_586, %broadcast_in_dim3A_599, %select_n3A_414 : vector<16xi1>, vector<16xf32>
      %and3A_601 = arith.andi %and3A, %and3A_483 : i1
      %eq3A_602 = arith.constant 0 : i32
      %eq3A_603 = vector.broadcast %eq3A_602 : i32 to vector<16xi32>
      %eq3A_604 = arith.cmpi eq, %iota3A, %eq3A_603 : vector<16xi32>
      %and3A_605 = vector.broadcast %and3A_601 : i1 to vector<16xi1>
      %and3A_606 = arith.andi %and3A_605, %eq3A_604 : vector<16xi1>
      %lt3A_607 = arith.constant 300 : i32
      %lt3A_608 = arith.cmpi slt, %add3A_465, %lt3A_607 : i32
      %and3A_609 = vector.broadcast %lt3A_608 : i1 to vector<16xi1>
      %and3A_610 = arith.andi %and3A_606, %and3A_609 : vector<16xi1>
      %jit3A_611 = arith.constant 0.000000e+00 : f32
      %select_n3A_612 = arith.select %and3A_483, %reduce_max3A_480, %jit3A_611 : f32
      %jit3A_613 = arith.constant 0.000000e+00 : f32
      %select_n3A_614 = arith.select %and3A_483, %reduce_max3A_504, %jit3A_613 : f32
      %jit3A_615 = arith.constant 0.000000e+00 : f32
      %select_n3A_616 = arith.select %and3A_483, %reduce_max3A_511, %jit3A_615 : f32
      %jit3A_617 = arith.constant 0.000000e+00 : f32
      %select_n3A_618 = arith.select %and3A_483, %reduce_max3A_518, %jit3A_617 : f32
      %jit3A_619 = arith.constant 0.000000e+00 : f32
      %select_n3A_620 = arith.select %and3A_483, %reduce_max3A_525, %jit3A_619 : f32
      %broadcast_in_dim3A_621 = arith.constant 0 : i32
      %broadcast_in_dim3A_622 = vector.broadcast %broadcast_in_dim3A_621 : i32 to vector<16xi32>
      %add3A_623 = vector.broadcast %add3A_465 : i32 to vector<16xi32>
      %add3A_624 = arith.addi %broadcast_in_dim3A_622, %add3A_623 : vector<16xi32>
      %add3A_625 = vector.broadcast %select_n3A_614 : f32 to vector<16xf32>
      %add3A_626 = arith.addf %add3A_625, %broadcast_in_dim3A_4 : vector<16xf32>
      tpu.vector_store_idx %arg23[%add3A_624], %add3A_626 masked %and3A_610 : memref<2432xf32, #tpu.memory_space<vmem>>[vector<16xi32>], vector<16xf32>, vector<16xi1>
      %broadcast_in_dim3A_627 = arith.constant 304 : i32
      %broadcast_in_dim3A_628 = vector.broadcast %broadcast_in_dim3A_627 : i32 to vector<16xi32>
      %add3A_629 = vector.broadcast %add3A_465 : i32 to vector<16xi32>
      %add3A_630 = arith.addi %broadcast_in_dim3A_628, %add3A_629 : vector<16xi32>
      %add3A_631 = vector.broadcast %select_n3A_616 : f32 to vector<16xf32>
      %add3A_632 = arith.addf %add3A_631, %broadcast_in_dim3A_4 : vector<16xf32>
      tpu.vector_store_idx %arg23[%add3A_630], %add3A_632 masked %and3A_610 : memref<2432xf32, #tpu.memory_space<vmem>>[vector<16xi32>], vector<16xf32>, vector<16xi1>
      %broadcast_in_dim3A_633 = arith.constant 608 : i32
      %broadcast_in_dim3A_634 = vector.broadcast %broadcast_in_dim3A_633 : i32 to vector<16xi32>
      %add3A_635 = vector.broadcast %add3A_465 : i32 to vector<16xi32>
      %add3A_636 = arith.addi %broadcast_in_dim3A_634, %add3A_635 : vector<16xi32>
      %add3A_637 = vector.broadcast %select_n3A_618 : f32 to vector<16xf32>
      %add3A_638 = arith.addf %add3A_637, %broadcast_in_dim3A_4 : vector<16xf32>
      tpu.vector_store_idx %arg23[%add3A_636], %add3A_638 masked %and3A_610 : memref<2432xf32, #tpu.memory_space<vmem>>[vector<16xi32>], vector<16xf32>, vector<16xi1>
      %broadcast_in_dim3A_639 = arith.constant 912 : i32
      %broadcast_in_dim3A_640 = vector.broadcast %broadcast_in_dim3A_639 : i32 to vector<16xi32>
      %add3A_641 = vector.broadcast %add3A_465 : i32 to vector<16xi32>
      %add3A_642 = arith.addi %broadcast_in_dim3A_640, %add3A_641 : vector<16xi32>
      %add3A_643 = vector.broadcast %select_n3A_620 : f32 to vector<16xf32>
      %add3A_644 = arith.addf %add3A_643, %broadcast_in_dim3A_4 : vector<16xf32>
      tpu.vector_store_idx %arg23[%add3A_642], %add3A_644 masked %and3A_610 : memref<2432xf32, #tpu.memory_space<vmem>>[vector<16xi32>], vector<16xf32>, vector<16xi1>
      %broadcast_in_dim3A_645 = arith.constant 1216 : i32
      %broadcast_in_dim3A_646 = vector.broadcast %broadcast_in_dim3A_645 : i32 to vector<16xi32>
      %add3A_647 = vector.broadcast %add3A_465 : i32 to vector<16xi32>
      %add3A_648 = arith.addi %broadcast_in_dim3A_646, %add3A_647 : vector<16xi32>
      %add3A_649 = vector.broadcast %select_n3A_612 : f32 to vector<16xf32>
      %add3A_650 = arith.addf %add3A_649, %broadcast_in_dim3A_4 : vector<16xf32>
      tpu.vector_store_idx %arg23[%add3A_648], %add3A_650 masked %and3A_610 : memref<2432xf32, #tpu.memory_space<vmem>>[vector<16xi32>], vector<16xf32>, vector<16xi1>
      %convert_element_type3A_651 = arith.extui %and3A_483 : i1 to i32
      %add3A_652 = arith.addi %add3A_465, %convert_element_type3A_651 : i32
      %select_n3A_653 = arith.select %and3A_483, %reduce_max3A_504, %while3A_43 : f32
      %select_n3A_654 = arith.select %and3A_483, %reduce_max3A_511, %while3A_44 : f32
      %select_n3A_655 = arith.select %and3A_483, %reduce_max3A_518, %while3A_45 : f32
      %select_n3A_656 = arith.select %and3A_483, %reduce_max3A_525, %while3A_46 : f32
      %ge3A_657 = arith.cmpf oge, %select_n3A_598, %select_n3A_600 : vector<16xf32>
      %select_n3A_658 = arith.select %ge3A_657, %select_n3A_598, %select_n3A_600 : vector<16xi1>, vector<16xf32>
      %select_n3A_659 = arith.select %ge3A_657, %gather3A_242, %gather3A_260 : vector<16xi1>, vector<16xf32>
      %select_n3A_660 = arith.select %ge3A_657, %gather3A_245, %gather3A_263 : vector<16xi1>, vector<16xf32>
      %select_n3A_661 = arith.select %ge3A_657, %gather3A_248, %gather3A_266 : vector<16xi1>, vector<16xf32>
      %select_n3A_662 = arith.select %ge3A_657, %gather3A_251, %gather3A_269 : vector<16xi1>, vector<16xf32>
      %select_n3A_663 = arith.select %ge3A_657, %gather3A_254, %gather3A_272 : vector<16xi1>, vector<16xf32>
      %reduce_max3A_664 = arith.constant true
      %reduce_max3A_665 = vector.broadcast %reduce_max3A_664 : i1 to vector<16xi1>
      %reduce_max3A_666 = tpu.scan <max>, %select_n3A_658 masked %reduce_max3A_665 : vector<16xf32>, vector<16xi1> -> vector<16xf32>
      %reduce_max3A_667 = vector.extract %reduce_max3A_666[15] : f32 from vector<16xf32>
      %gt3A_668 = arith.cmpf ogt, %reduce_max3A_667, %while3A : f32
      %gt3A_669 = arith.cmpf ogt, %reduce_max3A_667, %max3A_596 : f32
      %and3A_670 = arith.andi %gt3A_668, %gt3A_669 : i1
      %eq3A_671 = vector.broadcast %reduce_max3A_667 : f32 to vector<16xf32>
      %eq3A_672 = arith.cmpf oeq, %select_n3A_658, %eq3A_671 : vector<16xf32>
      %jit3A_673 = arith.constant 3.000000e+07 : f32
      %broadcast_in_dim3A_674 = vector.broadcast %jit3A_673 : f32 to vector<16xf32>
      %select_n3A_675 = arith.select %eq3A_672, %select_n3A_659, %broadcast_in_dim3A_674 : vector<16xi1>, vector<16xf32>
      %reduce_min3A_676 = arith.constant true
      %reduce_min3A_677 = vector.broadcast %reduce_min3A_676 : i1 to vector<16xi1>
      %reduce_min3A_678 = tpu.scan <min>, %select_n3A_675 masked %reduce_min3A_677 : vector<16xf32>, vector<16xi1> -> vector<16xf32>
      %reduce_min3A_679 = vector.extract %reduce_min3A_678[15] : f32 from vector<16xf32>
      %eq3A_680 = vector.broadcast %reduce_max3A_667 : f32 to vector<16xf32>
      %eq3A_681 = arith.cmpf oeq, %select_n3A_658, %eq3A_680 : vector<16xf32>
      %eq3A_682 = vector.broadcast %reduce_min3A_679 : f32 to vector<16xf32>
      %eq3A_683 = arith.cmpf oeq, %select_n3A_659, %eq3A_682 : vector<16xf32>
      %and3A_684 = arith.andi %eq3A_681, %eq3A_683 : vector<16xi1>
      %jit3A_685 = arith.constant -1.000000e+30 : f32
      %broadcast_in_dim3A_686 = vector.broadcast %jit3A_685 : f32 to vector<16xf32>
      %select_n3A_687 = arith.select %and3A_684, %select_n3A_660, %broadcast_in_dim3A_686 : vector<16xi1>, vector<16xf32>
      %reduce_max3A_688 = arith.constant true
      %reduce_max3A_689 = vector.broadcast %reduce_max3A_688 : i1 to vector<16xi1>
      %reduce_max3A_690 = tpu.scan <max>, %select_n3A_687 masked %reduce_max3A_689 : vector<16xf32>, vector<16xi1> -> vector<16xf32>
      %reduce_max3A_691 = vector.extract %reduce_max3A_690[15] : f32 from vector<16xf32>
      %jit3A_692 = arith.constant -1.000000e+30 : f32
      %broadcast_in_dim3A_693 = vector.broadcast %jit3A_692 : f32 to vector<16xf32>
      %select_n3A_694 = arith.select %and3A_684, %select_n3A_661, %broadcast_in_dim3A_693 : vector<16xi1>, vector<16xf32>
      %reduce_max3A_695 = arith.constant true
      %reduce_max3A_696 = vector.broadcast %reduce_max3A_695 : i1 to vector<16xi1>
      %reduce_max3A_697 = tpu.scan <max>, %select_n3A_694 masked %reduce_max3A_696 : vector<16xf32>, vector<16xi1> -> vector<16xf32>
      %reduce_max3A_698 = vector.extract %reduce_max3A_697[15] : f32 from vector<16xf32>
      %jit3A_699 = arith.constant -1.000000e+30 : f32
      %broadcast_in_dim3A_700 = vector.broadcast %jit3A_699 : f32 to vector<16xf32>
      %select_n3A_701 = arith.select %and3A_684, %select_n3A_662, %broadcast_in_dim3A_700 : vector<16xi1>, vector<16xf32>
      %reduce_max3A_702 = arith.constant true
      %reduce_max3A_703 = vector.broadcast %reduce_max3A_702 : i1 to vector<16xi1>
      %reduce_max3A_704 = tpu.scan <max>, %select_n3A_701 masked %reduce_max3A_703 : vector<16xf32>, vector<16xi1> -> vector<16xf32>
      %reduce_max3A_705 = vector.extract %reduce_max3A_704[15] : f32 from vector<16xf32>
      %jit3A_706 = arith.constant -1.000000e+30 : f32
      %broadcast_in_dim3A_707 = vector.broadcast %jit3A_706 : f32 to vector<16xf32>
      %select_n3A_708 = arith.select %and3A_684, %select_n3A_663, %broadcast_in_dim3A_707 : vector<16xi1>, vector<16xf32>
      %reduce_max3A_709 = arith.constant true
      %reduce_max3A_710 = vector.broadcast %reduce_max3A_709 : i1 to vector<16xi1>
      %reduce_max3A_711 = tpu.scan <max>, %select_n3A_708 masked %reduce_max3A_710 : vector<16xf32>, vector<16xi1> -> vector<16xf32>
      %reduce_max3A_712 = vector.extract %reduce_max3A_711[15] : f32 from vector<16xf32>
      %sub3A_713 = arith.subf %reduce_max3A_705, %reduce_max3A_691 : f32
      %sub3A_714 = arith.subf %reduce_max3A_712, %reduce_max3A_698 : f32
      %mul3A_715 = arith.mulf %sub3A_713, %sub3A_714 : f32
      %max3A_716 = vector.broadcast %reduce_max3A_691 : f32 to vector<16xf32>
      %max3A_717 = arith.maximumf %max3A_716, %gather3A_245 : vector<16xf32>
      %max3A_718 = vector.broadcast %reduce_max3A_698 : f32 to vector<16xf32>
      %max3A_719 = arith.maximumf %max3A_718, %gather3A_248 : vector<16xf32>
      %min3A_720 = vector.broadcast %reduce_max3A_705 : f32 to vector<16xf32>
      %min3A_721 = arith.minimumf %min3A_720, %gather3A_251 : vector<16xf32>
      %min3A_722 = vector.broadcast %reduce_max3A_712 : f32 to vector<16xf32>
      %min3A_723 = arith.minimumf %min3A_722, %gather3A_254 : vector<16xf32>
      %sub3A_724 = arith.subf %min3A_721, %max3A_717 : vector<16xf32>
      %max3A_725 = arith.constant 0.000000e+00 : f32
      %max3A_726 = vector.broadcast %max3A_725 : f32 to vector<16xf32>
      %max3A_727 = arith.maximumf %sub3A_724, %max3A_726 : vector<16xf32>
      %sub3A_728 = arith.subf %min3A_723, %max3A_719 : vector<16xf32>
      %max3A_729 = arith.constant 0.000000e+00 : f32
      %max3A_730 = vector.broadcast %max3A_729 : f32 to vector<16xf32>
      %max3A_731 = arith.maximumf %sub3A_728, %max3A_730 : vector<16xf32>
      %mul3A_732 = arith.mulf %max3A_727, %max3A_731 : vector<16xf32>
      %add3A_733 = vector.broadcast %mul3A_715 : f32 to vector<16xf32>
      %add3A_734 = arith.addf %add3A_733, %mul3A_275 : vector<16xf32>
      %sub3A_735 = arith.subf %add3A_734, %mul3A_732 : vector<16xf32>
      %max3A_736 = arith.constant 9.99999971E-10 : f32
      %max3A_737 = vector.broadcast %max3A_736 : f32 to vector<16xf32>
      %max3A_738 = arith.maximumf %sub3A_735, %max3A_737 : vector<16xf32>
      %div3A_739 = arith.divf %mul3A_732, %max3A_738 : vector<16xf32>
      %ge3A_740 = arith.constant 5.000000e-01 : f32
      %ge3A_741 = vector.broadcast %ge3A_740 : f32 to vector<16xf32>
      %ge3A_742 = arith.cmpf oge, %div3A_739, %ge3A_741 : vector<16xf32>
      %and3A_743 = vector.broadcast %and3A_670 : i1 to vector<16xi1>
      %and3A_744 = arith.andi %ge3A_742, %and3A_743 : vector<16xi1>
      %max3A_745 = vector.broadcast %reduce_max3A_691 : f32 to vector<16xf32>
      %max3A_746 = arith.maximumf %max3A_745, %gather3A_263 : vector<16xf32>
      %max3A_747 = vector.broadcast %reduce_max3A_698 : f32 to vector<16xf32>
      %max3A_748 = arith.maximumf %max3A_747, %gather3A_266 : vector<16xf32>
      %min3A_749 = vector.broadcast %reduce_max3A_705 : f32 to vector<16xf32>
      %min3A_750 = arith.minimumf %min3A_749, %gather3A_269 : vector<16xf32>
      %min3A_751 = vector.broadcast %reduce_max3A_712 : f32 to vector<16xf32>
      %min3A_752 = arith.minimumf %min3A_751, %gather3A_272 : vector<16xf32>
      %sub3A_753 = arith.subf %min3A_750, %max3A_746 : vector<16xf32>
      %max3A_754 = arith.constant 0.000000e+00 : f32
      %max3A_755 = vector.broadcast %max3A_754 : f32 to vector<16xf32>
      %max3A_756 = arith.maximumf %sub3A_753, %max3A_755 : vector<16xf32>
      %sub3A_757 = arith.subf %min3A_752, %max3A_748 : vector<16xf32>
      %max3A_758 = arith.constant 0.000000e+00 : f32
      %max3A_759 = vector.broadcast %max3A_758 : f32 to vector<16xf32>
      %max3A_760 = arith.maximumf %sub3A_757, %max3A_759 : vector<16xf32>
      %mul3A_761 = arith.mulf %max3A_756, %max3A_760 : vector<16xf32>
      %add3A_762 = vector.broadcast %mul3A_715 : f32 to vector<16xf32>
      %add3A_763 = arith.addf %add3A_762, %mul3A_278 : vector<16xf32>
      %sub3A_764 = arith.subf %add3A_763, %mul3A_761 : vector<16xf32>
      %max3A_765 = arith.constant 9.99999971E-10 : f32
      %max3A_766 = vector.broadcast %max3A_765 : f32 to vector<16xf32>
      %max3A_767 = arith.maximumf %sub3A_764, %max3A_766 : vector<16xf32>
      %div3A_768 = arith.divf %mul3A_761, %max3A_767 : vector<16xf32>
      %ge3A_769 = arith.constant 5.000000e-01 : f32
      %ge3A_770 = vector.broadcast %ge3A_769 : f32 to vector<16xf32>
      %ge3A_771 = arith.cmpf oge, %div3A_768, %ge3A_770 : vector<16xf32>
      %and3A_772 = vector.broadcast %and3A_670 : i1 to vector<16xi1>
      %and3A_773 = arith.andi %ge3A_771, %and3A_772 : vector<16xi1>
      %gt3A_774 = vector.broadcast %while3A : f32 to vector<16xf32>
      %gt3A_775 = arith.cmpf ogt, %select_n3A_600, %gt3A_774 : vector<16xf32>
      %and3A_776 = arith.andi %and3A_773, %gt3A_775 : vector<16xi1>
      %broadcast_in_dim3A_777 = vector.broadcast %while3A : f32 to vector<16xf32>
      %select_n3A_778 = arith.select %and3A_776, %select_n3A_600, %broadcast_in_dim3A_777 : vector<16xi1>, vector<16xf32>
      %reduce_max3A_779 = arith.constant true
      %reduce_max3A_780 = vector.broadcast %reduce_max3A_779 : i1 to vector<16xi1>
      %reduce_max3A_781 = tpu.scan <max>, %select_n3A_778 masked %reduce_max3A_780 : vector<16xf32>, vector<16xi1> -> vector<16xf32>
      %reduce_max3A_782 = vector.extract %reduce_max3A_781[15] : f32 from vector<16xf32>
      %max3A_783 = arith.maximumf %max3A_596, %reduce_max3A_782 : f32
      %broadcast_in_dim3A_784 = vector.broadcast %while3A : f32 to vector<16xf32>
      %select_n3A_785 = arith.select %and3A_744, %broadcast_in_dim3A_784, %select_n3A_598 : vector<16xi1>, vector<16xf32>
      %broadcast_in_dim3A_786 = vector.broadcast %while3A : f32 to vector<16xf32>
      %select_n3A_787 = arith.select %and3A_773, %broadcast_in_dim3A_786, %select_n3A_600 : vector<16xi1>, vector<16xf32>
      %and3A_788 = arith.andi %and3A, %and3A_670 : i1
      %eq3A_789 = arith.constant 0 : i32
      %eq3A_790 = vector.broadcast %eq3A_789 : i32 to vector<16xi32>
      %eq3A_791 = arith.cmpi eq, %iota3A, %eq3A_790 : vector<16xi32>
      %and3A_792 = vector.broadcast %and3A_788 : i1 to vector<16xi1>
      %and3A_793 = arith.andi %and3A_792, %eq3A_791 : vector<16xi1>
      %lt3A_794 = arith.constant 300 : i32
      %lt3A_795 = arith.cmpi slt, %add3A_652, %lt3A_794 : i32
      %and3A_796 = vector.broadcast %lt3A_795 : i1 to vector<16xi1>
      %and3A_797 = arith.andi %and3A_793, %and3A_796 : vector<16xi1>
      %jit3A_798 = arith.constant 0.000000e+00 : f32
      %select_n3A_799 = arith.select %and3A_670, %reduce_max3A_667, %jit3A_798 : f32
      %jit3A_800 = arith.constant 0.000000e+00 : f32
      %select_n3A_801 = arith.select %and3A_670, %reduce_max3A_691, %jit3A_800 : f32
      %jit3A_802 = arith.constant 0.000000e+00 : f32
      %select_n3A_803 = arith.select %and3A_670, %reduce_max3A_698, %jit3A_802 : f32
      %jit3A_804 = arith.constant 0.000000e+00 : f32
      %select_n3A_805 = arith.select %and3A_670, %reduce_max3A_705, %jit3A_804 : f32
      %jit3A_806 = arith.constant 0.000000e+00 : f32
      %select_n3A_807 = arith.select %and3A_670, %reduce_max3A_712, %jit3A_806 : f32
      %broadcast_in_dim3A_808 = arith.constant 0 : i32
      %broadcast_in_dim3A_809 = vector.broadcast %broadcast_in_dim3A_808 : i32 to vector<16xi32>
      %add3A_810 = vector.broadcast %add3A_652 : i32 to vector<16xi32>
      %add3A_811 = arith.addi %broadcast_in_dim3A_809, %add3A_810 : vector<16xi32>
      %add3A_812 = vector.broadcast %select_n3A_801 : f32 to vector<16xf32>
      %add3A_813 = arith.addf %add3A_812, %broadcast_in_dim3A_4 : vector<16xf32>
      tpu.vector_store_idx %arg23[%add3A_811], %add3A_813 masked %and3A_797 : memref<2432xf32, #tpu.memory_space<vmem>>[vector<16xi32>], vector<16xf32>, vector<16xi1>
      %broadcast_in_dim3A_814 = arith.constant 304 : i32
      %broadcast_in_dim3A_815 = vector.broadcast %broadcast_in_dim3A_814 : i32 to vector<16xi32>
      %add3A_816 = vector.broadcast %add3A_652 : i32 to vector<16xi32>
      %add3A_817 = arith.addi %broadcast_in_dim3A_815, %add3A_816 : vector<16xi32>
      %add3A_818 = vector.broadcast %select_n3A_803 : f32 to vector<16xf32>
      %add3A_819 = arith.addf %add3A_818, %broadcast_in_dim3A_4 : vector<16xf32>
      tpu.vector_store_idx %arg23[%add3A_817], %add3A_819 masked %and3A_797 : memref<2432xf32, #tpu.memory_space<vmem>>[vector<16xi32>], vector<16xf32>, vector<16xi1>
      %broadcast_in_dim3A_820 = arith.constant 608 : i32
      %broadcast_in_dim3A_821 = vector.broadcast %broadcast_in_dim3A_820 : i32 to vector<16xi32>
      %add3A_822 = vector.broadcast %add3A_652 : i32 to vector<16xi32>
      %add3A_823 = arith.addi %broadcast_in_dim3A_821, %add3A_822 : vector<16xi32>
      %add3A_824 = vector.broadcast %select_n3A_805 : f32 to vector<16xf32>
      %add3A_825 = arith.addf %add3A_824, %broadcast_in_dim3A_4 : vector<16xf32>
      tpu.vector_store_idx %arg23[%add3A_823], %add3A_825 masked %and3A_797 : memref<2432xf32, #tpu.memory_space<vmem>>[vector<16xi32>], vector<16xf32>, vector<16xi1>
      %broadcast_in_dim3A_826 = arith.constant 912 : i32
      %broadcast_in_dim3A_827 = vector.broadcast %broadcast_in_dim3A_826 : i32 to vector<16xi32>
      %add3A_828 = vector.broadcast %add3A_652 : i32 to vector<16xi32>
      %add3A_829 = arith.addi %broadcast_in_dim3A_827, %add3A_828 : vector<16xi32>
      %add3A_830 = vector.broadcast %select_n3A_807 : f32 to vector<16xf32>
      %add3A_831 = arith.addf %add3A_830, %broadcast_in_dim3A_4 : vector<16xf32>
      tpu.vector_store_idx %arg23[%add3A_829], %add3A_831 masked %and3A_797 : memref<2432xf32, #tpu.memory_space<vmem>>[vector<16xi32>], vector<16xf32>, vector<16xi1>
      %broadcast_in_dim3A_832 = arith.constant 1216 : i32
      %broadcast_in_dim3A_833 = vector.broadcast %broadcast_in_dim3A_832 : i32 to vector<16xi32>
      %add3A_834 = vector.broadcast %add3A_652 : i32 to vector<16xi32>
      %add3A_835 = arith.addi %broadcast_in_dim3A_833, %add3A_834 : vector<16xi32>
      %add3A_836 = vector.broadcast %select_n3A_799 : f32 to vector<16xf32>
      %add3A_837 = arith.addf %add3A_836, %broadcast_in_dim3A_4 : vector<16xf32>
      tpu.vector_store_idx %arg23[%add3A_835], %add3A_837 masked %and3A_797 : memref<2432xf32, #tpu.memory_space<vmem>>[vector<16xi32>], vector<16xf32>, vector<16xi1>
      %convert_element_type3A_838 = arith.extui %and3A_670 : i1 to i32
      %add3A_839 = arith.addi %add3A_652, %convert_element_type3A_838 : i32
      %select_n3A_840 = arith.select %and3A_670, %reduce_max3A_691, %while3A_43 : f32
      %select_n3A_841 = arith.select %and3A_670, %reduce_max3A_698, %while3A_44 : f32
      %select_n3A_842 = arith.select %and3A_670, %reduce_max3A_705, %while3A_45 : f32
      %select_n3A_843 = arith.select %and3A_670, %reduce_max3A_712, %while3A_46 : f32
      %ge3A_844 = arith.cmpf oge, %select_n3A_785, %select_n3A_787 : vector<16xf32>
      %select_n3A_845 = arith.select %ge3A_844, %select_n3A_785, %select_n3A_787 : vector<16xi1>, vector<16xf32>
      %select_n3A_846 = arith.select %ge3A_844, %gather3A_242, %gather3A_260 : vector<16xi1>, vector<16xf32>
      %select_n3A_847 = arith.select %ge3A_844, %gather3A_245, %gather3A_263 : vector<16xi1>, vector<16xf32>
      %select_n3A_848 = arith.select %ge3A_844, %gather3A_248, %gather3A_266 : vector<16xi1>, vector<16xf32>
      %select_n3A_849 = arith.select %ge3A_844, %gather3A_251, %gather3A_269 : vector<16xi1>, vector<16xf32>
      %select_n3A_850 = arith.select %ge3A_844, %gather3A_254, %gather3A_272 : vector<16xi1>, vector<16xf32>
      %reduce_max3A_851 = arith.constant true
      %reduce_max3A_852 = vector.broadcast %reduce_max3A_851 : i1 to vector<16xi1>
      %reduce_max3A_853 = tpu.scan <max>, %select_n3A_845 masked %reduce_max3A_852 : vector<16xf32>, vector<16xi1> -> vector<16xf32>
      %reduce_max3A_854 = vector.extract %reduce_max3A_853[15] : f32 from vector<16xf32>
      %gt3A_855 = arith.cmpf ogt, %reduce_max3A_854, %while3A : f32
      %gt3A_856 = arith.cmpf ogt, %reduce_max3A_854, %max3A_783 : f32
      %and3A_857 = arith.andi %gt3A_855, %gt3A_856 : i1
      %eq3A_858 = vector.broadcast %reduce_max3A_854 : f32 to vector<16xf32>
      %eq3A_859 = arith.cmpf oeq, %select_n3A_845, %eq3A_858 : vector<16xf32>
      %jit3A_860 = arith.constant 3.000000e+07 : f32
      %broadcast_in_dim3A_861 = vector.broadcast %jit3A_860 : f32 to vector<16xf32>
      %select_n3A_862 = arith.select %eq3A_859, %select_n3A_846, %broadcast_in_dim3A_861 : vector<16xi1>, vector<16xf32>
      %reduce_min3A_863 = arith.constant true
      %reduce_min3A_864 = vector.broadcast %reduce_min3A_863 : i1 to vector<16xi1>
      %reduce_min3A_865 = tpu.scan <min>, %select_n3A_862 masked %reduce_min3A_864 : vector<16xf32>, vector<16xi1> -> vector<16xf32>
      %reduce_min3A_866 = vector.extract %reduce_min3A_865[15] : f32 from vector<16xf32>
      %eq3A_867 = vector.broadcast %reduce_max3A_854 : f32 to vector<16xf32>
      %eq3A_868 = arith.cmpf oeq, %select_n3A_845, %eq3A_867 : vector<16xf32>
      %eq3A_869 = vector.broadcast %reduce_min3A_866 : f32 to vector<16xf32>
      %eq3A_870 = arith.cmpf oeq, %select_n3A_846, %eq3A_869 : vector<16xf32>
      %and3A_871 = arith.andi %eq3A_868, %eq3A_870 : vector<16xi1>
      %jit3A_872 = arith.constant -1.000000e+30 : f32
      %broadcast_in_dim3A_873 = vector.broadcast %jit3A_872 : f32 to vector<16xf32>
      %select_n3A_874 = arith.select %and3A_871, %select_n3A_847, %broadcast_in_dim3A_873 : vector<16xi1>, vector<16xf32>
      %reduce_max3A_875 = arith.constant true
      %reduce_max3A_876 = vector.broadcast %reduce_max3A_875 : i1 to vector<16xi1>
      %reduce_max3A_877 = tpu.scan <max>, %select_n3A_874 masked %reduce_max3A_876 : vector<16xf32>, vector<16xi1> -> vector<16xf32>
      %reduce_max3A_878 = vector.extract %reduce_max3A_877[15] : f32 from vector<16xf32>
      %jit3A_879 = arith.constant -1.000000e+30 : f32
      %broadcast_in_dim3A_880 = vector.broadcast %jit3A_879 : f32 to vector<16xf32>
      %select_n3A_881 = arith.select %and3A_871, %select_n3A_848, %broadcast_in_dim3A_880 : vector<16xi1>, vector<16xf32>
      %reduce_max3A_882 = arith.constant true
      %reduce_max3A_883 = vector.broadcast %reduce_max3A_882 : i1 to vector<16xi1>
      %reduce_max3A_884 = tpu.scan <max>, %select_n3A_881 masked %reduce_max3A_883 : vector<16xf32>, vector<16xi1> -> vector<16xf32>
      %reduce_max3A_885 = vector.extract %reduce_max3A_884[15] : f32 from vector<16xf32>
      %jit3A_886 = arith.constant -1.000000e+30 : f32
      %broadcast_in_dim3A_887 = vector.broadcast %jit3A_886 : f32 to vector<16xf32>
      %select_n3A_888 = arith.select %and3A_871, %select_n3A_849, %broadcast_in_dim3A_887 : vector<16xi1>, vector<16xf32>
      %reduce_max3A_889 = arith.constant true
      %reduce_max3A_890 = vector.broadcast %reduce_max3A_889 : i1 to vector<16xi1>
      %reduce_max3A_891 = tpu.scan <max>, %select_n3A_888 masked %reduce_max3A_890 : vector<16xf32>, vector<16xi1> -> vector<16xf32>
      %reduce_max3A_892 = vector.extract %reduce_max3A_891[15] : f32 from vector<16xf32>
      %jit3A_893 = arith.constant -1.000000e+30 : f32
      %broadcast_in_dim3A_894 = vector.broadcast %jit3A_893 : f32 to vector<16xf32>
      %select_n3A_895 = arith.select %and3A_871, %select_n3A_850, %broadcast_in_dim3A_894 : vector<16xi1>, vector<16xf32>
      %reduce_max3A_896 = arith.constant true
      %reduce_max3A_897 = vector.broadcast %reduce_max3A_896 : i1 to vector<16xi1>
      %reduce_max3A_898 = tpu.scan <max>, %select_n3A_895 masked %reduce_max3A_897 : vector<16xf32>, vector<16xi1> -> vector<16xf32>
      %reduce_max3A_899 = vector.extract %reduce_max3A_898[15] : f32 from vector<16xf32>
      %sub3A_900 = arith.subf %reduce_max3A_892, %reduce_max3A_878 : f32
      %sub3A_901 = arith.subf %reduce_max3A_899, %reduce_max3A_885 : f32
      %mul3A_902 = arith.mulf %sub3A_900, %sub3A_901 : f32
      %max3A_903 = vector.broadcast %reduce_max3A_878 : f32 to vector<16xf32>
      %max3A_904 = arith.maximumf %max3A_903, %gather3A_245 : vector<16xf32>
      %max3A_905 = vector.broadcast %reduce_max3A_885 : f32 to vector<16xf32>
      %max3A_906 = arith.maximumf %max3A_905, %gather3A_248 : vector<16xf32>
      %min3A_907 = vector.broadcast %reduce_max3A_892 : f32 to vector<16xf32>
      %min3A_908 = arith.minimumf %min3A_907, %gather3A_251 : vector<16xf32>
      %min3A_909 = vector.broadcast %reduce_max3A_899 : f32 to vector<16xf32>
      %min3A_910 = arith.minimumf %min3A_909, %gather3A_254 : vector<16xf32>
      %sub3A_911 = arith.subf %min3A_908, %max3A_904 : vector<16xf32>
      %max3A_912 = arith.constant 0.000000e+00 : f32
      %max3A_913 = vector.broadcast %max3A_912 : f32 to vector<16xf32>
      %max3A_914 = arith.maximumf %sub3A_911, %max3A_913 : vector<16xf32>
      %sub3A_915 = arith.subf %min3A_910, %max3A_906 : vector<16xf32>
      %max3A_916 = arith.constant 0.000000e+00 : f32
      %max3A_917 = vector.broadcast %max3A_916 : f32 to vector<16xf32>
      %max3A_918 = arith.maximumf %sub3A_915, %max3A_917 : vector<16xf32>
      %mul3A_919 = arith.mulf %max3A_914, %max3A_918 : vector<16xf32>
      %add3A_920 = vector.broadcast %mul3A_902 : f32 to vector<16xf32>
      %add3A_921 = arith.addf %add3A_920, %mul3A_275 : vector<16xf32>
      %sub3A_922 = arith.subf %add3A_921, %mul3A_919 : vector<16xf32>
      %max3A_923 = arith.constant 9.99999971E-10 : f32
      %max3A_924 = vector.broadcast %max3A_923 : f32 to vector<16xf32>
      %max3A_925 = arith.maximumf %sub3A_922, %max3A_924 : vector<16xf32>
      %div3A_926 = arith.divf %mul3A_919, %max3A_925 : vector<16xf32>
      %ge3A_927 = arith.constant 5.000000e-01 : f32
      %ge3A_928 = vector.broadcast %ge3A_927 : f32 to vector<16xf32>
      %ge3A_929 = arith.cmpf oge, %div3A_926, %ge3A_928 : vector<16xf32>
      %and3A_930 = vector.broadcast %and3A_857 : i1 to vector<16xi1>
      %and3A_931 = arith.andi %ge3A_929, %and3A_930 : vector<16xi1>
      %max3A_932 = vector.broadcast %reduce_max3A_878 : f32 to vector<16xf32>
      %max3A_933 = arith.maximumf %max3A_932, %gather3A_263 : vector<16xf32>
      %max3A_934 = vector.broadcast %reduce_max3A_885 : f32 to vector<16xf32>
      %max3A_935 = arith.maximumf %max3A_934, %gather3A_266 : vector<16xf32>
      %min3A_936 = vector.broadcast %reduce_max3A_892 : f32 to vector<16xf32>
      %min3A_937 = arith.minimumf %min3A_936, %gather3A_269 : vector<16xf32>
      %min3A_938 = vector.broadcast %reduce_max3A_899 : f32 to vector<16xf32>
      %min3A_939 = arith.minimumf %min3A_938, %gather3A_272 : vector<16xf32>
      %sub3A_940 = arith.subf %min3A_937, %max3A_933 : vector<16xf32>
      %max3A_941 = arith.constant 0.000000e+00 : f32
      %max3A_942 = vector.broadcast %max3A_941 : f32 to vector<16xf32>
      %max3A_943 = arith.maximumf %sub3A_940, %max3A_942 : vector<16xf32>
      %sub3A_944 = arith.subf %min3A_939, %max3A_935 : vector<16xf32>
      %max3A_945 = arith.constant 0.000000e+00 : f32
      %max3A_946 = vector.broadcast %max3A_945 : f32 to vector<16xf32>
      %max3A_947 = arith.maximumf %sub3A_944, %max3A_946 : vector<16xf32>
      %mul3A_948 = arith.mulf %max3A_943, %max3A_947 : vector<16xf32>
      %add3A_949 = vector.broadcast %mul3A_902 : f32 to vector<16xf32>
      %add3A_950 = arith.addf %add3A_949, %mul3A_278 : vector<16xf32>
      %sub3A_951 = arith.subf %add3A_950, %mul3A_948 : vector<16xf32>
      %max3A_952 = arith.constant 9.99999971E-10 : f32
      %max3A_953 = vector.broadcast %max3A_952 : f32 to vector<16xf32>
      %max3A_954 = arith.maximumf %sub3A_951, %max3A_953 : vector<16xf32>
      %div3A_955 = arith.divf %mul3A_948, %max3A_954 : vector<16xf32>
      %ge3A_956 = arith.constant 5.000000e-01 : f32
      %ge3A_957 = vector.broadcast %ge3A_956 : f32 to vector<16xf32>
      %ge3A_958 = arith.cmpf oge, %div3A_955, %ge3A_957 : vector<16xf32>
      %and3A_959 = vector.broadcast %and3A_857 : i1 to vector<16xi1>
      %and3A_960 = arith.andi %ge3A_958, %and3A_959 : vector<16xi1>
      %gt3A_961 = vector.broadcast %while3A : f32 to vector<16xf32>
      %gt3A_962 = arith.cmpf ogt, %select_n3A_787, %gt3A_961 : vector<16xf32>
      %and3A_963 = arith.andi %and3A_960, %gt3A_962 : vector<16xi1>
      %broadcast_in_dim3A_964 = vector.broadcast %while3A : f32 to vector<16xf32>
      %select_n3A_965 = arith.select %and3A_963, %select_n3A_787, %broadcast_in_dim3A_964 : vector<16xi1>, vector<16xf32>
      %reduce_max3A_966 = arith.constant true
      %reduce_max3A_967 = vector.broadcast %reduce_max3A_966 : i1 to vector<16xi1>
      %reduce_max3A_968 = tpu.scan <max>, %select_n3A_965 masked %reduce_max3A_967 : vector<16xf32>, vector<16xi1> -> vector<16xf32>
      %reduce_max3A_969 = vector.extract %reduce_max3A_968[15] : f32 from vector<16xf32>
      %max3A_970 = arith.maximumf %max3A_783, %reduce_max3A_969 : f32
      %broadcast_in_dim3A_971 = vector.broadcast %while3A : f32 to vector<16xf32>
      %select_n3A_972 = arith.select %and3A_931, %broadcast_in_dim3A_971, %select_n3A_785 : vector<16xi1>, vector<16xf32>
      %broadcast_in_dim3A_973 = vector.broadcast %while3A : f32 to vector<16xf32>
      %select_n3A_974 = arith.select %and3A_960, %broadcast_in_dim3A_973, %select_n3A_787 : vector<16xi1>, vector<16xf32>
      %and3A_975 = arith.andi %and3A, %and3A_857 : i1
      %eq3A_976 = arith.constant 0 : i32
      %eq3A_977 = vector.broadcast %eq3A_976 : i32 to vector<16xi32>
      %eq3A_978 = arith.cmpi eq, %iota3A, %eq3A_977 : vector<16xi32>
      %and3A_979 = vector.broadcast %and3A_975 : i1 to vector<16xi1>
      %and3A_980 = arith.andi %and3A_979, %eq3A_978 : vector<16xi1>
      %lt3A_981 = arith.constant 300 : i32
      %lt3A_982 = arith.cmpi slt, %add3A_839, %lt3A_981 : i32
      %and3A_983 = vector.broadcast %lt3A_982 : i1 to vector<16xi1>
      %and3A_984 = arith.andi %and3A_980, %and3A_983 : vector<16xi1>
      %jit3A_985 = arith.constant 0.000000e+00 : f32
      %select_n3A_986 = arith.select %and3A_857, %reduce_max3A_854, %jit3A_985 : f32
      %jit3A_987 = arith.constant 0.000000e+00 : f32
      %select_n3A_988 = arith.select %and3A_857, %reduce_max3A_878, %jit3A_987 : f32
      %jit3A_989 = arith.constant 0.000000e+00 : f32
      %select_n3A_990 = arith.select %and3A_857, %reduce_max3A_885, %jit3A_989 : f32
      %jit3A_991 = arith.constant 0.000000e+00 : f32
      %select_n3A_992 = arith.select %and3A_857, %reduce_max3A_892, %jit3A_991 : f32
      %jit3A_993 = arith.constant 0.000000e+00 : f32
      %select_n3A_994 = arith.select %and3A_857, %reduce_max3A_899, %jit3A_993 : f32
      %broadcast_in_dim3A_995 = arith.constant 0 : i32
      %broadcast_in_dim3A_996 = vector.broadcast %broadcast_in_dim3A_995 : i32 to vector<16xi32>
      %add3A_997 = vector.broadcast %add3A_839 : i32 to vector<16xi32>
      %add3A_998 = arith.addi %broadcast_in_dim3A_996, %add3A_997 : vector<16xi32>
      %add3A_999 = vector.broadcast %select_n3A_988 : f32 to vector<16xf32>
      %add3A_1000 = arith.addf %add3A_999, %broadcast_in_dim3A_4 : vector<16xf32>
      tpu.vector_store_idx %arg23[%add3A_998], %add3A_1000 masked %and3A_984 : memref<2432xf32, #tpu.memory_space<vmem>>[vector<16xi32>], vector<16xf32>, vector<16xi1>
      %broadcast_in_dim3A_1001 = arith.constant 304 : i32
      %broadcast_in_dim3A_1002 = vector.broadcast %broadcast_in_dim3A_1001 : i32 to vector<16xi32>
      %add3A_1003 = vector.broadcast %add3A_839 : i32 to vector<16xi32>
      %add3A_1004 = arith.addi %broadcast_in_dim3A_1002, %add3A_1003 : vector<16xi32>
      %add3A_1005 = vector.broadcast %select_n3A_990 : f32 to vector<16xf32>
      %add3A_1006 = arith.addf %add3A_1005, %broadcast_in_dim3A_4 : vector<16xf32>
      tpu.vector_store_idx %arg23[%add3A_1004], %add3A_1006 masked %and3A_984 : memref<2432xf32, #tpu.memory_space<vmem>>[vector<16xi32>], vector<16xf32>, vector<16xi1>
      %broadcast_in_dim3A_1007 = arith.constant 608 : i32
      %broadcast_in_dim3A_1008 = vector.broadcast %broadcast_in_dim3A_1007 : i32 to vector<16xi32>
      %add3A_1009 = vector.broadcast %add3A_839 : i32 to vector<16xi32>
      %add3A_1010 = arith.addi %broadcast_in_dim3A_1008, %add3A_1009 : vector<16xi32>
      %add3A_1011 = vector.broadcast %select_n3A_992 : f32 to vector<16xf32>
      %add3A_1012 = arith.addf %add3A_1011, %broadcast_in_dim3A_4 : vector<16xf32>
      tpu.vector_store_idx %arg23[%add3A_1010], %add3A_1012 masked %and3A_984 : memref<2432xf32, #tpu.memory_space<vmem>>[vector<16xi32>], vector<16xf32>, vector<16xi1>
      %broadcast_in_dim3A_1013 = arith.constant 912 : i32
      %broadcast_in_dim3A_1014 = vector.broadcast %broadcast_in_dim3A_1013 : i32 to vector<16xi32>
      %add3A_1015 = vector.broadcast %add3A_839 : i32 to vector<16xi32>
      %add3A_1016 = arith.addi %broadcast_in_dim3A_1014, %add3A_1015 : vector<16xi32>
      %add3A_1017 = vector.broadcast %select_n3A_994 : f32 to vector<16xf32>
      %add3A_1018 = arith.addf %add3A_1017, %broadcast_in_dim3A_4 : vector<16xf32>
      tpu.vector_store_idx %arg23[%add3A_1016], %add3A_1018 masked %and3A_984 : memref<2432xf32, #tpu.memory_space<vmem>>[vector<16xi32>], vector<16xf32>, vector<16xi1>
      %broadcast_in_dim3A_1019 = arith.constant 1216 : i32
      %broadcast_in_dim3A_1020 = vector.broadcast %broadcast_in_dim3A_1019 : i32 to vector<16xi32>
      %add3A_1021 = vector.broadcast %add3A_839 : i32 to vector<16xi32>
      %add3A_1022 = arith.addi %broadcast_in_dim3A_1020, %add3A_1021 : vector<16xi32>
      %add3A_1023 = vector.broadcast %select_n3A_986 : f32 to vector<16xf32>
      %add3A_1024 = arith.addf %add3A_1023, %broadcast_in_dim3A_4 : vector<16xf32>
      tpu.vector_store_idx %arg23[%add3A_1022], %add3A_1024 masked %and3A_984 : memref<2432xf32, #tpu.memory_space<vmem>>[vector<16xi32>], vector<16xf32>, vector<16xi1>
      %convert_element_type3A_1025 = arith.extui %and3A_857 : i1 to i32
      %add3A_1026 = arith.addi %add3A_839, %convert_element_type3A_1025 : i32
      %select_n3A_1027 = arith.select %and3A_857, %reduce_max3A_878, %while3A_43 : f32
      %select_n3A_1028 = arith.select %and3A_857, %reduce_max3A_885, %while3A_44 : f32
      %select_n3A_1029 = arith.select %and3A_857, %reduce_max3A_892, %while3A_45 : f32
      %select_n3A_1030 = arith.select %and3A_857, %reduce_max3A_899, %while3A_46 : f32
      %ge3A_1031 = arith.cmpf oge, %select_n3A_972, %select_n3A_974 : vector<16xf32>
      %select_n3A_1032 = arith.select %ge3A_1031, %select_n3A_972, %select_n3A_974 : vector<16xi1>, vector<16xf32>
      %select_n3A_1033 = arith.select %ge3A_1031, %gather3A_242, %gather3A_260 : vector<16xi1>, vector<16xf32>
      %select_n3A_1034 = arith.select %ge3A_1031, %gather3A_245, %gather3A_263 : vector<16xi1>, vector<16xf32>
      %select_n3A_1035 = arith.select %ge3A_1031, %gather3A_248, %gather3A_266 : vector<16xi1>, vector<16xf32>
      %select_n3A_1036 = arith.select %ge3A_1031, %gather3A_251, %gather3A_269 : vector<16xi1>, vector<16xf32>
      %select_n3A_1037 = arith.select %ge3A_1031, %gather3A_254, %gather3A_272 : vector<16xi1>, vector<16xf32>
      %reduce_max3A_1038 = arith.constant true
      %reduce_max3A_1039 = vector.broadcast %reduce_max3A_1038 : i1 to vector<16xi1>
      %reduce_max3A_1040 = tpu.scan <max>, %select_n3A_1032 masked %reduce_max3A_1039 : vector<16xf32>, vector<16xi1> -> vector<16xf32>
      %reduce_max3A_1041 = vector.extract %reduce_max3A_1040[15] : f32 from vector<16xf32>
      %gt3A_1042 = arith.cmpf ogt, %reduce_max3A_1041, %while3A : f32
      %gt3A_1043 = arith.cmpf ogt, %reduce_max3A_1041, %max3A_970 : f32
      %and3A_1044 = arith.andi %gt3A_1042, %gt3A_1043 : i1
      %eq3A_1045 = vector.broadcast %reduce_max3A_1041 : f32 to vector<16xf32>
      %eq3A_1046 = arith.cmpf oeq, %select_n3A_1032, %eq3A_1045 : vector<16xf32>
      %jit3A_1047 = arith.constant 3.000000e+07 : f32
      %broadcast_in_dim3A_1048 = vector.broadcast %jit3A_1047 : f32 to vector<16xf32>
      %select_n3A_1049 = arith.select %eq3A_1046, %select_n3A_1033, %broadcast_in_dim3A_1048 : vector<16xi1>, vector<16xf32>
      %reduce_min3A_1050 = arith.constant true
      %reduce_min3A_1051 = vector.broadcast %reduce_min3A_1050 : i1 to vector<16xi1>
      %reduce_min3A_1052 = tpu.scan <min>, %select_n3A_1049 masked %reduce_min3A_1051 : vector<16xf32>, vector<16xi1> -> vector<16xf32>
      %reduce_min3A_1053 = vector.extract %reduce_min3A_1052[15] : f32 from vector<16xf32>
      %eq3A_1054 = vector.broadcast %reduce_max3A_1041 : f32 to vector<16xf32>
      %eq3A_1055 = arith.cmpf oeq, %select_n3A_1032, %eq3A_1054 : vector<16xf32>
      %eq3A_1056 = vector.broadcast %reduce_min3A_1053 : f32 to vector<16xf32>
      %eq3A_1057 = arith.cmpf oeq, %select_n3A_1033, %eq3A_1056 : vector<16xf32>
      %and3A_1058 = arith.andi %eq3A_1055, %eq3A_1057 : vector<16xi1>
      %jit3A_1059 = arith.constant -1.000000e+30 : f32
      %broadcast_in_dim3A_1060 = vector.broadcast %jit3A_1059 : f32 to vector<16xf32>
      %select_n3A_1061 = arith.select %and3A_1058, %select_n3A_1034, %broadcast_in_dim3A_1060 : vector<16xi1>, vector<16xf32>
      %reduce_max3A_1062 = arith.constant true
      %reduce_max3A_1063 = vector.broadcast %reduce_max3A_1062 : i1 to vector<16xi1>
      %reduce_max3A_1064 = tpu.scan <max>, %select_n3A_1061 masked %reduce_max3A_1063 : vector<16xf32>, vector<16xi1> -> vector<16xf32>
      %reduce_max3A_1065 = vector.extract %reduce_max3A_1064[15] : f32 from vector<16xf32>
      %jit3A_1066 = arith.constant -1.000000e+30 : f32
      %broadcast_in_dim3A_1067 = vector.broadcast %jit3A_1066 : f32 to vector<16xf32>
      %select_n3A_1068 = arith.select %and3A_1058, %select_n3A_1035, %broadcast_in_dim3A_1067 : vector<16xi1>, vector<16xf32>
      %reduce_max3A_1069 = arith.constant true
      %reduce_max3A_1070 = vector.broadcast %reduce_max3A_1069 : i1 to vector<16xi1>
      %reduce_max3A_1071 = tpu.scan <max>, %select_n3A_1068 masked %reduce_max3A_1070 : vector<16xf32>, vector<16xi1> -> vector<16xf32>
      %reduce_max3A_1072 = vector.extract %reduce_max3A_1071[15] : f32 from vector<16xf32>
      %jit3A_1073 = arith.constant -1.000000e+30 : f32
      %broadcast_in_dim3A_1074 = vector.broadcast %jit3A_1073 : f32 to vector<16xf32>
      %select_n3A_1075 = arith.select %and3A_1058, %select_n3A_1036, %broadcast_in_dim3A_1074 : vector<16xi1>, vector<16xf32>
      %reduce_max3A_1076 = arith.constant true
      %reduce_max3A_1077 = vector.broadcast %reduce_max3A_1076 : i1 to vector<16xi1>
      %reduce_max3A_1078 = tpu.scan <max>, %select_n3A_1075 masked %reduce_max3A_1077 : vector<16xf32>, vector<16xi1> -> vector<16xf32>
      %reduce_max3A_1079 = vector.extract %reduce_max3A_1078[15] : f32 from vector<16xf32>
      %jit3A_1080 = arith.constant -1.000000e+30 : f32
      %broadcast_in_dim3A_1081 = vector.broadcast %jit3A_1080 : f32 to vector<16xf32>
      %select_n3A_1082 = arith.select %and3A_1058, %select_n3A_1037, %broadcast_in_dim3A_1081 : vector<16xi1>, vector<16xf32>
      %reduce_max3A_1083 = arith.constant true
      %reduce_max3A_1084 = vector.broadcast %reduce_max3A_1083 : i1 to vector<16xi1>
      %reduce_max3A_1085 = tpu.scan <max>, %select_n3A_1082 masked %reduce_max3A_1084 : vector<16xf32>, vector<16xi1> -> vector<16xf32>
      %reduce_max3A_1086 = vector.extract %reduce_max3A_1085[15] : f32 from vector<16xf32>
      %sub3A_1087 = arith.subf %reduce_max3A_1079, %reduce_max3A_1065 : f32
      %sub3A_1088 = arith.subf %reduce_max3A_1086, %reduce_max3A_1072 : f32
      %mul3A_1089 = arith.mulf %sub3A_1087, %sub3A_1088 : f32
      %max3A_1090 = vector.broadcast %reduce_max3A_1065 : f32 to vector<16xf32>
      %max3A_1091 = arith.maximumf %max3A_1090, %gather3A_245 : vector<16xf32>
      %max3A_1092 = vector.broadcast %reduce_max3A_1072 : f32 to vector<16xf32>
      %max3A_1093 = arith.maximumf %max3A_1092, %gather3A_248 : vector<16xf32>
      %min3A_1094 = vector.broadcast %reduce_max3A_1079 : f32 to vector<16xf32>
      %min3A_1095 = arith.minimumf %min3A_1094, %gather3A_251 : vector<16xf32>
      %min3A_1096 = vector.broadcast %reduce_max3A_1086 : f32 to vector<16xf32>
      %min3A_1097 = arith.minimumf %min3A_1096, %gather3A_254 : vector<16xf32>
      %sub3A_1098 = arith.subf %min3A_1095, %max3A_1091 : vector<16xf32>
      %max3A_1099 = arith.constant 0.000000e+00 : f32
      %max3A_1100 = vector.broadcast %max3A_1099 : f32 to vector<16xf32>
      %max3A_1101 = arith.maximumf %sub3A_1098, %max3A_1100 : vector<16xf32>
      %sub3A_1102 = arith.subf %min3A_1097, %max3A_1093 : vector<16xf32>
      %max3A_1103 = arith.constant 0.000000e+00 : f32
      %max3A_1104 = vector.broadcast %max3A_1103 : f32 to vector<16xf32>
      %max3A_1105 = arith.maximumf %sub3A_1102, %max3A_1104 : vector<16xf32>
      %mul3A_1106 = arith.mulf %max3A_1101, %max3A_1105 : vector<16xf32>
      %add3A_1107 = vector.broadcast %mul3A_1089 : f32 to vector<16xf32>
      %add3A_1108 = arith.addf %add3A_1107, %mul3A_275 : vector<16xf32>
      %sub3A_1109 = arith.subf %add3A_1108, %mul3A_1106 : vector<16xf32>
      %max3A_1110 = arith.constant 9.99999971E-10 : f32
      %max3A_1111 = vector.broadcast %max3A_1110 : f32 to vector<16xf32>
      %max3A_1112 = arith.maximumf %sub3A_1109, %max3A_1111 : vector<16xf32>
      %div3A_1113 = arith.divf %mul3A_1106, %max3A_1112 : vector<16xf32>
      %ge3A_1114 = arith.constant 5.000000e-01 : f32
      %ge3A_1115 = vector.broadcast %ge3A_1114 : f32 to vector<16xf32>
      %ge3A_1116 = arith.cmpf oge, %div3A_1113, %ge3A_1115 : vector<16xf32>
      %and3A_1117 = vector.broadcast %and3A_1044 : i1 to vector<16xi1>
      %and3A_1118 = arith.andi %ge3A_1116, %and3A_1117 : vector<16xi1>
      %max3A_1119 = vector.broadcast %reduce_max3A_1065 : f32 to vector<16xf32>
      %max3A_1120 = arith.maximumf %max3A_1119, %gather3A_263 : vector<16xf32>
      %max3A_1121 = vector.broadcast %reduce_max3A_1072 : f32 to vector<16xf32>
      %max3A_1122 = arith.maximumf %max3A_1121, %gather3A_266 : vector<16xf32>
      %min3A_1123 = vector.broadcast %reduce_max3A_1079 : f32 to vector<16xf32>
      %min3A_1124 = arith.minimumf %min3A_1123, %gather3A_269 : vector<16xf32>
      %min3A_1125 = vector.broadcast %reduce_max3A_1086 : f32 to vector<16xf32>
      %min3A_1126 = arith.minimumf %min3A_1125, %gather3A_272 : vector<16xf32>
      %sub3A_1127 = arith.subf %min3A_1124, %max3A_1120 : vector<16xf32>
      %max3A_1128 = arith.constant 0.000000e+00 : f32
      %max3A_1129 = vector.broadcast %max3A_1128 : f32 to vector<16xf32>
      %max3A_1130 = arith.maximumf %sub3A_1127, %max3A_1129 : vector<16xf32>
      %sub3A_1131 = arith.subf %min3A_1126, %max3A_1122 : vector<16xf32>
      %max3A_1132 = arith.constant 0.000000e+00 : f32
      %max3A_1133 = vector.broadcast %max3A_1132 : f32 to vector<16xf32>
      %max3A_1134 = arith.maximumf %sub3A_1131, %max3A_1133 : vector<16xf32>
      %mul3A_1135 = arith.mulf %max3A_1130, %max3A_1134 : vector<16xf32>
      %add3A_1136 = vector.broadcast %mul3A_1089 : f32 to vector<16xf32>
      %add3A_1137 = arith.addf %add3A_1136, %mul3A_278 : vector<16xf32>
      %sub3A_1138 = arith.subf %add3A_1137, %mul3A_1135 : vector<16xf32>
      %max3A_1139 = arith.constant 9.99999971E-10 : f32
      %max3A_1140 = vector.broadcast %max3A_1139 : f32 to vector<16xf32>
      %max3A_1141 = arith.maximumf %sub3A_1138, %max3A_1140 : vector<16xf32>
      %div3A_1142 = arith.divf %mul3A_1135, %max3A_1141 : vector<16xf32>
      %ge3A_1143 = arith.constant 5.000000e-01 : f32
      %ge3A_1144 = vector.broadcast %ge3A_1143 : f32 to vector<16xf32>
      %ge3A_1145 = arith.cmpf oge, %div3A_1142, %ge3A_1144 : vector<16xf32>
      %and3A_1146 = vector.broadcast %and3A_1044 : i1 to vector<16xi1>
      %and3A_1147 = arith.andi %ge3A_1145, %and3A_1146 : vector<16xi1>
      %gt3A_1148 = vector.broadcast %while3A : f32 to vector<16xf32>
      %gt3A_1149 = arith.cmpf ogt, %select_n3A_974, %gt3A_1148 : vector<16xf32>
      %and3A_1150 = arith.andi %and3A_1147, %gt3A_1149 : vector<16xi1>
      %broadcast_in_dim3A_1151 = vector.broadcast %while3A : f32 to vector<16xf32>
      %select_n3A_1152 = arith.select %and3A_1150, %select_n3A_974, %broadcast_in_dim3A_1151 : vector<16xi1>, vector<16xf32>
      %reduce_max3A_1153 = arith.constant true
      %reduce_max3A_1154 = vector.broadcast %reduce_max3A_1153 : i1 to vector<16xi1>
      %reduce_max3A_1155 = tpu.scan <max>, %select_n3A_1152 masked %reduce_max3A_1154 : vector<16xf32>, vector<16xi1> -> vector<16xf32>
      %reduce_max3A_1156 = vector.extract %reduce_max3A_1155[15] : f32 from vector<16xf32>
      %max3A_1157 = arith.maximumf %max3A_970, %reduce_max3A_1156 : f32
      %broadcast_in_dim3A_1158 = vector.broadcast %while3A : f32 to vector<16xf32>
      %select_n3A_1159 = arith.select %and3A_1118, %broadcast_in_dim3A_1158, %select_n3A_972 : vector<16xi1>, vector<16xf32>
      %broadcast_in_dim3A_1160 = vector.broadcast %while3A : f32 to vector<16xf32>
      %select_n3A_1161 = arith.select %and3A_1147, %broadcast_in_dim3A_1160, %select_n3A_974 : vector<16xi1>, vector<16xf32>
      %and3A_1162 = arith.andi %and3A, %and3A_1044 : i1
      %eq3A_1163 = arith.constant 0 : i32
      %eq3A_1164 = vector.broadcast %eq3A_1163 : i32 to vector<16xi32>
      %eq3A_1165 = arith.cmpi eq, %iota3A, %eq3A_1164 : vector<16xi32>
      %and3A_1166 = vector.broadcast %and3A_1162 : i1 to vector<16xi1>
      %and3A_1167 = arith.andi %and3A_1166, %eq3A_1165 : vector<16xi1>
      %lt3A_1168 = arith.constant 300 : i32
      %lt3A_1169 = arith.cmpi slt, %add3A_1026, %lt3A_1168 : i32
      %and3A_1170 = vector.broadcast %lt3A_1169 : i1 to vector<16xi1>
      %and3A_1171 = arith.andi %and3A_1167, %and3A_1170 : vector<16xi1>
      %jit3A_1172 = arith.constant 0.000000e+00 : f32
      %select_n3A_1173 = arith.select %and3A_1044, %reduce_max3A_1041, %jit3A_1172 : f32
      %jit3A_1174 = arith.constant 0.000000e+00 : f32
      %select_n3A_1175 = arith.select %and3A_1044, %reduce_max3A_1065, %jit3A_1174 : f32
      %jit3A_1176 = arith.constant 0.000000e+00 : f32
      %select_n3A_1177 = arith.select %and3A_1044, %reduce_max3A_1072, %jit3A_1176 : f32
      %jit3A_1178 = arith.constant 0.000000e+00 : f32
      %select_n3A_1179 = arith.select %and3A_1044, %reduce_max3A_1079, %jit3A_1178 : f32
      %jit3A_1180 = arith.constant 0.000000e+00 : f32
      %select_n3A_1181 = arith.select %and3A_1044, %reduce_max3A_1086, %jit3A_1180 : f32
      %broadcast_in_dim3A_1182 = arith.constant 0 : i32
      %broadcast_in_dim3A_1183 = vector.broadcast %broadcast_in_dim3A_1182 : i32 to vector<16xi32>
      %add3A_1184 = vector.broadcast %add3A_1026 : i32 to vector<16xi32>
      %add3A_1185 = arith.addi %broadcast_in_dim3A_1183, %add3A_1184 : vector<16xi32>
      %add3A_1186 = vector.broadcast %select_n3A_1175 : f32 to vector<16xf32>
      %add3A_1187 = arith.addf %add3A_1186, %broadcast_in_dim3A_4 : vector<16xf32>
      tpu.vector_store_idx %arg23[%add3A_1185], %add3A_1187 masked %and3A_1171 : memref<2432xf32, #tpu.memory_space<vmem>>[vector<16xi32>], vector<16xf32>, vector<16xi1>
      %broadcast_in_dim3A_1188 = arith.constant 304 : i32
      %broadcast_in_dim3A_1189 = vector.broadcast %broadcast_in_dim3A_1188 : i32 to vector<16xi32>
      %add3A_1190 = vector.broadcast %add3A_1026 : i32 to vector<16xi32>
      %add3A_1191 = arith.addi %broadcast_in_dim3A_1189, %add3A_1190 : vector<16xi32>
      %add3A_1192 = vector.broadcast %select_n3A_1177 : f32 to vector<16xf32>
      %add3A_1193 = arith.addf %add3A_1192, %broadcast_in_dim3A_4 : vector<16xf32>
      tpu.vector_store_idx %arg23[%add3A_1191], %add3A_1193 masked %and3A_1171 : memref<2432xf32, #tpu.memory_space<vmem>>[vector<16xi32>], vector<16xf32>, vector<16xi1>
      %broadcast_in_dim3A_1194 = arith.constant 608 : i32
      %broadcast_in_dim3A_1195 = vector.broadcast %broadcast_in_dim3A_1194 : i32 to vector<16xi32>
      %add3A_1196 = vector.broadcast %add3A_1026 : i32 to vector<16xi32>
      %add3A_1197 = arith.addi %broadcast_in_dim3A_1195, %add3A_1196 : vector<16xi32>
      %add3A_1198 = vector.broadcast %select_n3A_1179 : f32 to vector<16xf32>
      %add3A_1199 = arith.addf %add3A_1198, %broadcast_in_dim3A_4 : vector<16xf32>
      tpu.vector_store_idx %arg23[%add3A_1197], %add3A_1199 masked %and3A_1171 : memref<2432xf32, #tpu.memory_space<vmem>>[vector<16xi32>], vector<16xf32>, vector<16xi1>
      %broadcast_in_dim3A_1200 = arith.constant 912 : i32
      %broadcast_in_dim3A_1201 = vector.broadcast %broadcast_in_dim3A_1200 : i32 to vector<16xi32>
      %add3A_1202 = vector.broadcast %add3A_1026 : i32 to vector<16xi32>
      %add3A_1203 = arith.addi %broadcast_in_dim3A_1201, %add3A_1202 : vector<16xi32>
      %add3A_1204 = vector.broadcast %select_n3A_1181 : f32 to vector<16xf32>
      %add3A_1205 = arith.addf %add3A_1204, %broadcast_in_dim3A_4 : vector<16xf32>
      tpu.vector_store_idx %arg23[%add3A_1203], %add3A_1205 masked %and3A_1171 : memref<2432xf32, #tpu.memory_space<vmem>>[vector<16xi32>], vector<16xf32>, vector<16xi1>
      %broadcast_in_dim3A_1206 = arith.constant 1216 : i32
      %broadcast_in_dim3A_1207 = vector.broadcast %broadcast_in_dim3A_1206 : i32 to vector<16xi32>
      %add3A_1208 = vector.broadcast %add3A_1026 : i32 to vector<16xi32>
      %add3A_1209 = arith.addi %broadcast_in_dim3A_1207, %add3A_1208 : vector<16xi32>
      %add3A_1210 = vector.broadcast %select_n3A_1173 : f32 to vector<16xf32>
      %add3A_1211 = arith.addf %add3A_1210, %broadcast_in_dim3A_4 : vector<16xf32>
      tpu.vector_store_idx %arg23[%add3A_1209], %add3A_1211 masked %and3A_1171 : memref<2432xf32, #tpu.memory_space<vmem>>[vector<16xi32>], vector<16xf32>, vector<16xi1>
      %convert_element_type3A_1212 = arith.extui %and3A_1044 : i1 to i32
      %add3A_1213 = arith.addi %add3A_1026, %convert_element_type3A_1212 : i32
      %select_n3A_1214 = arith.select %and3A_1044, %reduce_max3A_1065, %while3A_43 : f32
      %select_n3A_1215 = arith.select %and3A_1044, %reduce_max3A_1072, %while3A_44 : f32
      %select_n3A_1216 = arith.select %and3A_1044, %reduce_max3A_1079, %while3A_45 : f32
      %select_n3A_1217 = arith.select %and3A_1044, %reduce_max3A_1086, %while3A_46 : f32
      %ge3A_1218 = arith.cmpf oge, %select_n3A_1159, %select_n3A_1161 : vector<16xf32>
      %select_n3A_1219 = arith.select %ge3A_1218, %select_n3A_1159, %select_n3A_1161 : vector<16xi1>, vector<16xf32>
      %select_n3A_1220 = arith.select %ge3A_1218, %gather3A_242, %gather3A_260 : vector<16xi1>, vector<16xf32>
      %select_n3A_1221 = arith.select %ge3A_1218, %gather3A_245, %gather3A_263 : vector<16xi1>, vector<16xf32>
      %select_n3A_1222 = arith.select %ge3A_1218, %gather3A_248, %gather3A_266 : vector<16xi1>, vector<16xf32>
      %select_n3A_1223 = arith.select %ge3A_1218, %gather3A_251, %gather3A_269 : vector<16xi1>, vector<16xf32>
      %select_n3A_1224 = arith.select %ge3A_1218, %gather3A_254, %gather3A_272 : vector<16xi1>, vector<16xf32>
      %reduce_max3A_1225 = arith.constant true
      %reduce_max3A_1226 = vector.broadcast %reduce_max3A_1225 : i1 to vector<16xi1>
      %reduce_max3A_1227 = tpu.scan <max>, %select_n3A_1219 masked %reduce_max3A_1226 : vector<16xf32>, vector<16xi1> -> vector<16xf32>
      %reduce_max3A_1228 = vector.extract %reduce_max3A_1227[15] : f32 from vector<16xf32>
      %gt3A_1229 = arith.cmpf ogt, %reduce_max3A_1228, %while3A : f32
      %gt3A_1230 = arith.cmpf ogt, %reduce_max3A_1228, %max3A_1157 : f32
      %and3A_1231 = arith.andi %gt3A_1229, %gt3A_1230 : i1
      %eq3A_1232 = vector.broadcast %reduce_max3A_1228 : f32 to vector<16xf32>
      %eq3A_1233 = arith.cmpf oeq, %select_n3A_1219, %eq3A_1232 : vector<16xf32>
      %jit3A_1234 = arith.constant 3.000000e+07 : f32
      %broadcast_in_dim3A_1235 = vector.broadcast %jit3A_1234 : f32 to vector<16xf32>
      %select_n3A_1236 = arith.select %eq3A_1233, %select_n3A_1220, %broadcast_in_dim3A_1235 : vector<16xi1>, vector<16xf32>
      %reduce_min3A_1237 = arith.constant true
      %reduce_min3A_1238 = vector.broadcast %reduce_min3A_1237 : i1 to vector<16xi1>
      %reduce_min3A_1239 = tpu.scan <min>, %select_n3A_1236 masked %reduce_min3A_1238 : vector<16xf32>, vector<16xi1> -> vector<16xf32>
      %reduce_min3A_1240 = vector.extract %reduce_min3A_1239[15] : f32 from vector<16xf32>
      %eq3A_1241 = vector.broadcast %reduce_max3A_1228 : f32 to vector<16xf32>
      %eq3A_1242 = arith.cmpf oeq, %select_n3A_1219, %eq3A_1241 : vector<16xf32>
      %eq3A_1243 = vector.broadcast %reduce_min3A_1240 : f32 to vector<16xf32>
      %eq3A_1244 = arith.cmpf oeq, %select_n3A_1220, %eq3A_1243 : vector<16xf32>
      %and3A_1245 = arith.andi %eq3A_1242, %eq3A_1244 : vector<16xi1>
      %jit3A_1246 = arith.constant -1.000000e+30 : f32
      %broadcast_in_dim3A_1247 = vector.broadcast %jit3A_1246 : f32 to vector<16xf32>
      %select_n3A_1248 = arith.select %and3A_1245, %select_n3A_1221, %broadcast_in_dim3A_1247 : vector<16xi1>, vector<16xf32>
      %reduce_max3A_1249 = arith.constant true
      %reduce_max3A_1250 = vector.broadcast %reduce_max3A_1249 : i1 to vector<16xi1>
      %reduce_max3A_1251 = tpu.scan <max>, %select_n3A_1248 masked %reduce_max3A_1250 : vector<16xf32>, vector<16xi1> -> vector<16xf32>
      %reduce_max3A_1252 = vector.extract %reduce_max3A_1251[15] : f32 from vector<16xf32>
      %jit3A_1253 = arith.constant -1.000000e+30 : f32
      %broadcast_in_dim3A_1254 = vector.broadcast %jit3A_1253 : f32 to vector<16xf32>
      %select_n3A_1255 = arith.select %and3A_1245, %select_n3A_1222, %broadcast_in_dim3A_1254 : vector<16xi1>, vector<16xf32>
      %reduce_max3A_1256 = arith.constant true
      %reduce_max3A_1257 = vector.broadcast %reduce_max3A_1256 : i1 to vector<16xi1>
      %reduce_max3A_1258 = tpu.scan <max>, %select_n3A_1255 masked %reduce_max3A_1257 : vector<16xf32>, vector<16xi1> -> vector<16xf32>
      %reduce_max3A_1259 = vector.extract %reduce_max3A_1258[15] : f32 from vector<16xf32>
      %jit3A_1260 = arith.constant -1.000000e+30 : f32
      %broadcast_in_dim3A_1261 = vector.broadcast %jit3A_1260 : f32 to vector<16xf32>
      %select_n3A_1262 = arith.select %and3A_1245, %select_n3A_1223, %broadcast_in_dim3A_1261 : vector<16xi1>, vector<16xf32>
      %reduce_max3A_1263 = arith.constant true
      %reduce_max3A_1264 = vector.broadcast %reduce_max3A_1263 : i1 to vector<16xi1>
      %reduce_max3A_1265 = tpu.scan <max>, %select_n3A_1262 masked %reduce_max3A_1264 : vector<16xf32>, vector<16xi1> -> vector<16xf32>
      %reduce_max3A_1266 = vector.extract %reduce_max3A_1265[15] : f32 from vector<16xf32>
      %jit3A_1267 = arith.constant -1.000000e+30 : f32
      %broadcast_in_dim3A_1268 = vector.broadcast %jit3A_1267 : f32 to vector<16xf32>
      %select_n3A_1269 = arith.select %and3A_1245, %select_n3A_1224, %broadcast_in_dim3A_1268 : vector<16xi1>, vector<16xf32>
      %reduce_max3A_1270 = arith.constant true
      %reduce_max3A_1271 = vector.broadcast %reduce_max3A_1270 : i1 to vector<16xi1>
      %reduce_max3A_1272 = tpu.scan <max>, %select_n3A_1269 masked %reduce_max3A_1271 : vector<16xf32>, vector<16xi1> -> vector<16xf32>
      %reduce_max3A_1273 = vector.extract %reduce_max3A_1272[15] : f32 from vector<16xf32>
      %sub3A_1274 = arith.subf %reduce_max3A_1266, %reduce_max3A_1252 : f32
      %sub3A_1275 = arith.subf %reduce_max3A_1273, %reduce_max3A_1259 : f32
      %mul3A_1276 = arith.mulf %sub3A_1274, %sub3A_1275 : f32
      %max3A_1277 = vector.broadcast %reduce_max3A_1252 : f32 to vector<16xf32>
      %max3A_1278 = arith.maximumf %max3A_1277, %gather3A_245 : vector<16xf32>
      %max3A_1279 = vector.broadcast %reduce_max3A_1259 : f32 to vector<16xf32>
      %max3A_1280 = arith.maximumf %max3A_1279, %gather3A_248 : vector<16xf32>
      %min3A_1281 = vector.broadcast %reduce_max3A_1266 : f32 to vector<16xf32>
      %min3A_1282 = arith.minimumf %min3A_1281, %gather3A_251 : vector<16xf32>
      %min3A_1283 = vector.broadcast %reduce_max3A_1273 : f32 to vector<16xf32>
      %min3A_1284 = arith.minimumf %min3A_1283, %gather3A_254 : vector<16xf32>
      %sub3A_1285 = arith.subf %min3A_1282, %max3A_1278 : vector<16xf32>
      %max3A_1286 = arith.constant 0.000000e+00 : f32
      %max3A_1287 = vector.broadcast %max3A_1286 : f32 to vector<16xf32>
      %max3A_1288 = arith.maximumf %sub3A_1285, %max3A_1287 : vector<16xf32>
      %sub3A_1289 = arith.subf %min3A_1284, %max3A_1280 : vector<16xf32>
      %max3A_1290 = arith.constant 0.000000e+00 : f32
      %max3A_1291 = vector.broadcast %max3A_1290 : f32 to vector<16xf32>
      %max3A_1292 = arith.maximumf %sub3A_1289, %max3A_1291 : vector<16xf32>
      %mul3A_1293 = arith.mulf %max3A_1288, %max3A_1292 : vector<16xf32>
      %add3A_1294 = vector.broadcast %mul3A_1276 : f32 to vector<16xf32>
      %add3A_1295 = arith.addf %add3A_1294, %mul3A_275 : vector<16xf32>
      %sub3A_1296 = arith.subf %add3A_1295, %mul3A_1293 : vector<16xf32>
      %max3A_1297 = arith.constant 9.99999971E-10 : f32
      %max3A_1298 = vector.broadcast %max3A_1297 : f32 to vector<16xf32>
      %max3A_1299 = arith.maximumf %sub3A_1296, %max3A_1298 : vector<16xf32>
      %div3A_1300 = arith.divf %mul3A_1293, %max3A_1299 : vector<16xf32>
      %ge3A_1301 = arith.constant 5.000000e-01 : f32
      %ge3A_1302 = vector.broadcast %ge3A_1301 : f32 to vector<16xf32>
      %ge3A_1303 = arith.cmpf oge, %div3A_1300, %ge3A_1302 : vector<16xf32>
      %and3A_1304 = vector.broadcast %and3A_1231 : i1 to vector<16xi1>
      %and3A_1305 = arith.andi %ge3A_1303, %and3A_1304 : vector<16xi1>
      %max3A_1306 = vector.broadcast %reduce_max3A_1252 : f32 to vector<16xf32>
      %max3A_1307 = arith.maximumf %max3A_1306, %gather3A_263 : vector<16xf32>
      %max3A_1308 = vector.broadcast %reduce_max3A_1259 : f32 to vector<16xf32>
      %max3A_1309 = arith.maximumf %max3A_1308, %gather3A_266 : vector<16xf32>
      %min3A_1310 = vector.broadcast %reduce_max3A_1266 : f32 to vector<16xf32>
      %min3A_1311 = arith.minimumf %min3A_1310, %gather3A_269 : vector<16xf32>
      %min3A_1312 = vector.broadcast %reduce_max3A_1273 : f32 to vector<16xf32>
      %min3A_1313 = arith.minimumf %min3A_1312, %gather3A_272 : vector<16xf32>
      %sub3A_1314 = arith.subf %min3A_1311, %max3A_1307 : vector<16xf32>
      %max3A_1315 = arith.constant 0.000000e+00 : f32
      %max3A_1316 = vector.broadcast %max3A_1315 : f32 to vector<16xf32>
      %max3A_1317 = arith.maximumf %sub3A_1314, %max3A_1316 : vector<16xf32>
      %sub3A_1318 = arith.subf %min3A_1313, %max3A_1309 : vector<16xf32>
      %max3A_1319 = arith.constant 0.000000e+00 : f32
      %max3A_1320 = vector.broadcast %max3A_1319 : f32 to vector<16xf32>
      %max3A_1321 = arith.maximumf %sub3A_1318, %max3A_1320 : vector<16xf32>
      %mul3A_1322 = arith.mulf %max3A_1317, %max3A_1321 : vector<16xf32>
      %add3A_1323 = vector.broadcast %mul3A_1276 : f32 to vector<16xf32>
      %add3A_1324 = arith.addf %add3A_1323, %mul3A_278 : vector<16xf32>
      %sub3A_1325 = arith.subf %add3A_1324, %mul3A_1322 : vector<16xf32>
      %max3A_1326 = arith.constant 9.99999971E-10 : f32
      %max3A_1327 = vector.broadcast %max3A_1326 : f32 to vector<16xf32>
      %max3A_1328 = arith.maximumf %sub3A_1325, %max3A_1327 : vector<16xf32>
      %div3A_1329 = arith.divf %mul3A_1322, %max3A_1328 : vector<16xf32>
      %ge3A_1330 = arith.constant 5.000000e-01 : f32
      %ge3A_1331 = vector.broadcast %ge3A_1330 : f32 to vector<16xf32>
      %ge3A_1332 = arith.cmpf oge, %div3A_1329, %ge3A_1331 : vector<16xf32>
      %and3A_1333 = vector.broadcast %and3A_1231 : i1 to vector<16xi1>
      %and3A_1334 = arith.andi %ge3A_1332, %and3A_1333 : vector<16xi1>
      %gt3A_1335 = vector.broadcast %while3A : f32 to vector<16xf32>
      %gt3A_1336 = arith.cmpf ogt, %select_n3A_1161, %gt3A_1335 : vector<16xf32>
      %and3A_1337 = arith.andi %and3A_1334, %gt3A_1336 : vector<16xi1>
      %broadcast_in_dim3A_1338 = vector.broadcast %while3A : f32 to vector<16xf32>
      %select_n3A_1339 = arith.select %and3A_1337, %select_n3A_1161, %broadcast_in_dim3A_1338 : vector<16xi1>, vector<16xf32>
      %reduce_max3A_1340 = arith.constant true
      %reduce_max3A_1341 = vector.broadcast %reduce_max3A_1340 : i1 to vector<16xi1>
      %reduce_max3A_1342 = tpu.scan <max>, %select_n3A_1339 masked %reduce_max3A_1341 : vector<16xf32>, vector<16xi1> -> vector<16xf32>
      %reduce_max3A_1343 = vector.extract %reduce_max3A_1342[15] : f32 from vector<16xf32>
      %max3A_1344 = arith.maximumf %max3A_1157, %reduce_max3A_1343 : f32
      %broadcast_in_dim3A_1345 = vector.broadcast %while3A : f32 to vector<16xf32>
      %select_n3A_1346 = arith.select %and3A_1305, %broadcast_in_dim3A_1345, %select_n3A_1159 : vector<16xi1>, vector<16xf32>
      %broadcast_in_dim3A_1347 = vector.broadcast %while3A : f32 to vector<16xf32>
      %select_n3A_1348 = arith.select %and3A_1334, %broadcast_in_dim3A_1347, %select_n3A_1161 : vector<16xi1>, vector<16xf32>
      %and3A_1349 = arith.andi %and3A, %and3A_1231 : i1
      %eq3A_1350 = arith.constant 0 : i32
      %eq3A_1351 = vector.broadcast %eq3A_1350 : i32 to vector<16xi32>
      %eq3A_1352 = arith.cmpi eq, %iota3A, %eq3A_1351 : vector<16xi32>
      %and3A_1353 = vector.broadcast %and3A_1349 : i1 to vector<16xi1>
      %and3A_1354 = arith.andi %and3A_1353, %eq3A_1352 : vector<16xi1>
      %lt3A_1355 = arith.constant 300 : i32
      %lt3A_1356 = arith.cmpi slt, %add3A_1213, %lt3A_1355 : i32
      %and3A_1357 = vector.broadcast %lt3A_1356 : i1 to vector<16xi1>
      %and3A_1358 = arith.andi %and3A_1354, %and3A_1357 : vector<16xi1>
      %jit3A_1359 = arith.constant 0.000000e+00 : f32
      %select_n3A_1360 = arith.select %and3A_1231, %reduce_max3A_1228, %jit3A_1359 : f32
      %jit3A_1361 = arith.constant 0.000000e+00 : f32
      %select_n3A_1362 = arith.select %and3A_1231, %reduce_max3A_1252, %jit3A_1361 : f32
      %jit3A_1363 = arith.constant 0.000000e+00 : f32
      %select_n3A_1364 = arith.select %and3A_1231, %reduce_max3A_1259, %jit3A_1363 : f32
      %jit3A_1365 = arith.constant 0.000000e+00 : f32
      %select_n3A_1366 = arith.select %and3A_1231, %reduce_max3A_1266, %jit3A_1365 : f32
      %jit3A_1367 = arith.constant 0.000000e+00 : f32
      %select_n3A_1368 = arith.select %and3A_1231, %reduce_max3A_1273, %jit3A_1367 : f32
      %broadcast_in_dim3A_1369 = arith.constant 0 : i32
      %broadcast_in_dim3A_1370 = vector.broadcast %broadcast_in_dim3A_1369 : i32 to vector<16xi32>
      %add3A_1371 = vector.broadcast %add3A_1213 : i32 to vector<16xi32>
      %add3A_1372 = arith.addi %broadcast_in_dim3A_1370, %add3A_1371 : vector<16xi32>
      %add3A_1373 = vector.broadcast %select_n3A_1362 : f32 to vector<16xf32>
      %add3A_1374 = arith.addf %add3A_1373, %broadcast_in_dim3A_4 : vector<16xf32>
      tpu.vector_store_idx %arg23[%add3A_1372], %add3A_1374 masked %and3A_1358 : memref<2432xf32, #tpu.memory_space<vmem>>[vector<16xi32>], vector<16xf32>, vector<16xi1>
      %broadcast_in_dim3A_1375 = arith.constant 304 : i32
      %broadcast_in_dim3A_1376 = vector.broadcast %broadcast_in_dim3A_1375 : i32 to vector<16xi32>
      %add3A_1377 = vector.broadcast %add3A_1213 : i32 to vector<16xi32>
      %add3A_1378 = arith.addi %broadcast_in_dim3A_1376, %add3A_1377 : vector<16xi32>
      %add3A_1379 = vector.broadcast %select_n3A_1364 : f32 to vector<16xf32>
      %add3A_1380 = arith.addf %add3A_1379, %broadcast_in_dim3A_4 : vector<16xf32>
      tpu.vector_store_idx %arg23[%add3A_1378], %add3A_1380 masked %and3A_1358 : memref<2432xf32, #tpu.memory_space<vmem>>[vector<16xi32>], vector<16xf32>, vector<16xi1>
      %broadcast_in_dim3A_1381 = arith.constant 608 : i32
      %broadcast_in_dim3A_1382 = vector.broadcast %broadcast_in_dim3A_1381 : i32 to vector<16xi32>
      %add3A_1383 = vector.broadcast %add3A_1213 : i32 to vector<16xi32>
      %add3A_1384 = arith.addi %broadcast_in_dim3A_1382, %add3A_1383 : vector<16xi32>
      %add3A_1385 = vector.broadcast %select_n3A_1366 : f32 to vector<16xf32>
      %add3A_1386 = arith.addf %add3A_1385, %broadcast_in_dim3A_4 : vector<16xf32>
      tpu.vector_store_idx %arg23[%add3A_1384], %add3A_1386 masked %and3A_1358 : memref<2432xf32, #tpu.memory_space<vmem>>[vector<16xi32>], vector<16xf32>, vector<16xi1>
      %broadcast_in_dim3A_1387 = arith.constant 912 : i32
      %broadcast_in_dim3A_1388 = vector.broadcast %broadcast_in_dim3A_1387 : i32 to vector<16xi32>
      %add3A_1389 = vector.broadcast %add3A_1213 : i32 to vector<16xi32>
      %add3A_1390 = arith.addi %broadcast_in_dim3A_1388, %add3A_1389 : vector<16xi32>
      %add3A_1391 = vector.broadcast %select_n3A_1368 : f32 to vector<16xf32>
      %add3A_1392 = arith.addf %add3A_1391, %broadcast_in_dim3A_4 : vector<16xf32>
      tpu.vector_store_idx %arg23[%add3A_1390], %add3A_1392 masked %and3A_1358 : memref<2432xf32, #tpu.memory_space<vmem>>[vector<16xi32>], vector<16xf32>, vector<16xi1>
      %broadcast_in_dim3A_1393 = arith.constant 1216 : i32
      %broadcast_in_dim3A_1394 = vector.broadcast %broadcast_in_dim3A_1393 : i32 to vector<16xi32>
      %add3A_1395 = vector.broadcast %add3A_1213 : i32 to vector<16xi32>
      %add3A_1396 = arith.addi %broadcast_in_dim3A_1394, %add3A_1395 : vector<16xi32>
      %add3A_1397 = vector.broadcast %select_n3A_1360 : f32 to vector<16xf32>
      %add3A_1398 = arith.addf %add3A_1397, %broadcast_in_dim3A_4 : vector<16xf32>
      tpu.vector_store_idx %arg23[%add3A_1396], %add3A_1398 masked %and3A_1358 : memref<2432xf32, #tpu.memory_space<vmem>>[vector<16xi32>], vector<16xf32>, vector<16xi1>
      %convert_element_type3A_1399 = arith.extui %and3A_1231 : i1 to i32
      %add3A_1400 = arith.addi %add3A_1213, %convert_element_type3A_1399 : i32
      %select_n3A_1401 = arith.select %and3A_1231, %reduce_max3A_1252, %while3A_43 : f32
      %select_n3A_1402 = arith.select %and3A_1231, %reduce_max3A_1259, %while3A_44 : f32
      %select_n3A_1403 = arith.select %and3A_1231, %reduce_max3A_1266, %while3A_45 : f32
      %select_n3A_1404 = arith.select %and3A_1231, %reduce_max3A_1273, %while3A_46 : f32
      %gt3A_1405 = arith.cmpf ogt, %max3A, %while3A : f32
      %not3A = arith.constant true
      %not3A_1406 = arith.xori %gt3A_1405, %not3A : i1
      %add3A_1407 = arith.constant 1 : i32
      %add3A_1408 = arith.addi %while3A_79, %add3A_1407 : i32
      scf.yield %add3A_1400, %not3A_1406, %add3A_1408, %select_n3A_466, %select_n3A_467, %select_n3A_468, %select_n3A_469, %select_n3A_653, %select_n3A_654, %select_n3A_655, %select_n3A_656, %select_n3A_840, %select_n3A_841, %select_n3A_842, %select_n3A_843, %select_n3A_1027, %select_n3A_1028, %select_n3A_1029, %select_n3A_1030, %select_n3A_1214, %select_n3A_1215, %select_n3A_1216, %select_n3A_1217, %select_n3A_1401, %select_n3A_1402, %select_n3A_1403, %select_n3A_1404 : i32, i1, i32, f32, f32, f32, f32, f32, f32, f32, f32, f32, f32, f32, f32, f32, f32, f32, f32, f32, f32, f32, f32, f32, f32, f32, f32
    }
    %convert_element_type3A_75 = arith.extui %and3A : i1 to i32
    %cond3A = arith.constant 0 : i32
    %cond3A_76 = arith.cmpi ne, %convert_element_type3A_75, %cond3A : i32
    scf.if %cond3A_76 {
      "tpu.region"() ({
        %run_scoped3A = tpu.sem_alloc : memref<!tpu.dma_semaphore, #tpu.memory_space<semaphore_mem>>
        tpu.enqueue_dma source(%arg23 : memref<2432xf32, #tpu.memory_space<vmem>>) target(%arg8 : memref<2432xf32, #tpu.memory_space<hbm>>) target_semaphore(%run_scoped3A : memref<!tpu.dma_semaphore, #tpu.memory_space<semaphore_mem>>)
        tpu.wait_dma2 semaphore(%run_scoped3A : memref<!tpu.dma_semaphore, #tpu.memory_space<semaphore_mem>>) src(%arg23 : memref<2432xf32, #tpu.memory_space<vmem>>) dst(%arg8 : memref<2432xf32, #tpu.memory_space<hbm>>)
        tpu.yield
      }) : () -> ()
    } else {
    }
    return
  }
}

</mosaic_0001>

<sc_bundles>
// kernel: _run.3.cloned.1.call-start
scs
__scs_entry_jumppad:
0x0: {  	(pc) =	sbr.rel $0x88, $3  }
0x1: {  	(tag) =	ssettag $0x0;
	lr =	simm.s32 $0x1  }
0x2: {  	[smem:$0x3F9B] =	sst lr;
	_ =	strace $0xD0000000  }
0x3: {  	_ = 	snop  }
0x4: {  	_ = 	snop  }
0x5: {  	_ = 	snop  }
0x6: {  	_ = 	snop  }
0x7: {  	_ = 	snop  }
__scs_overlays_trampoline_lowered:
0x8: {  	[smem:$0x3FAA] =	sst s0  }
0x9: {  	[smem:$0x3FAB] =	sst s1  }
0xa: {  	[smem:$0x3FAC] =	sst s2  }
0xb: {  	[smem:$0x3FAD] =	sst s3  }
0xc: {  	[smem:$0x3FAE] =	sst s4  }
0xd: {  	[smem:$0x3FAF] =	sst s5  }
0xe: {  	[smem:$0x3FB0] =	sst s6  }
0xf: {  	[smem:$0x3FB1] =	sst s7  }
0x10: {  	[smem:$0x3FB2] =	sst s8  }
0x11: {  	[smem:$0x3FB3] =	sst s9;
	s0 =	simm.s32 @!p0 $0x0  }
0x12: {  	s1 =	sld [smem:$0x3F99];
	s0 =	simm.s32 @p0 $0x1  }
0x13: {  	[smem:$0x3FB4] =	sst s0;
	s0 =	simm.s32 @!p1 $0x0  }
0x14: {  	s2 =	sld [smem:$0x3F98];
	s0 =	simm.s32 @p1 $0x1  }
0x15: {  	[smem:$0x3FB5] =	sst s0;
	s0 =	simm.s32 @!p2 $0x0  }
0x16: {  	s3 =	sld [smem:$0x3FDB];
	s0 =	simm.s32 @p2 $0x1  }
0x17: {  	s4 =	simm.s32 $0x1BF5;
	[smem:$0x3FB7] =	sst s0  }
0x18: {  	s0 =	sld [smem:$0x3F9A];
	_ =	swait.ge [sflag:s4], $0x0  }
0x19: {  	s7 =	sld [smem:$0x3F9B]  }
0x1a: {  	s8 =	sadd.s32 $0xFFFFE003, lr  }
0x1b: {  	s9 =	sadd.s32 $0xFFFFFEF7, lr;
	s5 =	simm.s32 $0xFFFFFFFF;
	p2 =	slt.u32 s8, $0xFFFFF086  }
0x1c: {  	p1 =	slt.u32 s9, $0xF7A;
	s5 =	simm.s32 @!p2 $0x0  }
0x1d: {  	s5 =	simm.s32 @p1 $0x1;
	p0 =	seq.s32 s7, s2  }
0x1e: {  	s7 =	smul.u32 @!p0 $0xF7A, s2;
	p2 =	seq.s32 @!p0 s5, $0x0  }
0x1f: {  	s9 =	smul.u32 $0xF7A, s1;
	s8 =	simm.s32 @!p0 $0x1BF5;
	p2 =	por !p2, p0  }
0x20: {  	[sflag:s8] =	ssyncset.s32 @!p0 $0xFFFFF086;
	s6 =	sadd.s32 @!p0 s3, s7;
	s7 =	simm.s32 @!p0 $0x108  }
0x21: {  	s3 =	sadd.s32 s3, s9;
	s6 =	sadd.s32 @!p0 $0x88, s6;
	s7 =	simm.s32 @p2 $0x1082  }
0x22: {  	[simem:s7], [sflag:s8] =	dma.local @!p0 [hbm:s6], $0xF7A  }
0x23: {  	s9 =	sor.u32 $0xD0000000, s2;
	s6 =	simm.s32 $0x108;
	_ =	swait.ge @!p0 [sflag:s8], $0x0  }
0x24: {  	s3 =	sadd.s32 $0x88, s3;
	s6 =	simm.s32 @!p1 $0x1082;
	[sflag:s4] =	ssyncset.s32 $0xFFFFF086  }
0x25: {  	[simem:s6], [sflag:s4] =	dma.local [hbm:s3], $0xF7A  }
0x26: {  	[smem:$0x3F9B] =	sst s1;
	(tag) =	ssettag s2;
	_ =	strace s9  }
0x27: {  	s1 =	sld [smem:$0x3FAB]  }
0x28: {  	s2 =	sld [smem:$0x3FAC]  }
0x29: {  	s4 =	sld [smem:$0x3FAE]  }
0x2a: {  	p0 =	seq.s32 s5, $0x0;
	s5 =	sld [smem:$0x3FAF]  }
0x2b: {  	s6 =	sld [smem:$0x3FB0]  }
0x2c: {  	s7 =	sld [smem:$0x3FB1]  }
0x2d: {  	s3 =	simm.s32 $0x108;
	s8 =	sld [smem:$0x3FB2]  }
0x2e: {  	s3 =	simm.s32 @!p0 $0x1082;
	s9 =	sld [smem:$0x3FB3]  }
0x2f: {  	lr =	sadd.s32 s0, s3;
	s0 =	sld [smem:$0x3FAA]  }
0x30: {  	s3 =	sld [smem:$0x3FAD]  }
0x31: {  	[smem:$0x3FB6] =	sst s10  }
0x32: {  	s10 =	sld [smem:$0x3FB4];
	_ =	sdelay $0x3  }
0x33: {  	p0 =	seq.s32 s10, $0x1;
	s10 =	sld [smem:$0x3FB6];
	_ =	sdelay $0x3  }
0x34: {  	[smem:$0x3FB6] =	sst s10  }
0x35: {  	s10 =	sld [smem:$0x3FB5];
	_ =	sdelay $0x3  }
0x36: {  	p1 =	seq.s32 s10, $0x1;
	s10 =	sld [smem:$0x3FB6];
	_ =	sdelay $0x3  }
0x37: {  	[smem:$0x3FB6] =	sst s10  }
0x38: {  	s10 =	sld [smem:$0x3FB7]  }
0x39: {  	_ = 	snop;
	(pc) =	sbr.ind lr, $3  }
0x3a: {  	_ = 	snop  }
0x3b: {  	_ = 	snop  }
0x3c: {  	p2 =	seq.s32 s10, $0x1;
	s10 =	sld [smem:$0x3FB6]  }
0x3d: {  	_ =	shalt  }
0x3e: {  	_ =	shalt  }
0x3f: {  	_ =	shalt  }
0x40: {  	_ =	shalt  }
0x41: {  	_ =	shalt  }
0x42: {  	_ =	shalt  }
0x43: {  	_ =	shalt  }
0x44: {  	_ =	shalt  }
0x45: {  	_ =	shalt  }
0x46: {  	_ =	shalt  }
0x47: {  	_ =	shalt  }
0x48: {  	_ =	shalt  }
0x49: {  	_ =	shalt  }
0x4a: {  	_ =	shalt  }
0x4b: {  	_ =	shalt  }
0x4c: {  	_ =	shalt  }
0x4d: {  	_ =	shalt  }
0x4e: {  	_ =	shalt  }
0x4f: {  	_ =	shalt  }
0x50: {  	_ =	shalt  }
0x51: {  	_ =	shalt  }
0x52: {  	_ =	shalt  }
0x53: {  	_ =	shalt  }
0x54: {  	_ =	shalt  }
0x55: {  	_ =	shalt  }
0x56: {  	_ =	shalt  }
0x57: {  	_ =	shalt  }
0x58: {  	_ =	shalt  }
0x59: {  	_ =	shalt  }
0x5a: {  	_ =	shalt  }
0x5b: {  	_ =	shalt  }
0x5c: {  	_ =	shalt  }
0x5d: {  	_ =	shalt  }
0x5e: {  	_ =	shalt  }
0x5f: {  	_ =	shalt  }
0x60: {  	_ =	shalt  }
0x61: {  	_ =	shalt  }
0x62: {  	_ =	shalt  }
0x63: {  	_ =	shalt  }
0x64: {  	_ =	shalt  }
0x65: {  	_ =	shalt  }
0x66: {  	_ =	shalt  }
0x67: {  	_ =	shalt  }
0x68: {  	_ =	shalt  }
0x69: {  	_ =	shalt  }
0x6a: {  	_ =	shalt  }
0x6b: {  	_ =	shalt  }
0x6c: {  	_ =	shalt  }
0x6d: {  	_ =	shalt  }
0x6e: {  	_ =	shalt  }
0x6f: {  	_ =	shalt  }
0x70: {  	_ =	shalt  }
0x71: {  	_ =	shalt  }
0x72: {  	_ =	shalt  }
0x73: {  	_ =	shalt  }
0x74: {  	_ =	shalt  }
0x75: {  	_ =	shalt  }
0x76: {  	_ =	shalt  }
0x77: {  	_ =	shalt  }
0x78: {  	_ =	shalt  }
0x79: {  	_ =	shalt  }
0x7a: {  	_ =	shalt  }
0x7b: {  	_ =	shalt  }
0x7c: {  	_ =	shalt  }
0x7d: {  	_ =	shalt  }
0x7e: {  	_ =	shalt  }
0x7f: {  	_ =	shalt  }
0x80: {  	_ =	shalt  }
0x81: {  	_ =	shalt  }
0x82: {  	_ =	shalt  }
0x83: {  	_ =	shalt  }
0x84: {  	_ =	shalt  }
0x85: {  	_ =	shalt  }
0x86: {  	_ =	shalt  }
0x87: {  	_ =	shalt  }
.Lfunc_end0:
.L_simem_size_0:
called_computation_lowered:
.L_overlay_start_0:
0x88: {  	s2 =	sld [smem:$0x3FD9]  }
0x89: {  	s3 =	sld [smem:$0x3FFE];
	_ =	sdelay $0x1  }
0x8a: {  	s1 =	srdreg.scid  }
0x8b: {  	s0 =	sand.u32 $0x1, s1  }
0x8c: {  	s18 =	sshll.u32 s0, $0xA;
	s2 =	sadd.s32 s3, s2  }
0x8d: {  	s2 =	sadd.s32 s2, s18  }
0x8e: {  	[smem:$0x3FC2] =	sst s2  }
0x8f: {  	_ = 	snop  }
0x90: {  	s2 =	sld [smem:$0x3FC9]  }
0x91: {  	s19 =	sld [smem:$0x3FC8]  }
0x92: {  	s4 =	sld [smem:$0x3FC7]  }
0x93: {  	s5 =	sld [smem:$0x3FC6]  }
0x94: {  	s6 =	sld [smem:$0x3FC5]  }
0x95: {  	s7 =	sld [smem:$0x3FC4]  }
0x96: {  	s8 =	sld [smem:$0x3FD0];
	(tm) =	ssettm $0x1  }
0x97: {  	s9 =	sld [smem:$0x3FFB];
	_ =	sdelay $0x3  }
0x98: {  	_ =	strace s9  }
0x99: {  	s9 =	sld [smem:$0x3FFC];
	_ =	sdelay $0x3  }
0x9a: {  	_ =	strace s9  }
0x9b: {  	s9 =	sld [smem:$0x3FFD];
	_ =	sdelay $0x3  }
0x9c: {  	_ =	strace s9  }
0x9d: {  	_ =	strace $0x8FFFFFFF  }
0x9e: {  	s20 =	sld [smem:$0x3FDB];
	_ =	sdelay $0x1  }
0x9f: {  	s10 =	simm.s32 $_scs_section_size  }
0xa0: {  	s11 =	simm.s32 $_size__tile_overlayer_lowered;
	s12 =	simm.s32 $_tile_overlayer_lowered  }
0xa1: {  	s23 =	simm.s32 $0x1BFF;
	s22 =	sshll.u32 s12, $0x1;
	s9 =	sadd.s32 s10, s20  }
0xa2: {  	s13 =	simm.s32 $0x0;
	s21 =	sshll.u32 s11, $0x1;
	s11 =	sadd.s32 s22, s9  }
0xa3: {  	[timem:s13], [sflag:s23] =	dma.local [hbm:s11], s21  }
0xa4: {  	_ =	swait.ge [sflag:s23], s21  }
0xa5: {  	s10 =	ssub.s32 $0x0, s21;
	[sflag:s23] =	ssyncset.done $0x0  }
0xa6: {  	[sflag:s23] =	ssyncadd.s32 s10;
	_ =	sdelay $0x1  }
0xa7: {  	s24 =	simm.s32 $0x1B8B  }
0xa8: {  	_ =	swait.ge [sflag:s24], $0x1  }
0xa9: {  	[sflag:s24] =	ssyncset.done $0x0  }
0xaa: {  	s25 =	simm.s32 $0x1B8E;
	[sflag:s24] =	ssyncadd.s32 $0xFFFFFFFF  }
0xab: {  	s26 =	simm.s32 $execute0_lowered;
	[smem:$0x3FD2] =	sst s25  }
0xac: {  	s10 =	sshll.u32 s26, $0x1;
	_ =	strace $0x80000046;
	[dreg:$0x1] =	wrdreg $0xFFFFFFFF  }
0xad: {  	s28 =	simm.s32 $_size_execute0_lowered;
	s9 =	sadd.s32 s9, s10;
	[dreg:$0x0] =	wrdreg $0x0  }
0xae: {  	s10 =	sshll.u32 s28, $0x1;
	[dreg:$0x2] =	wrdreg s9  }
0xaf: {  	[dreg:$0x3] =	wrdreg s10  }
0xb0: {  	[dreg:$0x4] =	wrdreg $0xC0  }
0xb1: {  	_ =	task [dreg:s13], $0x5FFFF  }
0xb2: {  	[dreg:$0x1] =	wrdreg $0xFFFFFFFF  }
0xb3: {  	[dreg:$0x0] =	wrdreg $0x60  }
0xb4: {  	[dreg:$0x2] =	wrdreg s2  }
0xb5: {  	[dreg:$0x3] =	wrdreg s19  }
0xb6: {  	[dreg:$0x4] =	wrdreg s4  }
0xb7: {  	[dreg:$0x5] =	wrdreg s5  }
0xb8: {  	[dreg:$0x6] =	wrdreg s6  }
0xb9: {  	[dreg:$0x7] =	wrdreg s7  }
0xba: {  	[dreg:$0x8] =	wrdreg s8  }
0xbb: {  	[dreg:$0x9] =	wrdreg $0x4E000  }
0xbc: {  	[dreg:$0xa] =	wrdreg $0x9  }
0xbd: {  	_ =	task.clear_ibuf [dreg:s13], $0xBFFFF;
	_ =	strace $0x90000046  }
0xbe: {  	s29 =	simm.s32 $0x9;
	_ =	strace $0x80000048  }
0xbf: {  	_ =	swait.ge [sflag:s29], $0x1  }
0xc0: {  	[sflag:s29] =	ssyncadd.s32 $0xFFFFFFFF  }
0xc1: {  	_ =	strace $0x90000048  }
0xc2: {  	_ =	sfence  }
0xc3: {  	s30 =	sld [smem:$0x0];
	_ =	sdelay $0x2  }
0xc4: {  	s31 =	sshll.u32 s1, $0xD;
	s1 =	sshrl.u32 s1, $0x2  }
0xc5: {  	s3 =	sand.u32 $0x4000, s31;
	s1 =	sadd.s32 s1, s30  }
0xc6: {  	s0 =	sor.u32 s3, s0;
	s1 =	sshll.u32 s1, $0x11  }
0xc7: {  	s0 =	sor.u32 s1, s0  }
0xc8: {  	s0 =	sadd.s32 $0x8F2B, s0  }
0xc9: {  	[sflag:s0] =	ssyncadd.remote.s32 $0x1  }
0xca: {  	_ =	sfence.sel $0xFFFF  }
0xcb: {  	[dreg:$0x0] =	wrdreg $0xFFFFFFFF;
	(pc) =	sbr.abs _section_cstart, $3  }
0xcc: {  	[dreg:$0x1] =	wrdreg $0xFFFFFFFF  }
0xcd: {  	_ =	task.clear_ibuf [dreg:s13], $0x2FFFF;
	_ =	strace $0x9FFFFFFF  }
0xce: {  	(tm) =	ssettm $0x7FFFFFFF  }
0xcf: {  	_ =	shalt  }
tec
execute0_lowered:
.L_overlay_start_1:
0x0: {  	(tag) =	ssettag $0x1  }
0x1: {  	s0 =	rddreg [dreg:$0x0]  }
0x2: {  	s1 =	rddreg [dreg:$0x1]  }
0x3: {  	s2 =	rddreg [dreg:$0x2]  }
0x4: {  	s3 =	rddreg [dreg:$0x3]  }
0x5: {  	s4 =	rddreg [dreg:$0x4]  }
0x6: {  	v0 =	vimm.f32 $1.500000000e+01;
	vm0 =	vcmask $0x300;
	s5 =	rddreg [dreg:$0x5];
	s6 =	srdreg.scid  }
0x7: {  	s7 =	simm.s32 $0x0;
	s9 =	stileid.u32;
	s13 =	simm.s32 $0x2D00;
	v0 =	vsel vm0, $0x0, v0;
	vm0 =	vcmask $0x704  }
0x8: {  	s15 =	simm.s32 $0x3200;
	s16 =	simm.s32 $0x3700;
	s10 =	smul.u32 $0x4F0, s9;
	v0 =	vsel vm0, $0x3F800000, v0;
	vm0 =	vcmask $0xB08  }
0x9: {  	s6 =	sand.u32 $0x1, s6;
	[smem:$0x7FF] =	sst s7;
	s30 =	sshll.u32 s9, $0x9;
	v0 =	vsel vm0, $0x40000000, v0;
	vm0 =	vcmask $0xF0C  }
0xa: {  	s22 =	ssub.s32 $0x2, s6;
	_ =	strace $0x80000047;
	s23 =	sshrl.u32 s10, $0x3;
	v0 =	vsel vm0, $0x40400000, v0;
	vm0 =	vcmask $0x1310  }
0xb: {  	v3 =	vimm.s32 $0x0;
	s6 =	sor.u32 s9, s6;
	[dreg:$0x9] =	wrdreg s10;
	s0 =	sadd.s32 s0, s23;
	v0 =	vsel vm0, $0x40800000, v0;
	vm0 =	vcmask $0x1714  }
0xc: {  	vm1 =	vcmask $0x3F14;
	s9 =	simm.s32 $0x2800;
	s24 =	sadd.s32 s1, s23;
	[dreg:$0xa] =	wrdreg s0;
	v0 =	vsel vm0, $0x40A00000, v0;
	vm0 =	vcmask $0x1B18  }
0xd: {  	vm2 =	vcmask $0x3F10;
	s8 =	sshrl.u32 s22, $0x1;
	s25 =	sadd.s32 s2, s23;
	[dreg:$0xb] =	wrdreg s24;
	v0 =	vsel vm0, $0x40C00000, v0;
	vm0 =	vcmask $0x1F1C  }
0xe: {  	vm3 =	vcmask $0x3F0C;
	p0 =	seq.s32 s6, $0x0;
	s26 =	sadd.s32 s3, s23;
	[dreg:$0xc] =	wrdreg s25;
	v0 =	vsel vm0, $0x40E00000, v0;
	vm0 =	vcmask $0x2320  }
0xf: {  	vm4 =	vcmask $0x3F08;
	s7 =	ssub.s32 s22, s8;
	s28 =	sadd.s32 s4, s23;
	[dreg:$0xd] =	wrdreg s26;
	v0 =	vsel vm0, $0x41000000, v0;
	vm0 =	vcmask $0x2724  }
0x10: {  	v4 =	vlaneseq.u32;
	s29 =	sadd.s32 s5, s23;
	s1 =	simm.s32 @!p0 $0x0;
	[dreg:$0xe] =	wrdreg s28;
	v0 =	vsel vm0, $0x41100000, v0;
	vm0 =	vcmask $0x2B28  }
.Ltmp0:
0x11: {  	vm5 =	vcmask $0x3F04;
	[dreg:$0xf] =	wrdreg s29;
	s31 =	smax.u32 s7, $0x1;
	v0 =	vsel vm0, $0x41200000, v0;
	vm0 =	vcmask $0x2F2C;
	(pc) =	sbr.rel .LBB2_1-.Ltmp0, $4  }
0x12: {  	vm6 =	vmxor vm6, vm6;
	s1 =	simm.s32 @p0 $0x1;
	p0 =	sne.s32 s6, $0x0;
	[dreg:$0x10] =	wrdreg s31;
	v0 =	vsel vm0, $0x41300000, v0;
	vm0 =	vcmask $0x3330  }
0x13: {  	v4 =	vmul.u32 $0x80, v4;
	s0 =	sshrl.u32 s30, $0x2;
	[smem:$0x7FC] =	sst s1;
	s1 =	simm.s32 @!p0 $0x0;
	v1 =	vsel vm0, $0x41400000, v0;
	vm0 =	vcmask $0x3734  }
0x14: {  	s8 =	simm.s32 $0x2300;
	[dreg:$0x11] =	wrdreg s0;
	s1 =	simm.s32 @p0 $0x1;
	v0 =	vimm.f32 $-Inf;
	v2 =	vsel vm0, $0x41500000, v1;
	vm0 =	vcmask $0x3B38  }
0x15: {  	s2 =	simm.s32 $0x0;
	s7 =	simm.s32 $0x1E00;
	[smem:$0x7FD] =	sst s1;
	v1 =	vimm.f32 $0.0e+00;
	v2 =	vsel vm0, $0x41600000, v2;
	vm0 =	vcmask $0x3F18  }
.LBB2_17:
0x16: {  	s0 =	sld [smem:$0x7FD];
	_ =	sdelay $0x2  }
0x17: {  	p1 =	seq.s32 s0, $0x1  }
0x18: {  	s2 =	rddreg [dreg:$0x6];
	s0 =	simm.s32 @!p1 $0x0;
	s1 =	simm.s32 @!p1 $0x4480  }
0x19: {  	[hbm4b:s2+s0] =	stream.linear.scatter @!p1 [tilespmem:s1], [sflag:$0x1], $0x980, $0x38;
	[tilespmem:$0x4F00] =	vst v63  }
0x1a: {  	s0 =	simm.s32 @!p1 $0x1  }
0x1b: {  	_ =	swait.ge @!p1 [sflag:s0], $0x980  }
0x1c: {  	s30 =	rddreg [dreg:$0x12]  }
0x1d: {  	s31 =	rddreg [dreg:$0x10];
	s2 =	sadd.s32 $0x1, s30  }
0x1e: {  	p0 =	sne.s32 s2, s31  }
.Ltmp1:
0x1f: {  	_ = 	snop;
	(pc) =	sbr.rel @!p0 .LBB2_18-.Ltmp1, $4  }
0x20: {  	_ = 	snop  }
0x21: {  	s7 =	simm.s32 $0x1E00;
	s8 =	simm.s32 $0x2300  }
0x22: {  	s9 =	simm.s32 $0x2800;
	s13 =	simm.s32 $0x2D00;
	[sflag:s0] =	ssyncset.done @!p1 $0x0  }
0x23: {  	s15 =	simm.s32 $0x3200;
	s16 =	simm.s32 $0x3700;
	[sflag:s0] =	ssyncadd.s32 @!p1 $0xFFFFF680  }
.LBB2_1:
0x24: {  	[dreg:$0x12] =	wrdreg s2  }
0x25: {  	s0 =	simm.s32 $0x0;
	s1 =	rddreg [dreg:$0xa];
	s21 =	simm.s32 $0x1  }
0x26: {  	[tilespmem:s0], [sflag:$0x1] =	stream.linear.gather [hbm4b:s1+s0], $0x4F0, $0x38;
	[tilespmem:$0x4F00] =	vst v63  }
0x27: {  	_ =	swait.ge [sflag:s21], $0x4F0  }
0x28: {  	[sflag:s21] =	ssyncset.done $0x0  }
0x29: {  	s3 =	simm.s32 $0x500;
	s22 =	rddreg [dreg:$0xb];
	[sflag:s21] =	ssyncadd.s32 $0xFFFFFB10  }
0x2a: {  	[tilespmem:s3], [sflag:$0x1] =	stream.linear.gather [hbm4b:s22+s0], $0x4F0, $0x38;
	[tilespmem:$0x4F00] =	vst v63  }
0x2b: {  	_ =	swait.ge [sflag:s21], $0x4F0  }
0x2c: {  	[sflag:s21] =	ssyncset.done $0x0  }
0x2d: {  	s24 =	simm.s32 $0xA00;
	s23 =	rddreg [dreg:$0xc];
	[sflag:s21] =	ssyncadd.s32 $0xFFFFFB10  }
0x2e: {  	[tilespmem:s24], [sflag:$0x1] =	stream.linear.gather [hbm4b:s23+s0], $0x4F0, $0x38;
	[tilespmem:$0x4F00] =	vst v63  }
0x2f: {  	_ =	swait.ge [sflag:s21], $0x4F0  }
0x30: {  	[sflag:s21] =	ssyncset.done $0x0  }
0x31: {  	s26 =	simm.s32 $0xF00;
	s25 =	rddreg [dreg:$0xd];
	[sflag:s21] =	ssyncadd.s32 $0xFFFFFB10  }
0x32: {  	[tilespmem:s26], [sflag:$0x1] =	stream.linear.gather [hbm4b:s25+s0], $0x4F0, $0x38;
	[tilespmem:$0x4F00] =	vst v63  }
0x33: {  	_ =	swait.ge [sflag:s21], $0x4F0  }
0x34: {  	[sflag:s21] =	ssyncset.done $0x0  }
0x35: {  	s29 =	simm.s32 $0x1400;
	s28 =	rddreg [dreg:$0xe];
	[sflag:s21] =	ssyncadd.s32 $0xFFFFFB10  }
0x36: {  	[tilespmem:s29], [sflag:$0x1] =	stream.linear.gather [hbm4b:s28+s0], $0x4F0, $0x38;
	[tilespmem:$0x4F00] =	vst v63  }
0x37: {  	_ =	swait.ge [sflag:s21], $0x4F0  }
0x38: {  	[sflag:s21] =	ssyncset.done $0x0  }
0x39: {  	s31 =	simm.s32 $0x1900;
	s30 =	rddreg [dreg:$0xf];
	[sflag:s21] =	ssyncadd.s32 $0xFFFFFB10  }
0x3a: {  	[tilespmem:s31], [sflag:$0x1] =	stream.linear.gather [hbm4b:s30+s0], $0x4F0, $0x38;
	[tilespmem:$0x4F00] =	vst v63  }
0x3b: {  	_ =	swait.ge [sflag:s21], $0x4F0  }
0x3c: {  	[sflag:s21] =	ssyncset.done $0x0  }
0x3d: {  	s1 =	simm.s32 $0x0;
	s0 =	simm.s32 $0x40;
	[sflag:s21] =	ssyncadd.s32 $0xFFFFFB10  }
.LBB2_2:
0x3e: {  	p0 =	sne.s32 s0, $0x1380;
	[tilespmem:s1+$0x3200] =	vst v0;
	s1 =	smov.u32 s0;
	s0 =	sadd.s32 $0x40, s0  }
.Ltmp2:
0x3f: {  	(pc) =	sbr.rel @p0 .LBB2_2-.Ltmp2, $2  }
0x40: {  	_ =	sdelay $0x2  }
0x41: {  	s1 =	sshra.s32 s1, $0x2  }
0x42: {  	[tilespmem:s1+$0x3200] =	vst v0;
	s0 =	simm.s32 $0x0;
	s1 =	simm.s32 $0x40;
	s2 =	simm.s32 $0x0  }
.LBB2_4:
0x43: {  	p0 =	sne.s32 s1, $0x25C0;
	[tilespmem:s2+$0x4480] =	vst v1;
	s2 =	smov.u32 s1;
	s1 =	sadd.s32 $0x40, s1  }
.Ltmp3:
0x44: {  	(pc) =	sbr.rel @p0 .LBB2_4-.Ltmp3, $2  }
0x45: {  	_ =	sdelay $0x2  }
0x46: {  	s2 =	sshra.s32 s2, $0x2  }
0x47: {  	[tilespmem:s2+$0x4480] =	vst v1;
	s1 =	simm.s32 $0x0  }
0x48: {  	v5 =	vld [tilespmem:s1+$0x1400]  }
0x49: {  	v6 =	vld [tilespmem:s1+$0x1900];
	_ =	sdelay $0x4  }
0x4a: {  	v5 =	vmax.f32 v5, $0.0e+00;
	v6 =	vmax.f32 v6, $0.0e+00  }
0x4b: {  	v5 =	vmin.f32 v5, $1.000000000e+00;
	v6 =	vmin.f32 v6, $1.000000000e+00  }
0x4c: {  	v5 =	vmul.f32 v6, v5;
	_ =	sdelay $0x1  }
0x4d: {  	vm7 =	vge.f32 v5, $2.500000000e-01  }
0x4e: {  	v6 =	vsel vm7, $0x1, v3  }
0x4f: {  	(xrf0) =	vadd.scan.msk.s32 $0xffff, v6;
	_ =	sdelay $0x2  }
0x50: {  	v6 =	vmov s0  }
0x51: {  	v6 =	vadd.s32 $0xFFFFFFFF, v6  }
0x52: {  	v6 =	vbroadcast v6, $0x0  }
0x53: {  	v7, _, _ =	vpop (xrf0)  }
0x54: {  	v8 =	vld [tilespmem:s1+$0x0];
	v6 =	vadd.s32 v7, v6  }
0x55: {  	v9 =	vld [tilespmem:s1+$0x500]  }
0x56: {  	v10 =	vld [tilespmem:s1+$0xA00];
	v7 =	vxor.u32 $0x80000000, v7  }
0x57: {  	v11 =	vld [tilespmem:s1+$0xF00];
	(xrf0) =	vmax.scan.msk.u32 $0xffff, v7;
	_ =	sdelay $0x1  }
0x58: {  	[tilespmem:v6+s7+$0x0] =	vst.idx.msk vm7, v8  }
0x59: {  	[tilespmem:v6+s8+$0x0] =	vst.idx.msk vm7, v9  }
0x5a: {  	s4 =	rddreg [dreg:$0x9];
	[tilespmem:v6+s9+$0x0] =	vst.idx.msk vm7, v10  }
0x5b: {  	s31 =	scvt.s32.f32 s4;
	[tilespmem:v6+s13+$0x0] =	vst.idx.msk vm7, v11  }
0x5c: {  	[tilespmem:v6+s15+$0x0] =	vst.idx.msk vm7, v5;
	v5, _, _ =	vpop (xrf0)  }
0x5d: {  	v7 =	vadd.f32 s31, v2;
	(v2sf) =	vpush v5, $0xF;
	_ =	sdelay $0x1  }
0x5e: {  	s2 =	simm.s32 $0x10;
	[tilespmem:v6+s16+$0x0] =	vst.idx.msk vm7, v7  }
0x5f: {  	s3 =	simm.s32 $0x80;
	s1 =	smov.u32 s4;
	v5 =	vld [tilespmem:s2+$0x1400]  }
.LBB2_6:
0x60: {  	p1 =	sne.s32 s3, $0x1380;
	v6 =	vld [tilespmem:s2+$0x1900]  }
0x61: {  	v7 =	vld [tilespmem:s2+$0xF00]  }
0x62: {  	v8 =	vld [tilespmem:s2+$0xA00]  }
0x63: {  	v9 =	vld [tilespmem:s2+$0x500]  }
0x64: {  	v10 =	vld [tilespmem:s2+$0x0]  }
0x65: {  	v5 =	vmax.f32 v5, $0.0e+00;
	v6 =	vmax.f32 v6, $0.0e+00  }
0x66: {  	v5 =	vmin.f32 v5, $1.000000000e+00;
	v6 =	vmin.f32 v6, $1.000000000e+00  }
0x67: {  	v5 =	vmul.f32 v6, v5;
	_ =	sdelay $0x1  }
0x68: {  	vm7 =	vge.f32 v5, $2.500000000e-01  }
0x69: {  	v6 =	vsel vm7, $0x1, v3  }
0x6a: {  	(xrf0) =	vadd.scan.msk.s32 $0xffff, v6;
	s2 =	spop (v2sf)  }
0x6b: {  	s0 =	sadd.s32 s2, s0  }
0x6c: {  	s0 =	sadd.s32 $0x80000000, s0  }
0x6d: {  	v6 =	vmov s0  }
0x6e: {  	v6 =	vadd.s32 $0xFFFFFFFF, v6  }
0x6f: {  	v6 =	vbroadcast v6, $0x0  }
0x70: {  	v11, _, _ =	vpop (xrf0)  }
0x71: {  	v6 =	vadd.s32 v11, v6;
	v11 =	vxor.u32 $0x80000000, v11  }
0x72: {  	(xrf0) =	vmax.scan.msk.u32 $0xffff, v11;
	_ =	sdelay $0x3  }
0x73: {  	s1 =	sadd.s32 $0x10, s1;
	[tilespmem:v6+s7+$0x0] =	vst.idx.msk vm7, v10  }
0x74: {  	s2 =	scvt.s32.f32 s1;
	[tilespmem:v6+s8+$0x0] =	vst.idx.msk vm7, v9  }
.Ltmp4:
0x75: {  	[tilespmem:v6+s9+$0x0] =	vst.idx.msk vm7, v8;
	v8, _, _ =	vpop (xrf0);
	(pc) =	sbr.rel @p1 .LBB2_6-.Ltmp4, $4  }
0x76: {  	v9 =	vadd.f32 s2, v2;
	[tilespmem:v6+s13+$0x0] =	vst.idx.msk vm7, v7;
	(v2sf) =	vpush v8, $0xF  }
0x77: {  	[tilespmem:v6+s15+$0x0] =	vst.idx.msk vm7, v5  }
0x78: {  	s2 =	sshra.s32 s3, $0x2;
	[tilespmem:v6+s16+$0x0] =	vst.idx.msk vm7, v9  }
0x79: {  	s3 =	sadd.s32 $0x40, s3;
	v5 =	vld [tilespmem:s2+$0x1400]  }
0x7a: {  	v6 =	vld [tilespmem:s2+$0x1900];
	_ =	sdelay $0x4  }
0x7b: {  	v5 =	vmax.f32 v5, $0.0e+00;
	v6 =	vmax.f32 v6, $0.0e+00  }
0x7c: {  	v5 =	vmin.f32 v5, $1.000000000e+00;
	v6 =	vmin.f32 v6, $1.000000000e+00  }
0x7d: {  	v5 =	vmul.f32 v6, v5;
	_ =	sdelay $0x1  }
0x7e: {  	vm7 =	vge.f32 v5, $2.500000000e-01  }
0x7f: {  	v6 =	vsel vm7, $0x1, v3  }
0x80: {  	(xrf0) =	vadd.scan.msk.s32 $0xffff, v6;
	_ =	sdelay $0x5  }
0x81: {  	v6, _, _ =	vpop (xrf0)  }
0x82: {  	v7 =	vxor.u32 $0x80000000, v6  }
0x83: {  	(xrf0) =	vmax.scan.msk.u32 $0xffff, v7;
	_ =	sdelay $0x5  }
0x84: {  	v7, _, _ =	vpop (xrf0)  }
0x85: {  	(v2sf) =	vpush v7, $0xF;
	_ =	sdelay $0x9  }
0x86: {  	s3 =	spop (v2sf)  }
0x87: {  	s0 =	sadd.s32 s3, s0  }
0x88: {  	s0 =	sadd.s32 $0x80000000, s0  }
0x89: {  	s1 =	sadd.s32 $0x10, s1;
	s21 =	simm.s32 $0x0;
	s25 =	simm.f32 $-2.000000000e+09;
	v7 =	vmov s0  }
0x8a: {  	s26 =	simm.f32 $2.000000000e+09;
	s24 =	simm.f32 $-2.000000000e+09;
	s11 =	simm.f32 $2.000000000e+09;
	v7 =	vadd.s32 $0xFFFFFFFF, v7  }
0x8b: {  	s10 =	simm.f32 $2.000000000e+09;
	s23 =	simm.f32 $2.000000000e+09;
	v7 =	vbroadcast v7, $0x0;
	s12 =	spop (v2sf)  }
0x8c: {  	s22 =	simm.f32 $2.000000000e+09;
	s28 =	simm.f32 $-2.000000000e+09;
	s3 =	sadd.s32 s12, s0  }
0x8d: {  	v8 =	vld [tilespmem:s2+$0x0];
	s29 =	simm.f32 $2.000000000e+09;
	s30 =	simm.f32 $2.000000000e+09;
	v6 =	vadd.s32 v6, v7;
	s3 =	sadd.s32 $0x80000000, s3  }
0x8e: {  	s31 =	simm.f32 $-2.000000000e+09;
	[dreg:$0x16] =	wrdreg s21;
	v7 =	vld [tilespmem:s2+$0x500];
	s3 =	sadd.s32 $0xF, s3  }
0x8f: {  	v9 =	vld [tilespmem:s2+$0xA00];
	s18 =	scvt.s32.f32 s1;
	[dreg:$0x19] =	wrdreg s22;
	s4 =	sand.u32 $0xF, s3  }
0x90: {  	v10 =	vld [tilespmem:s2+$0xF00];
	s5 =	sshra.s32 s3, $0x1F;
	p0 =	slt.s32 s3, $0x1;
	p1 =	sne.s32 s4, $0x0  }
0x91: {  	[dreg:$0x18] =	wrdreg s29;
	s14 =	sshrl.u32 s5, $0x1C;
	p0 =	por !p0, !p1  }
0x92: {  	[tilespmem:v6+s7+$0x0] =	vst.idx.msk vm7, v8;
	s4 =	simm.s32 $0x1;
	s3 =	sadd.s32 s14, s3;
	p0 =	por !p0, !p0  }
0x93: {  	s1 =	simm.s32 $0x0;
	[tilespmem:v6+s8+$0x0] =	vst.idx.msk vm7, v7;
	s3 =	sshra.s32 s3, $0x4;
	s4 =	simm.s32 @!p0 $0x0  }
0x94: {  	s2 =	simm.f32 $-2.000000000e+09;
	s8 =	simm.f32 $-2.000000000e+09;
	[tilespmem:v6+s9+$0x0] =	vst.idx.msk vm7, v9;
	s4 =	ssub.s32 s3, s4  }
0x95: {  	v7 =	vadd.f32 s18, v2;
	s18 =	simm.f32 $-2.000000000e+09;
	s9 =	simm.f32 $-2.000000000e+09;
	[tilespmem:v6+s13+$0x0] =	vst.idx.msk vm7, v10;
	s17 =	sshrl.u32 s4, $0x1E  }
0x96: {  	[tilespmem:v6+s15+$0x0] =	vst.idx.msk vm7, v5;
	s15 =	simm.f32 $2.000000000e+09;
	s12 =	simm.f32 $2.000000000e+09;
	s0 =	sadd.s32 s17, s4  }
0x97: {  	s13 =	simm.f32 $-2.000000000e+09;
	s5 =	simm.f32 $-2.000000000e+09;
	s0 =	sand.u32 $0xFFFFFFFC, s0  }
0x98: {  	[dreg:$0x13] =	wrdreg s4;
	s19 =	ssub.s32 s4, s0;
	s6 =	sshll.u32 s0, $0x6  }
0x99: {  	s20 =	sshll.u32 s0, $0x4;
	p0 =	slt.s32 s0, $0x1;
	s21 =	sshra.s32 s6, $0x2  }
.Ltmp5:
0x9a: {  	[dreg:$0x14] =	wrdreg s0;
	s0 =	simm.s32 @!p0 $0x0;
	v5 =	vmov s21;
	(pc) =	sbr.rel .LBB2_8-.Ltmp5, $4  }
0x9b: {  	[dreg:$0x15] =	wrdreg s20;
	s0 =	simm.s32 @p0 $0x1;
	p0 =	slt.s32 s19, $0x1  }
0x9c: {  	s14 =	simm.f32 $2.000000000e+09;
	[smem:$0x7FA] =	sst s0;
	s0 =	simm.s32 @!p0 $0x0  }
0x9d: {  	s20 =	simm.f32 $2.000000000e+09;
	s19 =	simm.f32 $2.000000000e+09;
	s0 =	simm.s32 @p0 $0x1  }
0x9e: {  	[tilespmem:v6+s16+$0x0] =	vst.idx.msk vm7, v7;
	s17 =	simm.f32 $-2.000000000e+09;
	[smem:$0x7FB] =	sst s0;
	s0 =	simm.f32 $-2.000000000e+09  }
.LBB2_11:
0x9f: {  	s11 =	simm.s32 $0x2D00  }
.LBB2_16:
0xa0: {  	(xrf0) =	vmax.scan.msk.f32 $0xffff, v15;
	_ =	sdelay $0x5  }
0xa1: {  	v6, _, _ =	vpop (xrf0)  }
0xa2: {  	v6 =	vbroadcast v6, $0xF;
	_ =	sdelay $0x1  }
0xa3: {  	vm7 =	veq.f32 v15, v6  }
0xa4: {  	v7 =	vnsel vm7, $0x4BE4E1C0, v37  }
0xa5: {  	(xrf0) =	vmin.scan.msk.f32 $0xffff, v7;
	_ =	sdelay $0x5  }
0xa6: {  	v7, _, _ =	vpop (xrf0)  }
0xa7: {  	v8 =	vbroadcast v7, $0xF;
	_ =	sdelay $0x1  }
0xa8: {  	vm8 =	veq.f32 v37, v8  }
0xa9: {  	vm7 =	vmand vm7, vm8  }
0xaa: {  	v43 =	vsel vm7, v40, v15  }
0xab: {  	(xrf0) =	vmax.scan.msk.f32 $0xffff, v43;
	_ =	sdelay $0x5  }
0xac: {  	v9, _, _ =	vpop (xrf0)  }
0xad: {  	v9 =	vbroadcast v9, $0xF;
	_ =	sdelay $0x1  }
0xae: {  	v10 =	vsel vm7, v39, v37;
	vm7 =	veq.f32 v43, v9  }
0xaf: {  	v8 =	vnsel vm7, $0x4BE4E1C0, v10  }
0xb0: {  	(xrf0) =	vmin.scan.msk.f32 $0xffff, v8;
	_ =	sdelay $0x1  }
0xb1: {  	(v2sf) =	vpush v7, $0xF;
	_ =	sdelay $0x3  }
0xb2: {  	v7, _, _ =	vpop (xrf0)  }
0xb3: {  	(v2sf) =	vpush v7, $0xF;
	_ =	sdelay $0x9  }
0xb4: {  	s1 =	spop (v2sf)  }
0xb5: {  	s1 =	scvt.f32.s32 s1;
	_ =	sdelay $0x1  }
0xb6: {  	v7 =	vmov s1;
	_ =	sdelay $0x1  }
0xb7: {  	s3 =	spop (v2sf)  }
0xb8: {  	s1 =	scvt.f32.s32 s3;
	_ =	sdelay $0x1  }
0xb9: {  	s0 =	simm.s32 $0x1E00;
	v45 =	vld.idx.msk [tilespmem:v7+s15+$0x0], $0xffff;
	v44 =	vmov s1  }
0xba: {  	s4 =	simm.s32 $0x2300;
	v11 =	vld.idx.msk [tilespmem:v7+s0+$0x0], $0xffff  }
0xbb: {  	v12 =	vld.idx.msk [tilespmem:v7+s4+$0x0], $0xffff  }
0xbc: {  	v13 =	vld.idx.msk [tilespmem:v7+s9+$0x0], $0xffff  }
0xbd: {  	v7 =	vld.idx.msk [tilespmem:v7+s11+$0x0], $0xffff  }
0xbe: {  	v14 =	vld.idx.msk [tilespmem:v44+s11+$0x0], $0xffff  }
0xbf: {  	v46 =	vld.idx.msk [tilespmem:v44+s9+$0x0], $0xffff  }
0xc0: {  	s5 =	rddreg [dreg:$0x16];
	v16 =	vld.idx.msk [tilespmem:v44+s4+$0x0], $0xffff  }
0xc1: {  	s6 =	sshrl.u32 s5, $0x1F;
	v17 =	vld.idx.msk [tilespmem:v44+s0+$0x0], $0xffff  }
0xc2: {  	v7 =	vsel vm0, $0x0, v7;
	s1 =	sadd.s32 s6, s5;
	v8 =	vld.idx.msk [tilespmem:v44+s15+$0x0], $0xffff  }
0xc3: {  	v7 =	vsel vm1, v7, v13;
	s1 =	sand.u32 $0x7FFFE, s1;
	v47 =	vsel vm0, $0x0, v14  }
0xc4: {  	v7 =	vsel vm2, v7, v12;
	s1 =	ssub.s32 s5, s1;
	v48 =	vsel vm1, v47, v46  }
0xc5: {  	v7 =	vsel vm3, v7, v11;
	s1 =	sshll.u32 s1, $0xD;
	v49 =	vsel vm2, v48, v16  }
0xc6: {  	s7 =	rddreg [dreg:$0x7];
	v7 =	vsel vm4, v7, v45;
	s1 =	sshra.s32 s1, $0x2;
	v50 =	vsel vm3, v49, v17  }
0xc7: {  	v6 =	vsel vm5, v7, v6;
	s1 =	sadd.s32 s1, s7;
	v7 =	vsel vm4, v50, v8  }
0xc8: {  	s8 =	rddreg [dreg:$0x11];
	s10 =	simm.s32 $0x1;
	[tilespmem:$0x3C00] =	vst v6;
	s1 =	sadd.s32 $0x3000, s1;
	v7 =	vsel vm5, v7, v9  }
0xc9: {  	[dreg:$0x16] =	wrdreg s5;
	s9 =	simm.s32 $0x3C00;
	s2 =	sadd.s32 s8, s1;
	[tilespmem:$0x3C10] =	vst v7  }
0xca: {  	[spmem:s2] =	stream.linear.scatter [tilespmem:s9], [sflag:$0x1], $0x80, $0x38;
	[tilespmem:$0x4F00] =	vst v63  }
0xcb: {  	_ =	swait.ge [sflag:s10], $0x80  }
0xcc: {  	[sflag:s10] =	ssyncset.done $0x0  }
0xcd: {  	[sflag:s10] =	ssyncadd.s32 $0xFFFFFF80  }
0xce: {  	s11 =	simm.s32 $0x3C80;
	[bflag:$0x0] =	sbarrier.arrive $0xFFFF  }
0xcf: {  	v6 =	vor.u32 $0x10, v4;
	[tilespmem:s11], [sflag:$0x1] =	stream.linear.gather [spmem:s1], $0x800, $0x38;
	[tilespmem:$0x4F00] =	vst v63  }
0xd0: {  	_ =	swait.ge [sflag:s10], $0x800  }
0xd1: {  	[sflag:s10] =	ssyncset.done $0x0  }
0xd2: {  	[sflag:s10] =	ssyncadd.s32 $0xFFFFF800  }
0xd3: {  	v18 =	vld.idx.msk [tilespmem:v4+s11+$0x0], $0xffff  }
0xd4: {  	v19 =	vld.idx.msk [tilespmem:v6+s11+$0x0], $0xffff;
	_ =	sdelay $0x4  }
0xd5: {  	v7 =	vor.u32 $0x11, v4;
	(xrf0) =	vmax.scan.msk.f32 $0xffff, v18;
	vm7 =	vge.f32 v18, v19  }
0xd6: {  	v6 =	vor.u32 $0x1, v4;
	(xrf0) =	vmax.scan.msk.f32 $0xffff, v19;
	v51 =	vsel vm7, v18, v19  }
0xd7: {  	(xrf0) =	vmax.scan.msk.f32 $0xffff, v51;
	_ =	sdelay $0x2  }
0xd8: {  	v7 =	vld.idx.msk [tilespmem:v7+s11+$0x0], $0xffff  }
0xd9: {  	v6 =	vld.idx.msk [tilespmem:v6+s11+$0x0], $0xffff;
	v52, _, _ =	vpop (xrf0)  }
0xda: {  	v53, _, _ =	vpop (xrf0)  }
0xdb: {  	v20, _, _ =	vpop (xrf0)  }
0xdc: {  	v54 =	vor.u32 $0x2, v4;
	v55 =	vbroadcast v20, $0xF  }
0xdd: {  	v57 =	vor.u32 $0x4, v4  }
0xde: {  	v58 =	vor.u32 $0x5, v4;
	v21 =	vsel vm7, v6, v7;
	vm8 =	veq.f32 v51, v55  }
0xdf: {  	v59 =	vor.u32 $0x12, v4;
	v10 =	vnsel vm8, $0x4BE4E1C0, v21  }
0xe0: {  	v60 =	vor.u32 $0x13, v4;
	(xrf0) =	vmin.scan.msk.f32 $0xffff, v10  }
0xe1: {  	v56 =	vor.u32 $0x3, v4;
	v9 =	vld.idx.msk [tilespmem:v54+s11+$0x0], $0xffff  }
0xe2: {  	v22 =	vor.u32 $0x14, v4;
	v11 =	vld.idx.msk [tilespmem:v57+s11+$0x0], $0xffff  }
0xe3: {  	v61 =	vor.u32 $0x15, v4;
	v8 =	vld.idx.msk [tilespmem:v58+s11+$0x0], $0xffff  }
0xe4: {  	v15 =	vld.idx.msk [tilespmem:v59+s11+$0x0], $0xffff  }
0xe5: {  	v13 =	vld.idx.msk [tilespmem:v60+s11+$0x0], $0xffff  }
0xe6: {  	v10 =	vld.idx.msk [tilespmem:v56+s11+$0x0], $0xffff;
	v23, _, _ =	vpop (xrf0)  }
0xe7: {  	v14 =	vld.idx.msk [tilespmem:v22+s11+$0x0], $0xffff;
	v62 =	vbroadcast v23, $0xF  }
0xe8: {  	v12 =	vld.idx.msk [tilespmem:v61+s11+$0x0], $0xffff  }
0xe9: {  	vm9 =	veq.f32 v21, v62  }
0xea: {  	v63 =	vsel vm7, v9, v15;
	vm8 =	vmand vm8, vm9  }
0xeb: {  	v24 =	vsel vm7, v10, v13;
	v21 =	vnsel vm8, $0xF149F2CA, v63  }
0xec: {  	v25 =	vsel vm7, v11, v14;
	v26 =	vnsel vm8, $0xF149F2CA, v24;
	(xrf0) =	vmax.scan.msk.f32 $0xffff, v21  }
0xed: {  	v27 =	vsel vm7, v8, v12;
	v28 =	vnsel vm8, $0xF149F2CA, v25;
	(xrf0) =	vmax.scan.msk.f32 $0xffff, v26  }
0xee: {  	v29 =	vnsel vm8, $0xF149F2CA, v27;
	(xrf0) =	vmax.scan.msk.f32 $0xffff, v28  }
0xef: {  	(xrf0) =	vmax.scan.msk.f32 $0xffff, v29  }
0xf0: {  	(v2sf) =	vpush v52, $0xF  }
0xf1: {  	(v2sf) =	vpush v53, $0xF  }
0xf2: {  	(v2sf) =	vpush v20, $0xF;
	v30, _, _ =	vpop (xrf0)  }
0xf3: {  	(v2sf) =	vpush v30, $0xF;
	v31, _, _ =	vpop (xrf0)  }
0xf4: {  	(v2sf) =	vpush v31, $0xF;
	v32, _, _ =	vpop (xrf0)  }
0xf5: {  	(v2sf) =	vpush v32, $0xF;
	v21, _, _ =	vpop (xrf0)  }
0xf6: {  	(v2sf) =	vpush v21, $0xF;
	_ =	sdelay $0x8  }
0xf7: {  	s12 =	spop (v2sf)  }
0xf8: {  	s13 =	spop (v2sf)  }
0xf9: {  	v34 =	vsub.f32 v11, v9;
	s17 =	spop (v2sf)  }
0xfa: {  	v36 =	vsub.f32 v14, v15;
	v37 =	vsub.f32 v12, v13;
	v33 =	vbroadcast v30, $0xF;
	s18 =	spop (v2sf)  }
0xfb: {  	v35 =	vsub.f32 v8, v10;
	v17 =	vbroadcast v31, $0xF;
	v20 =	vbroadcast v32, $0xF;
	s31 =	spop (v2sf)  }
0xfc: {  	v24 =	vmax.f32 v33, v9;
	v22 =	vmax.f32 v33, v15;
	v21 =	vbroadcast v21, $0xF;
	s30 =	spop (v2sf)  }
0xfd: {  	v26 =	vmax.f32 v17, v10;
	v17 =	vmax.f32 v17, v13;
	v25 =	vmin.f32 v20, v11;
	s19 =	spop (v2sf);
	s14 =	ssub.f32 s30, s18  }
0xfe: {  	v20 =	vmin.f32 v20, v14;
	v24 =	vsub.f32 v25, v24;
	v27 =	vmin.f32 v21, v8;
	s4 =	ssub.f32 s19, s31  }
0xff: {  	v21 =	vmin.f32 v21, v12;
	v20 =	vsub.f32 v20, v22;
	v26 =	vsub.f32 v27, v26  }
0x100: {  	v16 =	vmul.f32 v35, v34;
	v21 =	vsub.f32 v21, v17;
	v17 =	vmul.f32 v37, v36;
	s1 =	smul.f32 s4, s14  }
0x101: {  	v24 =	vmax.f32 v24, $0.0e+00;
	v20 =	vmax.f32 v20, $0.0e+00;
	v26 =	vmax.f32 v26, $0.0e+00  }
0x102: {  	v21 =	vmax.f32 v21, $0.0e+00;
	v38 =	vmul.f32 v26, v24;
	v39 =	vadd.f32 s1, v16  }
0x103: {  	v20 =	vmul.f32 v21, v20;
	v40 =	vadd.f32 s1, v17  }
0x104: {  	v23 =	vsub.f32 v39, v38  }
0x105: {  	v21 =	vsub.f32 v40, v20  }
0x106: {  	v23 =	vmax.f32 v23, $9.999999710e-10  }
0x107: {  	v21 =	vmax.f32 v21, $9.999999710e-10;
	(erf) = vrcp.f32 v23  }
0x108: {  	(erf) = vrcp.f32 v21;
	_ =	sdelay $0x7  }
0x109: {  	v41 =	vpop (erf)  }
0x10a: {  	v42 =	vpop (erf)  }
0x10b: {  	p3 =	sgt.f32 s17, $-Inf;
	v21 =	vmul.f32 v41, v38;
	v20 =	vmul.f32 v42, v20  }
0x10c: {  	vm10 =	vlt.f32 v19, $-Inf;
	vm11 =	vgt.f32 v19, $-Inf;
	vm7 =	vmmov vm6  }
0x10d: {  	vm7 =	vmneg @p3 vm7;
	vm8 =	vge.f32 v21, $5.000000000e-01;
	vm12 =	vge.f32 v20, $5.000000000e-01  }
0x10e: {  	vm13 =	vmor vm11, vm10;
	vm8 =	vmand vm7, vm8;
	vm7 =	vmand vm7, vm12  }
0x10f: {  	v18 =	vsel vm8, $0xFF800000, v18;
	vm9 =	vmand vm13, vm7;
	v43 =	vsel vm7, $0xFF800000, v19  }
0x110: {  	v19 =	vnsel vm9, $0xFF800000, v19;
	vm7 =	vge.f32 v18, v43  }
0x111: {  	(xrf0) =	vmax.scan.msk.f32 $0xffff, v19;
	v44 =	vsel vm7, v18, v43  }
0x112: {  	(xrf0) =	vmax.scan.msk.f32 $0xffff, v44;
	_ =	sdelay $0x4  }
0x113: {  	v45, _, _ =	vpop (xrf0)  }
0x114: {  	v46, _, _ =	vpop (xrf0)  }
0x115: {  	v47 =	vbroadcast v46, $0xF;
	_ =	sdelay $0x1  }
0x116: {  	v48 =	vsel vm7, v6, v7;
	vm8 =	veq.f32 v44, v47  }
0x117: {  	v19 =	vnsel vm8, $0x4BE4E1C0, v48  }
0x118: {  	(xrf0) =	vmin.scan.msk.f32 $0xffff, v19;
	_ =	sdelay $0x5  }
0x119: {  	v19, _, _ =	vpop (xrf0)  }
0x11a: {  	v19 =	vbroadcast v19, $0xF;
	_ =	sdelay $0x1  }
0x11b: {  	vm14 =	veq.f32 v48, v19  }
0x11c: {  	v49 =	vsel vm7, v9, v15;
	vm8 =	vmand vm8, vm14  }
0x11d: {  	v50 =	vsel vm7, v10, v13;
	v19 =	vnsel vm8, $0xF149F2CA, v49  }
0x11e: {  	v51 =	vsel vm7, v11, v14;
	v52 =	vnsel vm8, $0xF149F2CA, v50;
	(xrf0) =	vmax.scan.msk.f32 $0xffff, v19  }
0x11f: {  	v53 =	vsel vm7, v8, v12;
	v54 =	vnsel vm8, $0xF149F2CA, v51;
	(xrf0) =	vmax.scan.msk.f32 $0xffff, v52  }
0x120: {  	v55 =	vnsel vm8, $0xF149F2CA, v53;
	(xrf0) =	vmax.scan.msk.f32 $0xffff, v54  }
0x121: {  	(xrf0) =	vmax.scan.msk.f32 $0xffff, v55;
	_ =	sdelay $0x1  }
0x122: {  	(v2sf) =	vpush v45, $0xF  }
0x123: {  	(v2sf) =	vpush v46, $0xF;
	v56, _, _ =	vpop (xrf0)  }
0x124: {  	(v2sf) =	vpush v56, $0xF;
	v57, _, _ =	vpop (xrf0)  }
0x125: {  	(v2sf) =	vpush v57, $0xF;
	v58, _, _ =	vpop (xrf0)  }
0x126: {  	(v2sf) =	vpush v58, $0xF;
	v59, _, _ =	vpop (xrf0)  }
0x127: {  	(v2sf) =	vpush v59, $0xF;
	_ =	sdelay $0x9  }
0x128: {  	s5 =	spop (v2sf)  }
0x129: {  	s29 =	spop (v2sf)  }
0x12a: {  	v19 =	vbroadcast v56, $0xF;
	s20 =	spop (v2sf)  }
0x12b: {  	v21 =	vbroadcast v57, $0xF;
	v22 =	vbroadcast v58, $0xF;
	s23 =	spop (v2sf)  }
0x12c: {  	[dreg:$0x1b] =	wrdreg s13;
	v60 =	vmax.f32 v19, v9;
	v19 =	vmax.f32 v19, v15;
	v23 =	vbroadcast v59, $0xF;
	s13 =	spop (v2sf)  }
0x12d: {  	v62 =	vmax.f32 v21, v10;
	v21 =	vmax.f32 v21, v13;
	v61 =	vmin.f32 v22, v11;
	s28 =	spop (v2sf);
	s15 =	ssub.f32 s13, s20  }
0x12e: {  	v22 =	vmin.f32 v22, v14;
	v24 =	vsub.f32 v61, v60;
	v63 =	vmin.f32 v23, v8;
	s6 =	ssub.f32 s28, s23  }
0x12f: {  	v23 =	vmin.f32 v23, v12;
	v19 =	vsub.f32 v22, v19;
	v25 =	vsub.f32 v63, v62  }
0x130: {  	v21 =	vsub.f32 v23, v21;
	s1 =	smul.f32 s6, s15  }
0x131: {  	v24 =	vmax.f32 v24, $0.0e+00;
	v19 =	vmax.f32 v19, $0.0e+00;
	v25 =	vmax.f32 v25, $0.0e+00  }
0x132: {  	v21 =	vmax.f32 v21, $0.0e+00;
	v24 =	vmul.f32 v25, v24;
	v25 =	vadd.f32 s1, v16  }
0x133: {  	v19 =	vmul.f32 v21, v19;
	v26 =	vadd.f32 s1, v17  }
0x134: {  	v23 =	vsub.f32 v25, v24  }
0x135: {  	v21 =	vsub.f32 v26, v19  }
0x136: {  	v23 =	vmax.f32 v23, $9.999999710e-10  }
0x137: {  	v21 =	vmax.f32 v21, $9.999999710e-10;
	(erf) = vrcp.f32 v23  }
0x138: {  	(erf) = vrcp.f32 v21;
	_ =	sdelay $0x7  }
0x139: {  	p0 =	sgt.f32 s29, $-Inf;
	p1 =	sgt.f32 s29, s5;
	v27 =	vpop (erf)  }
0x13a: {  	v28 =	vpop (erf)  }
0x13b: {  	p0 =	por !p0, !p1;
	v21 =	vmul.f32 v27, v24;
	v19 =	vmul.f32 v28, v19  }
0x13c: {  	vm12 =	vlt.f32 v43, $-Inf;
	vm13 =	vgt.f32 v43, $-Inf;
	vm7 =	vmmov vm6;
	p4 =	por !p0, !p0  }
0x13d: {  	vm7 =	vmneg @p4 vm7;
	vm8 =	vge.f32 v21, $5.000000000e-01;
	vm15 =	vge.f32 v19, $5.000000000e-01  }
0x13e: {  	vm14 =	vmor vm13, vm12;
	vm8 =	vmand vm7, vm8;
	vm7 =	vmand vm7, vm15  }
0x13f: {  	v18 =	vsel vm8, $0xFF800000, v18;
	vm9 =	vmand vm14, vm7;
	v29 =	vsel vm7, $0xFF800000, v43  }
0x140: {  	v20 =	vnsel vm9, $0xFF800000, v43;
	vm7 =	vge.f32 v18, v29  }
0x141: {  	(xrf0) =	vmax.scan.msk.f32 $0xffff, v20;
	v30 =	vsel vm7, v18, v29  }
0x142: {  	(xrf0) =	vmax.scan.msk.f32 $0xffff, v30;
	_ =	sdelay $0x4  }
0x143: {  	v31, _, _ =	vpop (xrf0)  }
0x144: {  	v32, _, _ =	vpop (xrf0)  }
0x145: {  	v33 =	vbroadcast v32, $0xF;
	_ =	sdelay $0x1  }
0x146: {  	v34 =	vsel vm7, v6, v7;
	vm8 =	veq.f32 v30, v33  }
0x147: {  	v20 =	vnsel vm8, $0x4BE4E1C0, v34  }
0x148: {  	(xrf0) =	vmin.scan.msk.f32 $0xffff, v20;
	_ =	sdelay $0x5  }
0x149: {  	v20, _, _ =	vpop (xrf0)  }
0x14a: {  	v20 =	vbroadcast v20, $0xF;
	_ =	sdelay $0x1  }
0x14b: {  	vm15 =	veq.f32 v34, v20  }
0x14c: {  	v35 =	vsel vm7, v9, v15;
	vm8 =	vmand vm8, vm15  }
0x14d: {  	v36 =	vsel vm7, v10, v13;
	v20 =	vnsel vm8, $0xF149F2CA, v35  }
0x14e: {  	v37 =	vsel vm7, v11, v14;
	v38 =	vnsel vm8, $0xF149F2CA, v36;
	(xrf0) =	vmax.scan.msk.f32 $0xffff, v20  }
0x14f: {  	v39 =	vsel vm7, v8, v12;
	v40 =	vnsel vm8, $0xF149F2CA, v37;
	(xrf0) =	vmax.scan.msk.f32 $0xffff, v38  }
0x150: {  	v41 =	vnsel vm8, $0xF149F2CA, v39;
	(xrf0) =	vmax.scan.msk.f32 $0xffff, v40  }
0x151: {  	(xrf0) =	vmax.scan.msk.f32 $0xffff, v41;
	_ =	sdelay $0x1  }
0x152: {  	(v2sf) =	vpush v31, $0xF  }
0x153: {  	(v2sf) =	vpush v32, $0xF;
	v42, _, _ =	vpop (xrf0)  }
0x154: {  	(v2sf) =	vpush v42, $0xF;
	v43, _, _ =	vpop (xrf0)  }
0x155: {  	(v2sf) =	vpush v43, $0xF;
	v44, _, _ =	vpop (xrf0)  }
0x156: {  	(v2sf) =	vpush v44, $0xF;
	v45, _, _ =	vpop (xrf0)  }
0x157: {  	(v2sf) =	vpush v45, $0xF;
	_ =	sdelay $0x9  }
0x158: {  	s16 =	spop (v2sf)  }
0x159: {  	s26 =	spop (v2sf)  }
0x15a: {  	v20 =	vbroadcast v42, $0xF;
	s21 =	spop (v2sf)  }
0x15b: {  	v21 =	vbroadcast v43, $0xF;
	v22 =	vbroadcast v44, $0xF;
	s8 =	spop (v2sf)  }
0x15c: {  	v46 =	vmax.f32 v20, v9;
	v20 =	vmax.f32 v20, v15;
	v23 =	vbroadcast v45, $0xF;
	s2 =	spop (v2sf)  }
0x15d: {  	v48 =	vmax.f32 v21, v10;
	v21 =	vmax.f32 v21, v13;
	v47 =	vmin.f32 v22, v11;
	s9 =	spop (v2sf);
	s22 =	ssub.f32 s2, s21  }
0x15e: {  	v22 =	vmin.f32 v22, v14;
	v24 =	vsub.f32 v47, v46;
	v49 =	vmin.f32 v23, v8;
	s7 =	ssub.f32 s9, s8  }
0x15f: {  	v23 =	vmin.f32 v23, v12;
	v20 =	vsub.f32 v22, v20;
	v25 =	vsub.f32 v49, v48  }
0x160: {  	v21 =	vsub.f32 v23, v21;
	s6 =	smul.f32 s7, s22  }
0x161: {  	v24 =	vmax.f32 v24, $0.0e+00;
	v20 =	vmax.f32 v20, $0.0e+00;
	v25 =	vmax.f32 v25, $0.0e+00  }
0x162: {  	v21 =	vmax.f32 v21, $0.0e+00;
	v50 =	vmul.f32 v25, v24;
	v51 =	vadd.f32 s6, v16  }
0x163: {  	v20 =	vmul.f32 v21, v20;
	v52 =	vadd.f32 s6, v17  }
0x164: {  	v23 =	vsub.f32 v51, v50  }
0x165: {  	v21 =	vsub.f32 v52, v20  }
0x166: {  	v23 =	vmax.f32 v23, $9.999999710e-10  }
0x167: {  	v21 =	vmax.f32 v21, $9.999999710e-10;
	(erf) = vrcp.f32 v23  }
0x168: {  	(erf) = vrcp.f32 v21;
	_ =	sdelay $0x6  }
0x169: {  	s5 =	smax.f32 s5, s16  }
0x16a: {  	p1 =	sgt.f32 s26, $-Inf;
	p2 =	sgt.f32 s26, s5;
	v53 =	vpop (erf)  }
0x16b: {  	v54 =	vpop (erf)  }
0x16c: {  	p0 =	por !p1, !p2;
	v21 =	vmul.f32 v53, v50;
	v20 =	vmul.f32 v54, v20  }
0x16d: {  	vm13 =	vlt.f32 v29, $-Inf;
	vm14 =	vgt.f32 v29, $-Inf;
	vm7 =	vmmov vm6;
	p0 =	por !p0, !p0  }
0x16e: {  	vm7 =	vmneg @p0 vm7;
	vm8 =	vge.f32 v21, $5.000000000e-01;
	vm12 =	vge.f32 v20, $5.000000000e-01  }
0x16f: {  	vm15 =	vmor vm14, vm13;
	vm8 =	vmand vm7, vm8;
	vm7 =	vmand vm7, vm12  }
0x170: {  	v18 =	vsel vm8, $0xFF800000, v18;
	vm9 =	vmand vm15, vm7;
	v55 =	vsel vm7, $0xFF800000, v29  }
0x171: {  	v19 =	vnsel vm9, $0xFF800000, v29;
	vm7 =	vge.f32 v18, v55  }
0x172: {  	(xrf0) =	vmax.scan.msk.f32 $0xffff, v19;
	v56 =	vsel vm7, v18, v55  }
0x173: {  	(xrf0) =	vmax.scan.msk.f32 $0xffff, v56;
	_ =	sdelay $0x4  }
0x174: {  	v57, _, _ =	vpop (xrf0)  }
0x175: {  	v58, _, _ =	vpop (xrf0)  }
0x176: {  	v59 =	vbroadcast v58, $0xF;
	_ =	sdelay $0x1  }
0x177: {  	v60 =	vsel vm7, v6, v7;
	vm8 =	veq.f32 v56, v59  }
0x178: {  	v19 =	vnsel vm8, $0x4BE4E1C0, v60  }
0x179: {  	(xrf0) =	vmin.scan.msk.f32 $0xffff, v19;
	_ =	sdelay $0x5  }
0x17a: {  	v19, _, _ =	vpop (xrf0)  }
0x17b: {  	v19 =	vbroadcast v19, $0xF;
	_ =	sdelay $0x1  }
0x17c: {  	vm12 =	veq.f32 v60, v19  }
0x17d: {  	v61 =	vsel vm7, v9, v15;
	vm8 =	vmand vm8, vm12  }
0x17e: {  	v62 =	vsel vm7, v10, v13;
	v19 =	vnsel vm8, $0xF149F2CA, v61  }
0x17f: {  	v63 =	vsel vm7, v11, v14;
	v28 =	vnsel vm8, $0xF149F2CA, v62;
	(xrf0) =	vmax.scan.msk.f32 $0xffff, v19  }
0x180: {  	v29 =	vsel vm7, v8, v12;
	v30 =	vnsel vm8, $0xF149F2CA, v63;
	(xrf0) =	vmax.scan.msk.f32 $0xffff, v28  }
0x181: {  	v31 =	vnsel vm8, $0xF149F2CA, v29;
	(xrf0) =	vmax.scan.msk.f32 $0xffff, v30  }
0x182: {  	(xrf0) =	vmax.scan.msk.f32 $0xffff, v31;
	_ =	sdelay $0x1  }
0x183: {  	(v2sf) =	vpush v57, $0xF  }
0x184: {  	(v2sf) =	vpush v58, $0xF;
	v32, _, _ =	vpop (xrf0)  }
0x185: {  	(v2sf) =	vpush v32, $0xF;
	v33, _, _ =	vpop (xrf0)  }
0x186: {  	(v2sf) =	vpush v33, $0xF;
	v34, _, _ =	vpop (xrf0)  }
0x187: {  	(v2sf) =	vpush v34, $0xF;
	v35, _, _ =	vpop (xrf0)  }
0x188: {  	(v2sf) =	vpush v35, $0xF;
	_ =	sdelay $0x9  }
0x189: {  	s24 =	spop (v2sf)  }
0x18a: {  	s25 =	spop (v2sf)  }
0x18b: {  	v19 =	vbroadcast v32, $0xF;
	s3 =	spop (v2sf)  }
0x18c: {  	[dreg:$0x1a] =	wrdreg s12;
	v21 =	vbroadcast v33, $0xF;
	v22 =	vbroadcast v34, $0xF;
	s12 =	spop (v2sf)  }
0x18d: {  	v36 =	vmax.f32 v19, v9;
	v19 =	vmax.f32 v19, v15;
	v23 =	vbroadcast v35, $0xF;
	s6 =	spop (v2sf)  }
0x18e: {  	v38 =	vmax.f32 v21, v10;
	v21 =	vmax.f32 v21, v13;
	v37 =	vmin.f32 v22, v11;
	s14 =	spop (v2sf);
	s10 =	ssub.f32 s6, s3  }
0x18f: {  	v22 =	vmin.f32 v22, v14;
	v24 =	vsub.f32 v37, v36;
	v39 =	vmin.f32 v23, v8;
	s7 =	ssub.f32 s14, s12  }
0x190: {  	v23 =	vmin.f32 v23, v12;
	v19 =	vsub.f32 v22, v19;
	v25 =	vsub.f32 v39, v38  }
0x191: {  	v21 =	vsub.f32 v23, v21;
	s10 =	smul.f32 s7, s10  }
0x192: {  	v24 =	vmax.f32 v24, $0.0e+00;
	v19 =	vmax.f32 v19, $0.0e+00;
	v25 =	vmax.f32 v25, $0.0e+00  }
0x193: {  	v21 =	vmax.f32 v21, $0.0e+00;
	v40 =	vmul.f32 v25, v24;
	v41 =	vadd.f32 s10, v16  }
0x194: {  	v19 =	vmul.f32 v21, v19;
	v42 =	vadd.f32 s10, v17  }
0x195: {  	v23 =	vsub.f32 v41, v40  }
0x196: {  	v21 =	vsub.f32 v42, v19  }
0x197: {  	v23 =	vmax.f32 v23, $9.999999710e-10  }
0x198: {  	v21 =	vmax.f32 v21, $9.999999710e-10;
	(erf) = vrcp.f32 v23  }
0x199: {  	(erf) = vrcp.f32 v21;
	_ =	sdelay $0x6  }
0x19a: {  	s22 =	smax.f32 s5, s24  }
0x19b: {  	p5 =	sgt.f32 s25, $-Inf;
	p6 =	sgt.f32 s25, s22;
	v43 =	vpop (erf)  }
0x19c: {  	s0 =	simm.s32 @!p0 $0x0;
	v44 =	vpop (erf)  }
0x19d: {  	s0 =	simm.s32 @p0 $0x1;
	p0 =	por !p5, !p6;
	v21 =	vmul.f32 v43, v40;
	v19 =	vmul.f32 v44, v19  }
0x19e: {  	vm14 =	vlt.f32 v55, $-Inf;
	vm15 =	vgt.f32 v55, $-Inf;
	vm7 =	vmmov vm6;
	p6 =	por !p0, !p0  }
0x19f: {  	vm7 =	vmneg @p6 vm7;
	vm8 =	vge.f32 v21, $5.000000000e-01;
	vm13 =	vge.f32 v19, $5.000000000e-01  }
0x1a0: {  	vm12 =	vmor vm15, vm14;
	vm8 =	vmand vm7, vm8;
	vm7 =	vmand vm7, vm13  }
0x1a1: {  	v18 =	vsel vm8, $0xFF800000, v18;
	vm9 =	vmand vm12, vm7;
	v45 =	vsel vm7, $0xFF800000, v55  }
0x1a2: {  	v20 =	vnsel vm9, $0xFF800000, v55;
	vm7 =	vge.f32 v18, v45  }
0x1a3: {  	(xrf0) =	vmax.scan.msk.f32 $0xffff, v20;
	v46 =	vsel vm7, v18, v45  }
0x1a4: {  	(xrf0) =	vmax.scan.msk.f32 $0xffff, v46;
	_ =	sdelay $0x4  }
0x1a5: {  	v47, _, _ =	vpop (xrf0)  }
0x1a6: {  	v48, _, _ =	vpop (xrf0)  }
0x1a7: {  	v49 =	vbroadcast v48, $0xF;
	_ =	sdelay $0x1  }
0x1a8: {  	v50 =	vsel vm7, v6, v7;
	vm8 =	veq.f32 v46, v49  }
0x1a9: {  	v20 =	vnsel vm8, $0x4BE4E1C0, v50  }
0x1aa: {  	(xrf0) =	vmin.scan.msk.f32 $0xffff, v20;
	_ =	sdelay $0x5  }
0x1ab: {  	v20, _, _ =	vpop (xrf0)  }
0x1ac: {  	v20 =	vbroadcast v20, $0xF;
	_ =	sdelay $0x1  }
0x1ad: {  	vm13 =	veq.f32 v50, v20  }
0x1ae: {  	v51 =	vsel vm7, v9, v15;
	vm8 =	vmand vm8, vm13  }
0x1af: {  	v52 =	vsel vm7, v10, v13;
	v20 =	vnsel vm8, $0xF149F2CA, v51  }
0x1b0: {  	v53 =	vsel vm7, v11, v14;
	v54 =	vnsel vm8, $0xF149F2CA, v52;
	(xrf0) =	vmax.scan.msk.f32 $0xffff, v20  }
0x1b1: {  	v55 =	vsel vm7, v8, v12;
	v56 =	vnsel vm8, $0xF149F2CA, v53;
	(xrf0) =	vmax.scan.msk.f32 $0xffff, v54  }
0x1b2: {  	v57 =	vnsel vm8, $0xF149F2CA, v55;
	(xrf0) =	vmax.scan.msk.f32 $0xffff, v56  }
0x1b3: {  	(xrf0) =	vmax.scan.msk.f32 $0xffff, v57;
	_ =	sdelay $0x1  }
0x1b4: {  	(v2sf) =	vpush v47, $0xF  }
0x1b5: {  	(v2sf) =	vpush v48, $0xF;
	v58, _, _ =	vpop (xrf0)  }
0x1b6: {  	(v2sf) =	vpush v58, $0xF;
	v59, _, _ =	vpop (xrf0)  }
0x1b7: {  	(v2sf) =	vpush v59, $0xF;
	v60, _, _ =	vpop (xrf0)  }
0x1b8: {  	(v2sf) =	vpush v60, $0xF;
	v61, _, _ =	vpop (xrf0)  }
0x1b9: {  	(v2sf) =	vpush v61, $0xF;
	_ =	sdelay $0x9  }
0x1ba: {  	s11 =	spop (v2sf)  }
0x1bb: {  	s24 =	spop (v2sf)  }
0x1bc: {  	[smem:$0x7F8] =	sst s0;
	s0 =	smov.u32 s3;
	v20 =	vbroadcast v58, $0xF;
	s3 =	spop (v2sf)  }
0x1bd: {  	[smem:$0x7EF] =	sst s6;
	v21 =	vbroadcast v59, $0xF;
	v22 =	vbroadcast v60, $0xF;
	s6 =	spop (v2sf)  }
0x1be: {  	[dreg:$0x18] =	wrdreg s21;
	v62 =	vmax.f32 v20, v9;
	v20 =	vmax.f32 v20, v15;
	v23 =	vbroadcast v61, $0xF;
	s7 =	spop (v2sf)  }
0x1bf: {  	v28 =	vmax.f32 v21, v10;
	v21 =	vmax.f32 v21, v13;
	v63 =	vmin.f32 v22, v11;
	s21 =	spop (v2sf);
	s10 =	ssub.f32 s7, s3  }
0x1c0: {  	v22 =	vmin.f32 v22, v14;
	v24 =	vsub.f32 v63, v62;
	v29 =	vmin.f32 v23, v8;
	s16 =	ssub.f32 s21, s6  }
0x1c1: {  	v23 =	vmin.f32 v23, v12;
	v20 =	vsub.f32 v22, v20;
	v25 =	vsub.f32 v29, v28  }
0x1c2: {  	v21 =	vsub.f32 v23, v21;
	s15 =	smul.f32 s16, s10  }
0x1c3: {  	v24 =	vmax.f32 v24, $0.0e+00;
	v20 =	vmax.f32 v20, $0.0e+00;
	v25 =	vmax.f32 v25, $0.0e+00  }
0x1c4: {  	v21 =	vmax.f32 v21, $0.0e+00;
	v30 =	vmul.f32 v25, v24;
	v16 =	vadd.f32 s15, v16  }
0x1c5: {  	v20 =	vmul.f32 v21, v20;
	v17 =	vadd.f32 s15, v17  }
0x1c6: {  	v16 =	vsub.f32 v16, v30  }
0x1c7: {  	v17 =	vsub.f32 v17, v20  }
0x1c8: {  	v16 =	vmax.f32 v16, $9.999999710e-10  }
0x1c9: {  	v31 =	vmax.f32 v17, $9.999999710e-10;
	(erf) = vrcp.f32 v16  }
0x1ca: {  	(erf) = vrcp.f32 v31;
	_ =	sdelay $0x6  }
0x1cb: {  	s1 =	smax.f32 s22, s11  }
0x1cc: {  	p1 =	sgt.f32 s24, $-Inf;
	p2 =	sgt.f32 s24, s1;
	v32 =	vpop (erf)  }
0x1cd: {  	v33 =	vpop (erf)  }
0x1ce: {  	p0 =	por !p1, !p2;
	v16 =	vmul.f32 v32, v30;
	v17 =	vmul.f32 v33, v20  }
0x1cf: {  	vm15 =	vlt.f32 v45, $-Inf;
	vm12 =	vgt.f32 v45, $-Inf;
	vm7 =	vmmov vm6;
	p5 =	por !p0, !p0  }
0x1d0: {  	vm7 =	vmneg @p5 vm7;
	vm8 =	vge.f32 v16, $5.000000000e-01;
	vm14 =	vge.f32 v17, $5.000000000e-01  }
0x1d1: {  	vm13 =	vmor vm12, vm15;
	vm8 =	vmand vm7, vm8;
	vm7 =	vmand vm7, vm14  }
0x1d2: {  	v34 =	vsel vm8, $0xFF800000, v18;
	vm9 =	vmand vm13, vm7;
	v35 =	vsel vm7, $0xFF800000, v45  }
0x1d3: {  	v36 =	vnsel vm9, $0xFF800000, v45;
	vm7 =	vge.f32 v34, v35  }
0x1d4: {  	(xrf0) =	vmax.scan.msk.f32 $0xffff, v36;
	v16 =	vsel vm7, v34, v35  }
0x1d5: {  	(xrf0) =	vmax.scan.msk.f32 $0xffff, v16;
	_ =	sdelay $0x4  }
0x1d6: {  	v37, _, _ =	vpop (xrf0)  }
0x1d7: {  	v38, _, _ =	vpop (xrf0)  }
0x1d8: {  	v39 =	vbroadcast v38, $0xF;
	_ =	sdelay $0x1  }
0x1d9: {  	v6 =	vsel vm7, v6, v7;
	vm8 =	veq.f32 v16, v39  }
0x1da: {  	v7 =	vnsel vm8, $0x4BE4E1C0, v6  }
0x1db: {  	(xrf0) =	vmin.scan.msk.f32 $0xffff, v7;
	_ =	sdelay $0x2  }
0x1dc: {  	(v2sf) =	vpush v37, $0xF  }
0x1dd: {  	[smem:$0x7F2] =	sst s30;
	(v2sf) =	vpush v38, $0xF  }
0x1de: {  	[smem:$0x7F3] =	sst s19  }
0x1df: {  	[smem:$0x7F4] =	sst s20;
	v7, _, _ =	vpop (xrf0)  }
0x1e0: {  	[smem:$0x7F6] =	sst s13;
	v7 =	vbroadcast v7, $0xF  }
0x1e1: {  	s4 =	smov.u32 s29;
	[smem:$0x7F7] =	sst s28  }
0x1e2: {  	s4 =	simm.s32 @!p4 $0x0;
	s29 =	smov.u32 s20;
	[smem:$0x7F9] =	sst s3;
	vm14 =	veq.f32 v6, v7  }
0x1e3: {  	s29 =	simm.s32 @!p4 $0x0;
	s20 =	smov.u32 s23;
	[smem:$0x7F0] =	sst s6;
	v6 =	vsel vm7, v9, v15;
	vm8 =	vmand vm8, vm14  }
0x1e4: {  	s5 =	smov.u32 s9;
	[dreg:$0x1f] =	wrdreg s7;
	s3 =	simm.s32 @!p3 $0x0;
	v7 =	vsel vm7, v10, v13;
	v6 =	vnsel vm8, $0xF149F2CA, v6  }
0x1e5: {  	s25 =	simm.s32 @!p6 $0x0;
	s3 =	simm.s32 @p3 $0x1;
	s6 =	rddreg [dreg:$0x18];
	v40 =	vsel vm7, v11, v14;
	(xrf0) =	vmax.scan.msk.f32 $0xffff, v6;
	v6 =	vnsel vm8, $0xF149F2CA, v7  }
0x1e6: {  	s24 =	simm.s32 @!p5 $0x0;
	s7 =	smov.u32 s8;
	[smem:$0x7F1] =	sst s3;
	v7 =	vsel vm7, v8, v12;
	(xrf0) =	vmax.scan.msk.f32 $0xffff, v6;
	v6 =	vnsel vm8, $0xF149F2CA, v40  }
0x1e7: {  	s3 =	smov.u32 s0;
	s16 =	smov.u32 s30;
	s30 =	smov.u32 s23;
	(xrf0) =	vmax.scan.msk.f32 $0xffff, v6;
	v6 =	vnsel vm8, $0xF149F2CA, v7  }
0x1e8: {  	s23 =	smov.u32 s28;
	s28 =	smov.u32 s2;
	s3 =	simm.s32 @!p6 $0x0;
	(xrf0) =	vmax.scan.msk.f32 $0xffff, v6  }
0x1e9: {  	s10 =	sld [smem:$0x7EF];
	s16 =	simm.s32 @!p3 $0x0;
	s15 =	smov.u32 s31  }
0x1ea: {  	s30 =	simm.s32 @!p4 $0x0;
	s23 =	simm.s32 @!p4 $0x0;
	s15 =	simm.s32 @!p3 $0x0  }
0x1eb: {  	v48 =	vmov s23;
	s23 =	smov.u32 s0;
	v41 =	vmov s15;
	s15 =	smov.u32 s14;
	s11 =	spop (v2sf);
	v6, _, _ =	vpop (xrf0)  }
0x1ec: {  	s15 =	simm.s32 @!p6 $0x0;
	s1 =	smax.f32 s1, s11;
	s22 =	spop (v2sf);
	v7, _, _ =	vpop (xrf0);
	(v2sf) =	vpush v6, $0xF  }
0x1ed: {  	v10 =	vmov s24;
	s24 =	smov.u32 s21;
	s11 =	smov.u32 s18;
	p0 =	sgt.f32 s22, s1;
	v6, _, _ =	vpop (xrf0);
	(v2sf) =	vpush v7, $0xF  }
0x1ee: {  	s1 =	smov.u32 s18;
	s18 =	smov.u32 s17;
	s17 =	smov.u32 s19;
	(v2sf) =	vpush v6, $0xF;
	v6, _, _ =	vpop (xrf0)  }
0x1ef: {  	s19 =	smov.u32 s13;
	s13 =	sld [smem:$0x7F8];
	p2 =	sgt.f32 s22, $-Inf;
	(v2sf) =	vpush v6, $0xF  }
0x1f0: {  	s18 =	simm.s32 @!p3 $0x0;
	s1 =	simm.s32 @!p3 $0x0;
	s19 =	simm.s32 @!p4 $0x0  }
0x1f1: {  	s17 =	simm.s32 @!p3 $0x0;
	v44 =	vmov s18;
	v47 =	vmov s19;
	s19 =	smov.u32 s11;
	s18 =	sld [smem:$0x7F9]  }
0x1f2: {  	s11 =	sld [smem:$0x7F0];
	p0 =	por !p2, !p0;
	p1 =	seq.s32 s13, $0x1  }
0x1f3: {  	s13 =	smov.u32 s8;
	s8 =	smov.u32 s2;
	s2 =	smov.u32 s12  }
0x1f4: {  	p3 =	por !p0, !p0;
	s26 =	simm.s32 @!p1 $0x0;
	s6 =	simm.s32 @!p1 $0x0  }
0x1f5: {  	vm10 =	vmmov vm6;
	s7 =	simm.s32 @!p1 $0x0;
	s8 =	simm.s32 @!p1 $0x0;
	s9 =	simm.s32 @!p1 $0x0  }
0x1f6: {  	v49 =	vmov s4;
	v42 =	vmov s16;
	s2 =	simm.s32 @!p6 $0x0;
	s16 =	smov.u32 s18;
	v29 =	vmov s7;
	s7 =	smov.u32 s21  }
0x1f7: {  	v27 =	vadd.f32 $0.0e+00, v49;
	v46 =	vmov s30;
	v43 =	vmov s17;
	s17 =	smov.u32 s11;
	s16 =	simm.s32 @!p5 $0x0;
	s7 =	simm.s32 @!p5 $0x0  }
0x1f8: {  	v24 =	vadd.f32 $0.0e+00, v46;
	v26 =	vadd.f32 $0.0e+00, v48;
	s17 =	simm.s32 @!p5 $0x0;
	v11 =	vmov s7;
	s7 =	smov.u32 s13;
	s13 =	sld [smem:$0x7F1]  }
0x1f9: {  	v19 =	vadd.f32 $0.0e+00, v41;
	v13 =	vmov s17;
	s17 =	smov.u32 s10;
	v6 =	vmov s1;
	s1 =	smov.u32 s10;
	s10 =	sld [smem:$0x7FC]  }
0x1fa: {  	v24 =	vbroadcast v24, $0x0;
	v30 =	vmov s8;
	s8 =	smov.u32 s5;
	s5 =	smov.u32 s14;
	v15 =	vmov s16;
	s16 =	rddreg [dreg:$0x17]  }
0x1fb: {  	v59 =	vbroadcast v26, $0x0;
	v20 =	vadd.f32 $0.0e+00, v42;
	v32 =	vmov s26;
	p1 =	seq.s32 s13, $0x1;
	s1 =	simm.s32 @!p6 $0x0;
	s26 =	spop (v2sf)  }
0x1fc: {  	v52 =	vmov s15;
	v19 =	vbroadcast v19, $0x0;
	v33 =	vmov s3;
	p2 =	seq.s32 s10, $0x1;
	s14 =	spop (v2sf);
	s0 =	smov.u32 s26  }
0x1fd: {  	v20 =	vbroadcast v20, $0x0;
	v50 =	vmov s2;
	v51 =	vmov s1;
	s0 =	simm.s32 @!p3 $0x0;
	s2 =	spop (v2sf);
	s1 =	smov.u32 s14  }
0x1fe: {  	v45 =	vmov s29;
	v14 =	vmov s25;
	s1 =	simm.s32 @!p3 $0x0;
	s25 =	spop (v2sf);
	v9 =	vmov s0;
	s0 =	smov.u32 s2  }
0x1ff: {  	v23 =	vadd.f32 $0.0e+00, v45;
	v14 =	vadd.f32 $0.0e+00, v14;
	p0 =	por !p2, !p1;
	v7 =	vmov s1;
	s1 =	smov.u32 s25;
	s0 =	simm.s32 @!p3 $0x0  }
0x200: {  	vm7 =	vmmov $0x1;
	vm8 =	vmmov vm6;
	p0 =	por !p0, !p0;
	s1 =	simm.s32 @!p3 $0x0;
	v8 =	vmov s0;
	s0 =	simm.s32 $0x1  }
0x201: {  	v34 =	vadd.f32 $0.0e+00, v6;
	vm8 =	vmneg @p0 vm8;
	v6 =	vmov s1;
	s0 =	simm.s32 @!p1 $0x0;
	p1 =	por p4, p4;
	s1 =	simm.s32 @!p4 $0x0  }
0x202: {  	vm9 =	vmmov vm6;
	v16 =	vadd.f32 $0.0e+00, v52;
	vm8 =	vmand vm8, vm7;
	s0 =	sadd.s32 s0, s16;
	s1 =	simm.s32 @p4 $0x1;
	p4 =	por !p2, !p4  }
0x203: {  	v23 =	vbroadcast v23, $0x0;
	v14 =	vbroadcast v14, $0x0;
	s21 =	sld [smem:$0x7F8];
	v35 =	vmov s16;
	p0 =	por !p4, !p4;
	p4 =	slt.s32 s0, $0x12C  }
0x204: {  	v16 =	vbroadcast v16, $0x0;
	v10 =	vadd.f32 $0.0e+00, v10;
	v36 =	vadd.s32 $0x130, v35;
	p0 =	por !p4, !p0  }
0x205: {  	v21 =	vadd.f32 $0.0e+00, v43;
	v22 =	vadd.f32 $0.0e+00, v44;
	v53 =	vadd.s32 $0x260, v35;
	[smem:$0x7F5] =	sst s1;
	s1 =	simm.s32 $0x1;
	p0 =	por !p0, !p0  }
0x206: {  	v38 =	vadd.s32 $0x390, v35;
	v34 =	vbroadcast v34, $0x0;
	s1 =	simm.s32 @!p1 $0x0;
	vm9 =	vmneg @p0 vm9;
	p0 =	seq.s32 s21, $0x1  }
0x207: {  	s29 =	simm.s32 $0x4480;
	v54 =	vadd.s32 $0x4C0, v35;
	v55 =	vmov s0;
	s0 =	sadd.s32 s1, s0;
	vm9 =	vmand vm9, vm7;
	p1 =	por !p2, !p0  }
0x208: {  	v25 =	vadd.f32 $0.0e+00, v47;
	v44 =	vadd.f32 $0.0e+00, v33;
	v28 =	vmov s6;
	[tilespmem:v35+s29+$0x0] =	vst.idx.msk vm8, v34;
	p4 =	slt.s32 s0, $0x12C;
	p1 =	por !p1, !p1  }
0x209: {  	v31 =	vmov s9;
	v21 =	vbroadcast v21, $0x0;
	[tilespmem:v36+s29+$0x0] =	vst.idx.msk vm8, v19;
	v56 =	vadd.s32 $0x130, v55;
	p1 =	por !p4, !p1  }
0x20a: {  	v22 =	vbroadcast v22, $0x0;
	v28 =	vadd.f32 $0.0e+00, v28;
	[tilespmem:v53+s29+$0x0] =	vst.idx.msk vm8, v20;
	v57 =	vadd.s32 $0x260, v55;
	s1 =	simm.s32 $0x1;
	p1 =	por !p1, !p1  }
0x20b: {  	v62 =	vadd.f32 $0.0e+00, v29;
	[tilespmem:v38+s29+$0x0] =	vst.idx.msk vm8, v21;
	v58 =	vadd.s32 $0x390, v55;
	s1 =	simm.s32 @!p0 $0x0;
	vm10 =	vmneg @p1 vm10  }
0x20c: {  	[tilespmem:v54+s29+$0x0] =	vst.idx.msk vm8, v22;
	v60 =	vadd.s32 $0x4C0, v55;
	v61 =	vmov s0;
	s0 =	sadd.s32 s1, s0;
	p4 =	por !p2, !p6;
	vm8 =	vmand vm10, vm7  }
0x20d: {  	v25 =	vbroadcast v25, $0x0;
	v63 =	vadd.f32 $0.0e+00, v30;
	v41 =	vadd.f32 $0.0e+00, v31;
	p0 =	por !p4, !p4;
	p1 =	slt.s32 s0, $0x12C;
	[tilespmem:v55+s29+$0x0] =	vst.idx.msk vm9, v23  }
0x20e: {  	s4 =	rddreg [dreg:$0x1f];
	s30 =	smov.u32 s20;
	v18 =	vadd.f32 $0.0e+00, v50;
	v37 =	vbroadcast v28, $0x0;
	v38 =	vadd.s32 $0x130, v61;
	p0 =	por !p1, !p0;
	[tilespmem:v56+s29+$0x0] =	vst.idx.msk vm9, v24  }
0x20f: {  	s20 =	sld [smem:$0x7F1];
	v36 =	vbroadcast v27, $0x0;
	v39 =	vadd.s32 $0x260, v61;
	s1 =	simm.s32 $0x1;
	vm10 =	vmmov vm6;
	p0 =	por !p0, !p0;
	[tilespmem:v57+s29+$0x0] =	vst.idx.msk vm9, v25  }
0x210: {  	s23 =	simm.s32 @!p6 $0x4EEE6B28;
	s15 =	smov.u32 s31;
	v22 =	vbroadcast v62, $0x0;
	v40 =	vadd.s32 $0x390, v61;
	s1 =	simm.s32 @!p6 $0x0;
	vm10 =	vmneg @p0 vm10;
	[tilespmem:v58+s29+$0x0] =	vst.idx.msk vm9, v59  }
0x211: {  	s31 =	sld [smem:$0x7F2];
	v46 =	vadd.s32 $0x4C0, v61;
	v42 =	vmov s0;
	p4 =	por !p2, !p5;
	s0 =	sadd.s32 s1, s0;
	vm15 =	vmand vm10, vm7;
	[tilespmem:v60+s29+$0x0] =	vst.idx.msk vm9, v36  }
0x212: {  	s3 =	rddreg [dreg:$0x18];
	v47 =	vbroadcast v44, $0x0;
	v43 =	vadd.f32 $0.0e+00, v32;
	v29 =	vbroadcast v63, $0x0;
	p1 =	slt.s32 s0, $0x12C;
	p0 =	por !p4, !p4;
	[tilespmem:v61+s29+$0x0] =	vst.idx.msk vm8, v37  }
0x213: {  	s24 =	simm.s32 @!p5 $0xCEEE6B28;
	s12 =	simm.s32 @!p6 $0x4EEE6B28;
	v45 =	vbroadcast v41, $0x0;
	v18 =	vbroadcast v18, $0x0;
	v48 =	vadd.s32 $0x130, v42;
	p0 =	por !p1, !p0;
	[tilespmem:v38+s29+$0x0] =	vst.idx.msk vm8, v22  }
0x214: {  	s22 =	simm.s32 @!p3 $0x0;
	v20 =	vbroadcast v43, $0x0;
	v50 =	vadd.s32 $0x260, v42;
	s1 =	simm.s32 $0x1;
	vm10 =	vmmov vm6;
	p0 =	por !p0, !p0;
	[tilespmem:v39+s29+$0x0] =	vst.idx.msk vm8, v29  }
0x215: {  	s6 =	smov.u32 s4;
	s9 =	smov.u32 s28;
	v17 =	vadd.f32 $0.0e+00, v51;
	v51 =	vadd.s32 $0x390, v42;
	s1 =	simm.s32 @!p5 $0x0;
	vm10 =	vmneg @p0 vm10;
	[tilespmem:v40+s29+$0x0] =	vst.idx.msk vm8, v45  }
0x216: {  	s6 =	simm.s32 @!p5 $0x0;
	v52 =	vadd.s32 $0x4C0, v42;
	v49 =	vmov s0;
	s0 =	sadd.s32 s1, s0;
	p1 =	por !p2, !p3;
	[tilespmem:v46+s29+$0x0] =	vst.idx.msk vm8, v20;
	vm8 =	vmand vm10, vm7  }
0x217: {  	s28 =	sld [smem:$0x7F7];
	v12 =	vmov s6;
	v15 =	vadd.f32 $0.0e+00, v15;
	v17 =	vbroadcast v17, $0x0;
	p2 =	slt.s32 s0, $0x12C;
	p0 =	por !p1, !p1;
	[tilespmem:v42+s29+$0x0] =	vst.idx.msk vm15, v47  }
0x218: {  	s11 =	simm.s32 @!p5 $0x4EEE6B28;
	s5 =	simm.s32 @!p6 $0xCEEE6B28;
	v13 =	vadd.f32 $0.0e+00, v13;
	v12 =	vadd.f32 $0.0e+00, v12;
	v54 =	vadd.s32 $0x130, v49;
	p0 =	por !p2, !p0;
	[tilespmem:v48+s29+$0x0] =	vst.idx.msk vm15, v18  }
0x219: {  	v11 =	vadd.f32 $0.0e+00, v11;
	s17 =	simm.s32 @!p6 $0xCEEE6B28;
	s13 =	rddreg [dreg:$0x1a];
	v55 =	vadd.s32 $0x260, v49;
	p0 =	por !p0, !p0;
	vm10 =	vmmov vm6;
	[tilespmem:v50+s29+$0x0] =	vst.idx.msk vm15, v17  }
0x21a: {  	v15 =	vbroadcast v15, $0x0;
	s10 =	smov.u32 s18;
	s18 =	sld [smem:$0x7F3];
	s1 =	simm.s32 $0x1;
	v56 =	vadd.s32 $0x390, v49;
	vm10 =	vmneg @p0 vm10;
	[tilespmem:v51+s29+$0x0] =	vst.idx.msk vm15, v16  }
0x21b: {  	v13 =	vbroadcast v13, $0x0;
	s10 =	simm.s32 @!p5 $0x4EEE6B28;
	s16 =	rddreg [dreg:$0x1b];
	s1 =	simm.s32 @!p3 $0x0;
	v57 =	vadd.s32 $0x4C0, v49;
	vm7 =	vmand vm10, vm7;
	[tilespmem:v52+s29+$0x0] =	vst.idx.msk vm15, v14  }
0x21c: {  	v10 =	vbroadcast v10, $0x0;
	v12 =	vbroadcast v12, $0x0;
	s26 =	simm.s32 @!p3 $0x4EEE6B28;
	s21 =	sld [smem:$0x7F5];
	v53 =	vmov s0;
	s1 =	sadd.s32 s1, s0;
	[tilespmem:v49+s29+$0x0] =	vst.idx.msk vm8, v15  }
0x21d: {  	v11 =	vbroadcast v11, $0x0;
	v9 =	vadd.f32 $0.0e+00, v9;
	s0 =	smax.f32 s13, s16;
	s13 =	sld [smem:$0x7F6];
	v59 =	vadd.s32 $0x130, v53;
	p1 =	seq.s32 s20, $0x1;
	[tilespmem:v54+s29+$0x0] =	vst.idx.msk vm8, v13  }
0x21e: {  	v7 =	vadd.f32 $0.0e+00, v7;
	v58 =	vmov s22;
	s22 =	sld [smem:$0x7F8];
	v60 =	vadd.s32 $0x260, v53;
	s19 =	simm.s32 @!p1 $0x4EEE6B28;
	s15 =	simm.s32 @!p1 $0x4EEE6B28;
	[tilespmem:v55+s29+$0x0] =	vst.idx.msk vm8, v12  }
0x21f: {  	v9 =	vbroadcast v9, $0x0;
	v8 =	vadd.f32 $0.0e+00, v8;
	s20 =	sld [smem:$0x7F4];
	s31 =	simm.s32 @!p1 $0xCEEE6B28;
	v61 =	vadd.s32 $0x390, v53;
	p0 =	sgt.s32 s1, $0x12B;
	[tilespmem:v56+s29+$0x0] =	vst.idx.msk vm8, v11  }
0x220: {  	v7 =	vbroadcast v7, $0x0;
	v6 =	vadd.f32 $0.0e+00, v6;
	v62 =	vadd.s32 $0x4C0, v53;
	s18 =	simm.s32 @!p1 $0xCEEE6B28;
	p1 =	seq.s32 s21, $0x1;
	p4 =	sgt.f32 @!p0 s0, $-Inf;
	[tilespmem:v57+s29+$0x0] =	vst.idx.msk vm8, v10  }
0x221: {  	v8 =	vbroadcast v8, $0x0;
	v63 =	vadd.f32 $0.0e+00, v58;
	s30 =	simm.s32 @!p1 $0x4EEE6B28;
	s13 =	simm.s32 @!p1 $0xCEEE6B28;
	s28 =	simm.s32 @!p1 $0xCEEE6B28;
	[tilespmem:v53+s29+$0x0] =	vst.idx.msk vm7, v9  }
0x222: {  	v6 =	vbroadcast v6, $0x0;
	s20 =	simm.s32 @!p1 $0x4EEE6B28;
	p1 =	seq.s32 s22, $0x1;
	p0 =	por p0, !p4;
	[tilespmem:v59+s29+$0x0] =	vst.idx.msk vm7, v7  }
.Ltmp6:
0x223: {  	s14 =	simm.s32 @!p3 $0x4EEE6B28;
	s3 =	simm.s32 @!p1 $0x4EEE6B28;
	v7 =	vbroadcast v63, $0x0;
	[tilespmem:v60+s29+$0x0] =	vst.idx.msk vm7, v8;
	(pc) =	sbr.rel @p0 .LBB2_17-.Ltmp6, $4  }
0x224: {  	s2 =	simm.s32 @!p3 $0xCEEE6B28;
	s25 =	simm.s32 @!p3 $0xCEEE6B28;
	[dreg:$0x18] =	wrdreg s3;
	[tilespmem:v61+s29+$0x0] =	vst.idx.msk vm7, v6  }
0x225: {  	s7 =	simm.s32 @!p1 $0x4EEE6B28;
	s9 =	simm.s32 @!p1 $0xCEEE6B28;
	[tilespmem:v62+s29+$0x0] =	vst.idx.msk vm7, v7;
	s29 =	rddreg [dreg:$0x16]  }
0x226: {  	[dreg:$0x19] =	wrdreg s7;
	s0 =	smov.u32 s4;
	s3 =	sadd.s32 $0x1, s29  }
0x227: {  	s8 =	simm.s32 @!p1 $0xCEEE6B28;
	s0 =	simm.s32 @!p5 $0xCEEE6B28;
	[dreg:$0x16] =	wrdreg s3  }
.LBB2_8:
0x228: {  	[dreg:$0x17] =	wrdreg s1  }
0x229: {  	s21 =	ssub.f32 s31, s19  }
0x22a: {  	s22 =	ssub.f32 s18, s15  }
0x22b: {  	s3 =	smov.u32 s24;
	s24 =	ssub.f32 s13, s20  }
0x22c: {  	s1 =	ssub.f32 s28, s30  }
0x22d: {  	s6 =	rddreg [dreg:$0x18]  }
0x22e: {  	s16 =	rddreg [dreg:$0x19]  }
0x22f: {  	[smem:$0x7F9] =	sst s10  }
0x230: {  	[dreg:$0x1f] =	wrdreg s0  }
0x231: {  	v6 =	vmov s19;
	s19 =	ssub.f32 s25, s14  }
0x232: {  	v8 =	vmov s31;
	s31 =	sld [smem:$0x7FA]  }
0x233: {  	[dreg:$0x1c] =	wrdreg s2  }
0x234: {  	s29 =	ssub.f32 s9, s6  }
0x235: {  	s4 =	ssub.f32 s8, s16  }
0x236: {  	s7 =	smov.u32 s15;
	s16 =	ssub.f32 s17, s23;
	s21 =	smul.f32 s22, s21  }
0x237: {  	s22 =	ssub.f32 s0, s10;
	s10 =	smov.u32 s28;
	s28 =	smov.u32 s13  }
0x238: {  	s13 =	smov.u32 s30;
	s30 =	smul.f32 s1, s24;
	p0 =	seq.s32 s31, $0x1  }
.Ltmp7:
0x239: {  	s6 =	smov.u32 s17;
	s17 =	ssub.f32 s5, s12;
	(pc) =	sbr.rel @p0 .LBB2_9-.Ltmp7, $4  }
0x23a: {  	s0 =	smov.u32 s3;
	s3 =	ssub.f32 s3, s11;
	s24 =	smul.f32 s4, s29  }
0x23b: {  	s4 =	ssub.f32 s2, s26;
	s29 =	smul.f32 s17, s16;
	v12 =	vmov s13;
	s13 =	smov.u32 s14  }
0x23c: {  	v9 =	vmov s18;
	v11 =	vmov s20;
	v7 =	vmov s7;
	s22 =	smul.f32 s3, s22;
	[dreg:$0x1d] =	wrdreg s13  }
0x23d: {  	v13 =	vmov s28;
	v14 =	vmov s10;
	s14 =	smov.u32 s25;
	v10 =	vmov s21;
	[dreg:$0x1e] =	wrdreg s30;
	s7 =	smul.f32 s19, s4  }
0x23e: {  	v16 =	vmov s30  }
0x23f: {  	s3 =	rddreg [dreg:$0x18];
	v19 =	vmov s9;
	v20 =	vmov s8;
	v21 =	vmov s24  }
0x240: {  	s30 =	rddreg [dreg:$0x19];
	s17 =	smov.u32 s9;
	s16 =	smov.u32 s8;
	v22 =	vmov s23;
	v23 =	vmov s12;
	v24 =	vmov s6  }
0x241: {  	s10 =	smov.u32 s23;
	s18 =	smov.u32 s12;
	v25 =	vmov s5;
	v26 =	vmov s29;
	s31 =	sld [smem:$0x7F9];
	v28 =	vmov s11  }
0x242: {  	s25 =	smov.u32 s6;
	s21 =	smov.u32 s5;
	s5 =	rddreg [dreg:$0x1f];
	v30 =	vmov s0;
	v31 =	vmov s22;
	v32 =	vmov s26  }
0x243: {  	v33 =	vmov s13;
	v34 =	vmov s2;
	s13 =	simm.s32 $0x0;
	s2 =	smov.u32 s14;
	v35 =	vmov s14;
	s14 =	simm.s32 $0x2D20  }
0x244: {  	v40 =	vimm.f32 $-Inf;
	s19 =	simm.s32 $0x3220;
	s20 =	simm.s32 $0x1E20;
	v39 =	vimm.f32 $0.0e+00;
	s23 =	simm.s32 $0x2320;
	v37 =	vimm.f32 $0.0e+00  }
0x245: {  	s28 =	simm.s32 $0x2820;
	v15 =	vimm.f32 $-Inf;
	s9 =	simm.s32 $0x2800;
	s15 =	simm.s32 $0x3700;
	v17 =	vmov s3;
	v18 =	vmov s30  }
0x246: {  	s8 =	rddreg [dreg:$0x14];
	s4 =	smov.u32 s0;
	v29 =	vmov s5;
	v36 =	vmov s7;
	s3 =	simm.s32 $0x0;
	v27 =	vmov s31  }
.LBB2_13:
0x247: {  	v38 =	vld [tilespmem:s20+$0xFFFFFFE0]  }
0x248: {  	v41 =	vld [tilespmem:s23+$0xFFFFFFE0]  }
0x249: {  	v42 =	vld [tilespmem:s28+$0xFFFFFFE0]  }
0x24a: {  	v43 =	vld [tilespmem:s14+$0xFFFFFFE0];
	_ =	sdelay $0x3  }
0x24b: {  	v44 =	vsub.f32 v42, v38  }
0x24c: {  	v45 =	vsub.f32 v43, v41;
	v46 =	vmax.f32 v6, v38;
	v47 =	vmin.f32 v8, v42  }
0x24d: {  	v48 =	vmax.f32 v7, v41;
	v49 =	vmin.f32 v9, v43;
	v56 =	vmax.f32 v11, v38  }
0x24e: {  	v57 =	vmax.f32 v12, v41;
	v50 =	vmin.f32 v13, v42;
	v51 =	vmin.f32 v14, v43  }
0x24f: {  	v61 =	vmax.f32 v17, v38;
	v62 =	vmax.f32 v18, v41;
	v63 =	vmin.f32 v19, v42  }
0x250: {  	v52 =	vmin.f32 v20, v43;
	v46 =	vsub.f32 v47, v46;
	v54 =	vsub.f32 v49, v48  }
0x251: {  	v53 =	vmin.f32 v25, v43;
	v58 =	vsub.f32 v50, v56;
	v59 =	vsub.f32 v51, v57  }
0x252: {  	v49 =	vsub.f32 v63, v61;
	v50 =	vsub.f32 v52, v62;
	v57 =	vmax.f32 v22, v38  }
0x253: {  	v61 =	vmax.f32 v27, v38;
	v62 =	vmin.f32 v29, v42;
	v63 =	vmax.f32 v28, v41  }
0x254: {  	v38 =	vmax.f32 v32, v38;
	v44 =	vmul.f32 v45, v44;
	v52 =	vsub.f32 v62, v61  }
0x255: {  	v46 =	vmax.f32 v46, $0.0e+00;
	v45 =	vmax.f32 v54, $0.0e+00;
	v48 =	vmax.f32 v59, $0.0e+00  }
0x256: {  	v49 =	vmax.f32 v49, $0.0e+00;
	v50 =	vmax.f32 v50, $0.0e+00;
	v59 =	vmax.f32 v23, v41  }
0x257: {  	v54 =	vmin.f32 v30, v43;
	v55 =	vadd.f32 v44, v10;
	v45 =	vmul.f32 v45, v46  }
0x258: {  	v41 =	vmax.f32 v33, v41;
	v43 =	vmin.f32 v35, v43;
	v46 =	vmax.f32 v58, $0.0e+00  }
0x259: {  	v60 =	vadd.f32 v44, v16;
	v46 =	vmul.f32 v48, v46;
	v47 =	vsub.f32 v55, v45  }
0x25a: {  	v56 =	vadd.f32 v44, v21;
	v58 =	vmin.f32 v24, v42;
	v42 =	vmin.f32 v34, v42  }
0x25b: {  	v41 =	vsub.f32 v43, v41;
	v48 =	vsub.f32 v60, v46;
	v47 =	vmax.f32 v47, $9.999999710e-10  }
0x25c: {  	v61 =	vadd.f32 v44, v36;
	v60 =	vsub.f32 v53, v59;
	(erf) = vrcp.f32 v47  }
0x25d: {  	v47 =	vmax.f32 v48, $9.999999710e-10;
	v48 =	vmul.f32 v50, v49;
	v50 =	vsub.f32 v58, v57  }
0x25e: {  	v52 =	vmax.f32 v52, $0.0e+00;
	v38 =	vsub.f32 v42, v38;
	v53 =	vsub.f32 v54, v63  }
0x25f: {  	v41 =	vmax.f32 v41, $0.0e+00;
	v51 =	vmax.f32 v60, $0.0e+00;
	v50 =	vmax.f32 v50, $0.0e+00  }
0x260: {  	v53 =	vmax.f32 v53, $0.0e+00;
	v58 =	vadd.f32 v44, v26;
	v57 =	vmul.f32 v51, v50  }
0x261: {  	v60 =	vadd.f32 v44, v31;
	v59 =	vmul.f32 v53, v52;
	v49 =	vsub.f32 v56, v48  }
0x262: {  	v38 =	vmax.f32 v38, $0.0e+00;
	(erf) = vrcp.f32 v47;
	v43 =	vsub.f32 v58, v57  }
0x263: {  	v38 =	vmul.f32 v41, v38;
	v63 =	vsub.f32 v60, v59;
	v62 =	vmax.f32 v49, $9.999999710e-10  }
0x264: {  	(erf) = vrcp.f32 v62;
	v43 =	vmax.f32 v43, $9.999999710e-10  }
0x265: {  	v41 =	vsub.f32 v61, v38;
	v49 =	vmax.f32 v63, $9.999999710e-10;
	(erf) = vrcp.f32 v43  }
0x266: {  	(erf) = vrcp.f32 v49  }
0x267: {  	v41 =	vmax.f32 v41, $9.999999710e-10  }
0x268: {  	(erf) = vrcp.f32 v41;
	_ =	sdelay $0x1  }
0x269: {  	v51 =	vpop (erf)  }
0x26a: {  	v52 =	vpop (erf);
	v41 =	vmul.f32 v51, v45  }
0x26b: {  	v43 =	vmul.f32 v52, v46;
	v46 =	vld [tilespmem:s23+$0xFFFFFFF0]  }
0x26c: {  	vm7 =	vge.f32 v41, $5.000000000e-01;
	v41 =	vld [tilespmem:s28+$0xFFFFFFF0];
	v44 =	vpop (erf)  }
0x26d: {  	vm8 =	vge.f32 v43, $5.000000000e-01;
	v43 =	vld [tilespmem:s20+$0xFFFFFFF0];
	v44 =	vmul.f32 v44, v48;
	v54 =	vpop (erf)  }
0x26e: {  	v55 =	vmul.f32 v54, v57;
	v56 =	vpop (erf)  }
0x26f: {  	vm7 =	vmor vm7, vm8;
	vm8 =	vge.f32 v44, $5.000000000e-01;
	v42 =	vmul.f32 v56, v59  }
0x270: {  	s1 =	scvt.s32.f32 s13;
	v53 =	vld [tilespmem:s19+$0xFFFFFFE0];
	v62 =	vmax.f32 v7, v46;
	vm7 =	vmor vm8, vm7;
	v57 =	vpop (erf);
	vm8 =	vge.f32 v55, $5.000000000e-01  }
0x271: {  	v38 =	vmul.f32 v57, v38;
	vm7 =	vmor vm8, vm7;
	vm8 =	vge.f32 v42, $5.000000000e-01;
	v42 =	vld [tilespmem:s14+$0xFFFFFFF0]  }
0x272: {  	v44 =	vadd.f32 s1, v2;
	v61 =	vmin.f32 v8, v41;
	v60 =	vmax.f32 v6, v43  }
0x273: {  	v48 =	vsub.f32 v61, v60;
	vm7 =	vmor vm8, vm7;
	vm8 =	vge.f32 v38, $5.000000000e-01  }
0x274: {  	v58 =	vsub.f32 v41, v43;
	v61 =	vmax.f32 v12, v46;
	vm7 =	vmor vm8, vm7  }
0x275: {  	v57 =	vmax.f32 v11, v43;
	v55 =	vmax.f32 v48, $0.0e+00;
	v38 =	vsel vm7, $0xFF800000, v53  }
0x276: {  	vm7 =	vgt.f32 v38, v15;
	vm8 =	vgt.f32 v38, v40;
	v63 =	vmin.f32 v9, v42  }
0x277: {  	v59 =	vsub.f32 v42, v46;
	vm7 =	vmneg vm7;
	v54 =	vsub.f32 v63, v62  }
0x278: {  	vm8 =	vmand vm7, vm8;
	v62 =	vmin.f32 v14, v42;
	v63 =	vmax.f32 v17, v43  }
0x279: {  	v45 =	vmul.f32 v59, v58;
	v58 =	vmin.f32 v13, v41;
	v40 =	vsel vm8, v38, v40  }
0x27a: {  	v50 =	vsub.f32 v62, v61;
	v39 =	vsel vm8, v44, v39;
	v62 =	vmax.f32 v22, v43  }
0x27b: {  	v56 =	vmax.f32 v54, $0.0e+00;
	v59 =	vsub.f32 v58, v57;
	v57 =	vmax.f32 v18, v46  }
0x27c: {  	v58 =	vmin.f32 v19, v41;
	v39 =	vsel vm7, v39, v37;
	v37 =	vsel vm7, v37, v44  }
0x27d: {  	v47 =	vmul.f32 v56, v55;
	v60 =	vadd.f32 v45, v10;
	v50 =	vmax.f32 v50, $0.0e+00  }
0x27e: {  	v51 =	vsub.f32 v58, v63;
	v61 =	vadd.f32 v45, v21;
	v63 =	vmin.f32 v24, v41  }
0x27f: {  	v55 =	vmax.f32 v23, v46;
	v56 =	vmin.f32 v25, v42;
	v48 =	vmax.f32 v59, $0.0e+00  }
0x280: {  	v59 =	vmin.f32 v20, v42;
	v53 =	vsub.f32 v63, v62;
	v62 =	vmax.f32 v27, v43  }
0x281: {  	v63 =	vmin.f32 v29, v41;
	v43 =	vmax.f32 v32, v43;
	v41 =	vmin.f32 v34, v41  }
0x282: {  	v52 =	vsub.f32 v59, v57;
	v49 =	vsub.f32 v60, v47;
	v48 =	vmul.f32 v50, v48  }
0x283: {  	v60 =	vadd.f32 v45, v16;
	v51 =	vmax.f32 v51, $0.0e+00;
	v59 =	vsub.f32 v56, v55  }
0x284: {  	v41 =	vsub.f32 v41, v43;
	v52 =	vmax.f32 v52, $0.0e+00;
	v49 =	vmax.f32 v49, $9.999999710e-10  }
0x285: {  	v50 =	vsub.f32 v60, v48;
	v51 =	vmul.f32 v52, v51;
	(erf) = vrcp.f32 v49  }
0x286: {  	v57 =	vsub.f32 v63, v62;
	v62 =	vadd.f32 v45, v31;
	v41 =	vmax.f32 v41, $0.0e+00  }
0x287: {  	v58 =	vmax.f32 v50, $9.999999710e-10;
	v50 =	vmax.f32 v59, $0.0e+00;
	v60 =	vsub.f32 v61, v51  }
0x288: {  	v59 =	vmax.f32 v28, v46;
	v46 =	vmax.f32 v33, v46;
	(erf) = vrcp.f32 v58  }
0x289: {  	v61 =	vmax.f32 v53, $0.0e+00;
	v49 =	vmax.f32 v60, $9.999999710e-10;
	v60 =	vmin.f32 v30, v42  }
0x28a: {  	v58 =	vadd.f32 v45, v26;
	v42 =	vmin.f32 v35, v42;
	v54 =	vsub.f32 v60, v59  }
0x28b: {  	v43 =	vld [tilespmem:s20+$0x0];
	v50 =	vmul.f32 v50, v61;
	v42 =	vsub.f32 v42, v46;
	(erf) = vrcp.f32 v49  }
0x28c: {  	v52 =	vmax.f32 v57, $0.0e+00;
	v57 =	vadd.f32 v45, v36;
	v45 =	vld [tilespmem:s14+$0x0];
	v54 =	vmax.f32 v54, $0.0e+00  }
0x28d: {  	v61 =	vsub.f32 v58, v50;
	v42 =	vmax.f32 v42, $0.0e+00;
	v49 =	vmul.f32 v54, v52;
	v52 =	vld [tilespmem:s23+$0x0]  }
0x28e: {  	v40 =	vsel vm7, v40, v15;
	v15 =	vsel vm7, v15, v38;
	v54 =	vld [tilespmem:s28+$0x0];
	v41 =	vmul.f32 v42, v41;
	v63 =	vpop (erf)  }
0x28f: {  	v46 =	vmax.f32 v61, $9.999999710e-10;
	v47 =	vmul.f32 v63, v47;
	v53 =	vsub.f32 v62, v49  }
0x290: {  	v60 =	vmax.f32 v6, v43;
	(erf) = vrcp.f32 v46;
	v42 =	vsub.f32 v57, v41  }
0x291: {  	v63 =	vmin.f32 v9, v45;
	v58 =	vpop (erf);
	vm8 =	vge.f32 v47, $5.000000000e-01;
	v59 =	vmax.f32 v53, $9.999999710e-10  }
0x292: {  	v44 =	vmul.f32 v58, v48;
	v42 =	vmax.f32 v42, $9.999999710e-10;
	(erf) = vrcp.f32 v59  }
0x293: {  	v46 =	vsub.f32 v54, v43;
	v47 =	vsub.f32 v45, v52;
	v61 =	vmin.f32 v8, v54  }
0x294: {  	v62 =	vmax.f32 v7, v52;
	v48 =	vsub.f32 v61, v60;
	v58 =	vpop (erf);
	(erf) = vrcp.f32 v42  }
0x295: {  	v59 =	vsub.f32 v63, v62;
	vm9 =	vge.f32 v44, $5.000000000e-01;
	v60 =	vmax.f32 v11, v43  }
0x296: {  	v61 =	vmax.f32 v12, v52;
	v62 =	vmin.f32 v13, v54;
	v63 =	vmin.f32 v14, v45  }
0x297: {  	v42 =	vmul.f32 v47, v46;
	v44 =	vmul.f32 v58, v51;
	v55 =	vsub.f32 v62, v60  }
0x298: {  	v56 =	vsub.f32 v63, v61;
	vm8 =	vmor vm8, vm9;
	v63 =	vmax.f32 v17, v43  }
0x299: {  	v47 =	vmax.f32 v48, $0.0e+00;
	v46 =	vmax.f32 v59, $0.0e+00;
	v48 =	vadd.f32 v42, v10  }
0x29a: {  	v46 =	vmul.f32 v46, v47;
	vm14 =	vge.f32 v44, $5.000000000e-01;
	v47 =	vmax.f32 v55, $0.0e+00  }
0x29b: {  	v59 =	vmax.f32 v56, $0.0e+00;
	v61 =	vadd.f32 v42, v16;
	v56 =	vmin.f32 v19, v54  }
0x29c: {  	v57 =	vpop (erf);
	vm8 =	vmor vm14, vm8;
	v47 =	vmul.f32 v59, v47;
	v59 =	vmin.f32 v20, v45  }
0x29d: {  	v58 =	vmul.f32 v57, v50;
	v48 =	vsub.f32 v48, v46;
	v57 =	vsub.f32 v56, v63  }
0x29e: {  	v63 =	vmin.f32 v25, v45;
	v50 =	vsub.f32 v61, v47;
	v61 =	vmax.f32 v23, v52  }
0x29f: {  	vm15 =	vge.f32 v58, $5.000000000e-01;
	v48 =	vmax.f32 v48, $9.999999710e-10;
	v58 =	vmax.f32 v18, v52  }
0x2a0: {  	v53 =	vsub.f32 v63, v61;
	v61 =	vadd.f32 v42, v26;
	v60 =	vpop (erf);
	(erf) = vrcp.f32 v48  }
0x2a1: {  	v48 =	vmax.f32 v57, $0.0e+00;
	vm8 =	vmor vm15, vm8;
	v44 =	vmul.f32 v60, v49  }
0x2a2: {  	v62 =	vpop (erf);
	v49 =	vmax.f32 v50, $9.999999710e-10;
	v50 =	vsub.f32 v59, v58;
	v60 =	vmax.f32 v22, v43  }
0x2a3: {  	v58 =	vadd.f32 v42, v21;
	v41 =	vmul.f32 v62, v41;
	v62 =	vmin.f32 v24, v54  }
0x2a4: {  	(erf) = vrcp.f32 v49;
	v50 =	vmax.f32 v50, $0.0e+00;
	v51 =	vsub.f32 v62, v60  }
0x2a5: {  	v60 =	vmax.f32 v53, $0.0e+00;
	vm12 =	vge.f32 v44, $5.000000000e-01;
	v62 =	vmin.f32 v29, v54  }
0x2a6: {  	v53 =	vld [tilespmem:s20+$0x10];
	v54 =	vmin.f32 v34, v54;
	v48 =	vmul.f32 v50, v48;
	vm13 =	vge.f32 v41, $5.000000000e-01  }
0x2a7: {  	v50 =	vmax.f32 v27, v43;
	v43 =	vmax.f32 v32, v43;
	v59 =	vmax.f32 v51, $0.0e+00  }
0x2a8: {  	v50 =	vsub.f32 v62, v50;
	v43 =	vsub.f32 v54, v43;
	v44 =	vmul.f32 v60, v59  }
0x2a9: {  	v41 =	vsub.f32 v58, v48;
	v60 =	vmax.f32 v28, v52;
	v52 =	vmax.f32 v33, v52  }
0x2aa: {  	v56 =	vld [tilespmem:s28+$0x10];
	v43 =	vmax.f32 v43, $0.0e+00;
	v49 =	vsub.f32 v61, v44;
	v61 =	vmin.f32 v30, v45  }
0x2ab: {  	v41 =	vmax.f32 v41, $9.999999710e-10;
	v45 =	vmin.f32 v35, v45;
	v59 =	vmax.f32 v6, v53  }
0x2ac: {  	v57 =	vld [tilespmem:s14+$0x10];
	v62 =	vsub.f32 v61, v60;
	(erf) = vrcp.f32 v41;
	v61 =	vadd.f32 v42, v31  }
0x2ad: {  	v63 =	vpop (erf);
	v60 =	vmax.f32 v50, $0.0e+00;
	v50 =	vld [tilespmem:s23+$0x10];
	v45 =	vsub.f32 v45, v52;
	v42 =	vadd.f32 v42, v36  }
0x2ae: {  	v46 =	vmul.f32 v63, v46;
	v63 =	vmax.f32 v49, $9.999999710e-10;
	v51 =	vmax.f32 v62, $0.0e+00  }
0x2af: {  	(erf) = vrcp.f32 v63;
	v45 =	vmax.f32 v45, $0.0e+00;
	v63 =	vsub.f32 v56, v53  }
0x2b0: {  	v58 =	vpop (erf);
	v49 =	vmul.f32 v51, v60;
	vm10 =	vge.f32 v46, $5.000000000e-01;
	v60 =	vmin.f32 v8, v56  }
0x2b1: {  	v46 =	vmul.f32 v58, v47;
	v43 =	vmul.f32 v45, v43;
	v51 =	vsub.f32 v60, v59  }
0x2b2: {  	vm8 =	vmor vm12, vm8;
	v62 =	vsub.f32 v61, v49;
	v58 =	vsub.f32 v57, v50  }
0x2b3: {  	v42 =	vsub.f32 v42, v43;
	v61 =	vmax.f32 v7, v50;
	vm11 =	vge.f32 v46, $5.000000000e-01  }
0x2b4: {  	v60 =	vmax.f32 v12, v50;
	v51 =	vmax.f32 v51, $0.0e+00;
	vm7 =	vmor vm10, vm11  }
0x2b5: {  	v41 =	vmax.f32 v62, $9.999999710e-10;
	v45 =	vmul.f32 v58, v63;
	v62 =	vmin.f32 v9, v57  }
0x2b6: {  	v63 =	vmax.f32 v11, v53;
	v47 =	vsub.f32 v62, v61;
	v61 =	vmin.f32 v13, v56  }
0x2b7: {  	v42 =	vmax.f32 v42, $9.999999710e-10;
	v62 =	vmin.f32 v14, v57;
	v52 =	vsub.f32 v61, v63  }
0x2b8: {  	(erf) = vrcp.f32 v41;
	v54 =	vsub.f32 v62, v60;
	v63 =	vadd.f32 v45, v10  }
0x2b9: {  	(erf) = vrcp.f32 v42;
	v60 =	vmax.f32 v17, v53;
	v47 =	vmax.f32 v47, $0.0e+00  }
0x2ba: {  	v61 =	vmin.f32 v19, v56;
	v62 =	vmax.f32 v18, v50;
	v41 =	vmul.f32 v47, v51  }
0x2bb: {  	v58 =	vmax.f32 v52, $0.0e+00;
	v59 =	vmax.f32 v54, $0.0e+00;
	v52 =	vsub.f32 v61, v60  }
0x2bc: {  	v51 =	vadd.f32 v45, v16;
	v47 =	vmul.f32 v59, v58;
	v58 =	vmax.f32 v23, v50  }
0x2bd: {  	v42 =	vsub.f32 v63, v41;
	v63 =	vmin.f32 v20, v57;
	v61 =	vmax.f32 v52, $0.0e+00  }
0x2be: {  	v59 =	vpop (erf);
	v51 =	vsub.f32 v51, v47;
	v55 =	vsub.f32 v63, v62;
	v63 =	vmax.f32 v22, v53  }
0x2bf: {  	v42 =	vmax.f32 v42, $9.999999710e-10;
	v46 =	vmul.f32 v59, v48;
	v59 =	vmin.f32 v24, v56  }
0x2c0: {  	(erf) = vrcp.f32 v42;
	v60 =	vmax.f32 v51, $9.999999710e-10;
	v62 =	vmax.f32 v55, $0.0e+00  }
0x2c1: {  	v48 =	vsub.f32 v59, v63;
	v63 =	vmin.f32 v29, v56;
	(erf) = vrcp.f32 v60  }
0x2c2: {  	v42 =	vmul.f32 v62, v61;
	v60 =	vmin.f32 v25, v57;
	v61 =	vmax.f32 v27, v53  }
0x2c3: {  	v62 =	vmax.f32 v28, v50;
	v53 =	vmax.f32 v32, v53;
	v50 =	vmax.f32 v33, v50  }
0x2c4: {  	vm14 =	vge.f32 v46, $5.000000000e-01;
	v51 =	vsub.f32 v60, v58;
	v60 =	vmin.f32 v30, v57  }
0x2c5: {  	v52 =	vsub.f32 v63, v61;
	v61 =	vmin.f32 v34, v56;
	v63 =	vadd.f32 v45, v21  }
0x2c6: {  	v48 =	vmax.f32 v48, $0.0e+00;
	v58 =	vadd.f32 v45, v31;
	v54 =	vsub.f32 v60, v62  }
0x2c7: {  	v62 =	vmin.f32 v35, v57;
	v53 =	vsub.f32 v61, v53;
	v57 =	vadd.f32 v45, v26  }
0x2c8: {  	v50 =	vsub.f32 v62, v50;
	v51 =	vmax.f32 v51, $0.0e+00;
	v52 =	vmax.f32 v52, $0.0e+00  }
0x2c9: {  	v54 =	vmax.f32 v54, $0.0e+00;
	v48 =	vmul.f32 v51, v48;
	v53 =	vmax.f32 v53, $0.0e+00  }
0x2ca: {  	v51 =	vsub.f32 v63, v42;
	v52 =	vmul.f32 v54, v52;
	v50 =	vmax.f32 v50, $0.0e+00  }
0x2cb: {  	v45 =	vadd.f32 v45, v36;
	v50 =	vmul.f32 v50, v53;
	v54 =	vsub.f32 v57, v48  }
0x2cc: {  	vm7 =	vmor vm14, vm7;
	v51 =	vmax.f32 v51, $9.999999710e-10;
	v53 =	vsub.f32 v58, v52  }
0x2cd: {  	v59 =	vld [tilespmem:s19+$0xFFFFFFF0];
	v60 =	vpop (erf);
	(erf) = vrcp.f32 v51;
	v54 =	vmax.f32 v54, $9.999999710e-10;
	v45 =	vsub.f32 v45, v50  }
0x2ce: {  	v44 =	vmul.f32 v60, v44;
	v61 =	vpop (erf);
	(erf) = vrcp.f32 v54;
	v53 =	vmax.f32 v53, $9.999999710e-10  }
0x2cf: {  	v49 =	vmul.f32 v61, v49;
	v62 =	vpop (erf);
	(erf) = vrcp.f32 v53;
	v45 =	vmax.f32 v45, $9.999999710e-10  }
0x2d0: {  	s6 =	sadd.s32 $0x10, s13;
	v43 =	vmul.f32 v62, v43;
	vm15 =	vge.f32 v44, $5.000000000e-01;
	(erf) = vrcp.f32 v45  }
0x2d1: {  	s1 =	scvt.s32.f32 s6;
	vm8 =	vmor vm13, vm8;
	v63 =	vpop (erf);
	vm12 =	vge.f32 v49, $5.000000000e-01;
	vm9 =	vmor vm15, vm7  }
0x2d2: {  	v49 =	vld [tilespmem:s19+$0x0];
	vm13 =	vge.f32 v43, $5.000000000e-01;
	v51 =	vpop (erf);
	v41 =	vmul.f32 v63, v41;
	v45 =	vsel vm8, $0xFF800000, v59  }
0x2d3: {  	v54 =	vadd.f32 s1, v2;
	v43 =	vmul.f32 v51, v47;
	vm8 =	vgt.f32 v45, v15  }
0x2d4: {  	vm15 =	vge.f32 v41, $5.000000000e-01;
	vm14 =	vgt.f32 v45, v40;
	vm7 =	vmneg vm8  }
0x2d5: {  	vm8 =	vmor vm12, vm9;
	vm12 =	vge.f32 v43, $5.000000000e-01;
	vm9 =	vmand vm7, vm14  }
0x2d6: {  	vm8 =	vmor vm13, vm8;
	v40 =	vsel vm9, v45, v40;
	v39 =	vsel vm9, v54, v39;
	v53 =	vpop (erf)  }
0x2d7: {  	v56 =	vsel vm8, $0xFF800000, v49;
	vm8 =	vmor vm15, vm12;
	v42 =	vmul.f32 v53, v42;
	v55 =	vpop (erf)  }
0x2d8: {  	v40 =	vsel vm7, v40, v15;
	v15 =	vsel vm7, v15, v45;
	v57 =	vpop (erf);
	v43 =	vmul.f32 v55, v48  }
0x2d9: {  	v58 =	vld [tilespmem:s19+$0x10];
	vm14 =	vgt.f32 v56, v15;
	vm13 =	vge.f32 v42, $5.000000000e-01;
	v46 =	vmul.f32 v57, v52;
	v59 =	vpop (erf)  }
0x2da: {  	s12 =	sadd.s32 $0x20, s13;
	vm8 =	vmor vm13, vm8;
	v47 =	vmul.f32 v59, v50;
	vm15 =	vge.f32 v43, $5.000000000e-01  }
0x2db: {  	s1 =	scvt.s32.f32 s12;
	vm9 =	vmneg vm14;
	vm8 =	vmor vm15, vm8;
	vm12 =	vge.f32 v46, $5.000000000e-01  }
0x2dc: {  	vm13 =	vgt.f32 v56, v40;
	vm8 =	vmor vm12, vm8;
	vm14 =	vge.f32 v47, $5.000000000e-01  }
0x2dd: {  	v60 =	vadd.f32 s1, v2;
	vm15 =	vmand vm9, vm13;
	vm8 =	vmor vm14, vm8  }
0x2de: {  	s30 =	sadd.s32 $0x30, s13;
	s3 =	sadd.s32 $0x4, s3;
	v61 =	vsel vm9, v15, v56;
	v40 =	vsel vm15, v56, v40;
	v42 =	vsel vm8, $0xFF800000, v58  }
0x2df: {  	p0 =	slt.s32 s3, s8;
	s1 =	scvt.s32.f32 s30;
	v62 =	vsel vm7, v39, v37;
	v15 =	vsel vm9, v40, v15;
	vm8 =	vgt.f32 v42, v61  }
.Ltmp8:
0x2e0: {  	v37 =	vsel vm7, v37, v54;
	vm7 =	vmneg vm8;
	vm8 =	vgt.f32 v42, v15;
	(pc) =	sbr.rel @p0 .LBB2_13-.Ltmp8, $4  }
0x2e1: {  	[tilespmem:s19+$0xFFFFFFE0] =	vst v38;
	v63 =	vadd.f32 s1, v2;
	v38 =	vsel vm15, v60, v62;
	vm8 =	vmand vm7, vm8  }
0x2e2: {  	[tilespmem:s19+$0xFFFFFFF0] =	vst v45;
	v38 =	vsel vm9, v38, v37;
	v15 =	vsel vm8, v42, v15  }
0x2e3: {  	s13 =	sadd.s32 $0x40, s13;
	s28 =	sadd.s32 $0x40, s28;
	s14 =	sadd.s32 $0x40, s14;
	[tilespmem:s19+$0x0] =	vst v56;
	v37 =	vsel vm9, v37, v60;
	v40 =	vsel vm7, v15, v61;
	v15 =	vsel vm8, v63, v38  }
0x2e4: {  	s20 =	sadd.s32 $0x40, s20;
	s23 =	sadd.s32 $0x40, s23;
	[tilespmem:s19+$0x10] =	vst v42;
	s19 =	sadd.s32 $0x40, s19;
	v39 =	vsel vm7, v15, v37;
	v15 =	vsel vm7, v61, v42;
	v37 =	vsel vm7, v37, v63  }
.Ltmp9:
0x2e5: {  	_ = 	snop;
	(pc) =	sbr.rel .LBB2_10-.Ltmp9, $1  }
0x2e6: {  	_ =	sdelay $0x3  }
.LBB2_9:
0x2e7: {  	s2 =	smov.u32 s14  }
0x2e8: {  	s25 =	smov.u32 s6;
	s21 =	smov.u32 s5;
	s10 =	smov.u32 s23  }
0x2e9: {  	s18 =	smov.u32 s12;
	s16 =	smov.u32 s8;
	s8 =	rddreg [dreg:$0x14]  }
0x2ea: {  	s17 =	smov.u32 s9;
	v37 =	vimm.f32 $0.0e+00;
	s9 =	simm.s32 $0x2800;
	s31 =	sld [smem:$0x7F9]  }
0x2eb: {  	v15 =	vimm.f32 $-Inf;
	v40 =	vimm.f32 $-Inf;
	v39 =	vimm.f32 $0.0e+00;
	s15 =	simm.s32 $0x3700;
	s5 =	rddreg [dreg:$0x1f];
	s4 =	smov.u32 s0  }
.LBB2_10:
0x2ec: {  	s0 =	sld [smem:$0x7FB];
	_ =	sdelay $0x2  }
0x2ed: {  	p0 =	seq.s32 s0, $0x1  }
.Ltmp10:
0x2ee: {  	_ = 	snop;
	(pc) =	sbr.rel @p0 .LBB2_11-.Ltmp10, $1  }
0x2ef: {  	_ =	sdelay $0x3  }
0x2f0: {  	v19 =	vmov s17;
	v20 =	vmov s16;
	v21 =	vmov s24  }
0x2f1: {  	s0 =	rddreg [dreg:$0x1e];
	v22 =	vmov s10;
	v23 =	vmov s18;
	v24 =	vmov s25  }
0x2f2: {  	s1 =	rddreg [dreg:$0x18];
	v25 =	vmov s21;
	v26 =	vmov s29;
	v27 =	vmov s31  }
0x2f3: {  	s28 =	rddreg [dreg:$0x19];
	v28 =	vmov s11;
	v29 =	vmov s5;
	v30 =	vmov s4  }
0x2f4: {  	v31 =	vmov s22;
	v32 =	vmov s26;
	s30 =	rddreg [dreg:$0x1d];
	s3 =	simm.s32 $0x1E00;
	s4 =	simm.s32 $0x2300;
	v35 =	vmov s2  }
0x2f5: {  	s31 =	rddreg [dreg:$0x1c];
	v36 =	vmov s7;
	s2 =	simm.s32 $0x2800;
	s5 =	simm.s32 $0x2D00;
	v16 =	vmov s0;
	v17 =	vmov s1  }
0x2f6: {  	s6 =	simm.s32 $0x3200;
	s7 =	rddreg [dreg:$0x15];
	s11 =	simm.s32 $0x2D00;
	v18 =	vmov s28;
	v33 =	vmov s30;
	v34 =	vmov s31  }
.LBB2_15:
0x2f7: {  	v38 =	vld.idx.msk [tilespmem:v5+s3+$0x0 ss:$0x1], $0xffff  }
0x2f8: {  	v41 =	vld.idx.msk [tilespmem:v5+s4+$0x0 ss:$0x1], $0xffff  }
0x2f9: {  	v42 =	vld.idx.msk [tilespmem:v5+s2+$0x0 ss:$0x1], $0xffff  }
0x2fa: {  	v43 =	vld.idx.msk [tilespmem:v5+s5+$0x0 ss:$0x1], $0xffff;
	_ =	sdelay $0x3  }
0x2fb: {  	v44 =	vsub.f32 v42, v38  }
0x2fc: {  	v45 =	vsub.f32 v43, v41;
	v46 =	vmax.f32 v6, v38;
	v47 =	vmax.f32 v7, v41  }
0x2fd: {  	v48 =	vmin.f32 v8, v42;
	v49 =	vmin.f32 v9, v43;
	v56 =	vmax.f32 v11, v38  }
0x2fe: {  	v57 =	vmin.f32 v13, v42;
	v58 =	vmax.f32 v12, v41;
	v59 =	vmin.f32 v14, v43  }
0x2ff: {  	v60 =	vmax.f32 v17, v38;
	v50 =	vmax.f32 v18, v41;
	v51 =	vmin.f32 v19, v42  }
0x300: {  	v52 =	vmin.f32 v20, v43;
	v46 =	vsub.f32 v48, v46;
	v47 =	vsub.f32 v49, v47  }
0x301: {  	v63 =	vmax.f32 v22, v38;
	v48 =	vsub.f32 v59, v58;
	v49 =	vsub.f32 v51, v60  }
0x302: {  	v50 =	vsub.f32 v52, v50;
	v58 =	vmin.f32 v25, v43;
	v59 =	vmax.f32 v27, v38  }
0x303: {  	v60 =	vmax.f32 v28, v41;
	v38 =	vmax.f32 v32, v38;
	v44 =	vmul.f32 v45, v44  }
0x304: {  	v53 =	vmax.f32 v46, $0.0e+00;
	v54 =	vmax.f32 v47, $0.0e+00;
	v47 =	vsub.f32 v57, v56  }
0x305: {  	v48 =	vmax.f32 v48, $0.0e+00;
	v61 =	vmax.f32 v49, $0.0e+00;
	v62 =	vmax.f32 v50, $0.0e+00  }
0x306: {  	v56 =	vmax.f32 v23, v41;
	v57 =	vmin.f32 v24, v42;
	v41 =	vmax.f32 v33, v41  }
0x307: {  	v45 =	vmul.f32 v54, v53;
	v55 =	vadd.f32 v44, v10;
	v49 =	vsub.f32 v57, v63  }
0x308: {  	v50 =	vsub.f32 v58, v56;
	v53 =	vmin.f32 v29, v42;
	v63 =	vadd.f32 v44, v16  }
0x309: {  	v42 =	vmin.f32 v34, v42;
	v56 =	vmin.f32 v35, v43;
	v46 =	vsub.f32 v55, v45  }
0x30a: {  	v54 =	vmin.f32 v30, v43;
	v38 =	vsub.f32 v42, v38;
	v41 =	vsub.f32 v56, v41  }
0x30b: {  	v47 =	vmax.f32 v47, $0.0e+00;
	v58 =	vmax.f32 v49, $0.0e+00;
	v46 =	vmax.f32 v46, $9.999999710e-10  }
0x30c: {  	v38 =	vmax.f32 v38, $0.0e+00;
	v41 =	vmax.f32 v41, $0.0e+00;
	(erf) = vrcp.f32 v46  }
0x30d: {  	v46 =	vmul.f32 v48, v47;
	v47 =	vmul.f32 v62, v61;
	v61 =	vsub.f32 v53, v59  }
0x30e: {  	v38 =	vmul.f32 v41, v38;
	v62 =	vsub.f32 v54, v60;
	v59 =	vmax.f32 v50, $0.0e+00  }
0x30f: {  	v43 =	vmul.f32 v59, v58;
	v48 =	vmax.f32 v61, $0.0e+00;
	v61 =	vadd.f32 v44, v21  }
0x310: {  	v57 =	vsub.f32 v63, v46;
	v60 =	vmax.f32 v62, $0.0e+00;
	v62 =	vadd.f32 v44, v26  }
0x311: {  	v63 =	vadd.f32 v44, v31;
	v48 =	vmul.f32 v60, v48;
	v49 =	vsub.f32 v61, v47  }
0x312: {  	v44 =	vadd.f32 v44, v36;
	v42 =	vmax.f32 v57, $9.999999710e-10;
	v50 =	vsub.f32 v62, v43  }
0x313: {  	(erf) = vrcp.f32 v42;
	v41 =	vsub.f32 v63, v48;
	v49 =	vmax.f32 v49, $9.999999710e-10  }
0x314: {  	v44 =	vsub.f32 v44, v38;
	v50 =	vmax.f32 v50, $9.999999710e-10;
	(erf) = vrcp.f32 v49  }
0x315: {  	v41 =	vmax.f32 v41, $9.999999710e-10;
	(erf) = vrcp.f32 v50  }
0x316: {  	v51 =	vmax.f32 v44, $9.999999710e-10;
	(erf) = vrcp.f32 v41  }
0x317: {  	(erf) = vrcp.f32 v51;
	_ =	sdelay $0x3  }
0x318: {  	v52 =	vpop (erf)  }
0x319: {  	v53 =	vpop (erf)  }
0x31a: {  	v41 =	vmul.f32 v52, v45;
	v42 =	vmul.f32 v53, v46;
	v54 =	vpop (erf)  }
0x31b: {  	v55 =	vpop (erf);
	v44 =	vmul.f32 v54, v47  }
0x31c: {  	vm7 =	vge.f32 v41, $5.000000000e-01;
	vm8 =	vge.f32 v42, $5.000000000e-01;
	v56 =	vpop (erf);
	v57 =	vmul.f32 v55, v43  }
0x31d: {  	v58 =	vld.idx.msk [tilespmem:v5+s6+$0x0 ss:$0x1], $0xffff;
	vm7 =	vmor vm7, vm8;
	vm8 =	vge.f32 v44, $5.000000000e-01;
	v59 =	vmul.f32 v56, v48;
	v60 =	vpop (erf)  }
0x31e: {  	vm7 =	vmor vm8, vm7;
	vm8 =	vge.f32 v57, $5.000000000e-01;
	v38 =	vmul.f32 v60, v38  }
0x31f: {  	vm7 =	vmor vm8, vm7;
	vm8 =	vge.f32 v59, $5.000000000e-01  }
0x320: {  	vm7 =	vmor vm8, vm7;
	vm8 =	vge.f32 v38, $5.000000000e-01  }
0x321: {  	vm7 =	vmor vm8, vm7  }
0x322: {  	s8 =	sadd.s32 $0x1, s8;
	s0 =	rddreg [dreg:$0x13];
	v61 =	vsel vm7, $0xFF800000, v58  }
0x323: {  	s1 =	scvt.s32.f32 s7;
	p0 =	slt.s32 s8, s0;
	vm7 =	vgt.f32 v61, v15  }
.Ltmp11:
0x324: {  	vm8 =	vgt.f32 v61, v40;
	vm7 =	vmneg vm7;
	(pc) =	sbr.rel @p0 .LBB2_15-.Ltmp11, $4  }
0x325: {  	v62 =	vadd.f32 s1, v2;
	vm8 =	vmand vm7, vm8  }
0x326: {  	v63 =	vsel vm8, v61, v40  }
0x327: {  	s3 =	sadd.s32 $0x10, s3;
	s4 =	sadd.s32 $0x10, s4;
	s2 =	sadd.s32 $0x10, s2;
	[tilespmem:v5+s6+$0x0 ss:$0x1] =	vst.idx.msk $0xffff, v61;
	v39 =	vsel vm8, v62, v39;
	v40 =	vsel vm7, v63, v15  }
0x328: {  	s5 =	sadd.s32 $0x10, s5;
	s7 =	sadd.s32 $0x10, s7;
	s6 =	sadd.s32 $0x10, s6;
	v39 =	vsel vm7, v39, v37;
	v15 =	vsel vm7, v15, v61;
	v37 =	vsel vm7, v37, v62  }
.Ltmp12:
0x329: {  	_ = 	snop;
	(pc) =	sbr.rel .LBB2_16-.Ltmp12, $1  }
0x32a: {  	_ =	sdelay $0x3  }
.LBB2_18:
0x32b: {  	_ =	sfence.sel $0x180000  }
0x32c: {  	[bflag:$0x0] =	sbarrier.arrive $0xFFFF  }
0x32d: {  	_ =	strace $0x90000047  }
0x32e: {  	s0 =	stileid.u32;
	[bflag:$0x2] =	sbarrier.arrive $0xFFFF  }
0x32f: {  	p0 =	sne.s32 s0, $0x0;
	s0 =	rddreg [dreg:$0x8]  }
0x330: {  	s0 =	sadd.s32 @!p0 $0x100000, s0  }
0x331: {  	[sflag:s0] =	ssyncadd.tile.s32 @!p0 $0x1;
	_ =	shalt  }
.Lfunc_end2:
_tile_overlayer_lowered:
.L_overlay_start_2:
0x332: {  	(tag) =	ssettag $0x2  }
0x333: {  	s0 =	rddreg [dreg:$0x0];
	s2 =	stileid.u32  }
0x334: {  	s1 =	rddreg [dreg:$0x1];
	p0 =	sne.s32 s2, $0x0  }
0x335: {  	s3 =	rddreg [dreg:$0x2];
	[bflag:$0x3] =	sbarrier.arrive $0xFFFF;
	s2 =	simm.s32 @!p0 $0x1C01  }
0x336: {  	[timem:s3], [sflag:s2] =	dma.local @!p0 [hbm:s0], s1  }
0x337: {  	s0 =	simm.s32 @!p0 $0x1  }
0x338: {  	_ =	swait.ge @!p0 [sflag:s0], s1  }
0x339: {  	s1 =	ssub.s32 @!p0 $0x0, s1;
	[sflag:s0] =	ssyncset.done @!p0 $0x0  }
0x33a: {  	[sflag:s0] =	ssyncadd.s32 @!p0 s1  }
0x33b: {  	[bflag:$0x3] =	sbarrier.arrive $0xFFFF  }
0x33c: {  	_ =	shalt  }

</sc_bundles>
